<compile_context>
chip_gen: v7x
topology: tpu7x:2x2x1
jax: 0.10.2.dev20260603
libtpu: 0.0.44.dev20260713+nightly
codegen_flags: <defaults>
</compile_context>

<pallas_src>
import functools

import jax
import jax.numpy as jnp
from jax import lax
from jax.experimental import pallas as pl
from jax.experimental.pallas import tpu as pltpu
from jax.experimental.pallas import tpu_sc as plsc

N = 10000
D = 128
E = 320000
NC = 2
NS = 16
NW = NC * NS
EPW = E // NW
CHUNK = 80
NCHUNK = 128
EPWP = NCHUNK * CHUNK
NP = 10240
RPS = NP // NS
EPWPX = EPWP + CHUNK
BLK = 1000


def _zero_table(zrow_hbm, rows_v, agg_sh, r0):
  pltpu.sync_copy(zrow_hbm, rows_v)
  for t in range(RPS // CHUNK):
    pltpu.sync_copy(rows_v, agg_sh.at[pl.ds(r0 + t * CHUNK, CHUNK)])


def _copy_out(agg_sh, rows_v, agg_out, cid, r0):
  for t in range(RPS // CHUNK):
    pltpu.sync_copy(agg_sh.at[pl.ds(r0 + t * CHUNK, CHUNK)], rows_v)
    pltpu.sync_copy(rows_v, agg_out.at[pl.ds(cid * NP + r0 + t * CHUNK, CHUNK)])


_seg_mesh = plsc.VectorSubcoreMesh(core_axis_name="c", subcore_axis_name="s")


@functools.partial(
    pl.kernel, mesh=_seg_mesh,
    out_type=jax.ShapeDtypeStruct((NC * NP, D), jnp.float32),
    scratch_types=[
        pltpu.VMEM((CHUNK,), jnp.int32),
        pltpu.VMEM((CHUNK,), jnp.int32),
        pltpu.VMEM((CHUNK,), jnp.int32),
        pltpu.VMEM((CHUNK,), jnp.int32),
        pltpu.VMEM((CHUNK, D), jnp.float32),
        pltpu.VMEM((CHUNK, D), jnp.float32),
        pltpu.VMEM_SHARED((NP, D), jnp.float32),
        pltpu.SemaphoreType.DMA,
        pltpu.SemaphoreType.DMA,
    ])
def _seg(z_hbm, src_hbm, dst_hbm, zrow_hbm, agg_out,
         src_a, dst_a, src_b, dst_b, rows_a, rows_b, agg_sh, sem_a, sem_b):
  cid = lax.axis_index("c")
  sid = lax.axis_index("s")
  wid = sid * NC + cid
  r0 = sid * RPS
  _zero_table(zrow_hbm, rows_a, agg_sh, r0)
  plsc.subcore_barrier()

  ebase = wid * EPWPX
  pltpu.sync_copy(src_hbm.at[pl.ds(ebase, CHUNK)], src_a)
  pltpu.sync_copy(dst_hbm.at[pl.ds(ebase, CHUNK)], dst_a)
  pltpu.async_copy(z_hbm.at[src_a], rows_a, sem_a)

  def step(j, carry):
    c1 = 2 * j + 1
    c2 = 2 * j + 2
    pltpu.sync_copy(src_hbm.at[pl.ds(ebase + c1 * CHUNK, CHUNK)], src_b)
    pltpu.sync_copy(dst_hbm.at[pl.ds(ebase + c1 * CHUNK, CHUNK)], dst_b)
    pltpu.async_copy(z_hbm.at[src_b], rows_b, sem_b)
    pltpu.make_async_copy(z_hbm.at[src_a], rows_a, sem_a).wait()
    pltpu.sync_copy(rows_a, agg_sh.at[dst_a], add=True)
    pltpu.sync_copy(src_hbm.at[pl.ds(ebase + c2 * CHUNK, CHUNK)], src_a)
    pltpu.sync_copy(dst_hbm.at[pl.ds(ebase + c2 * CHUNK, CHUNK)], dst_a)
    pltpu.async_copy(z_hbm.at[src_a], rows_a, sem_a)
    pltpu.make_async_copy(z_hbm.at[src_b], rows_b, sem_b).wait()
    pltpu.sync_copy(rows_b, agg_sh.at[dst_b], add=True)
    return carry

  lax.fori_loop(0, NCHUNK // 2, step, 0)
  pltpu.make_async_copy(z_hbm.at[src_a], rows_a, sem_a).wait()
  plsc.subcore_barrier()
  _copy_out(agg_sh, rows_a, agg_out, cid, r0)


@functools.partial(
    pl.kernel, mesh=_seg_mesh,
    out_type=jax.ShapeDtypeStruct((NC * NP, D), jnp.float32),
    scratch_types=[
        pltpu.VMEM((CHUNK,), jnp.int32),
        pltpu.VMEM((CHUNK,), jnp.int32),
        pltpu.VMEM((CHUNK, D), jnp.float32),
        pltpu.VMEM_SHARED((NP, D), jnp.float32),
        pltpu.SemaphoreType.DMA,
    ])
def _cntk(ones_hbm, src_hbm, dst_hbm, zrow_hbm, cnt_out,
          dst_a, dst_b, rows_v, cnt_sh, sem):
  del src_hbm
  cid = lax.axis_index("c")
  sid = lax.axis_index("s")
  wid = sid * NC + cid
  r0 = sid * RPS
  _zero_table(zrow_hbm, rows_v, cnt_sh, r0)
  pltpu.sync_copy(ones_hbm, rows_v)
  plsc.subcore_barrier()

  ebase = wid * EPWPX
  pltpu.sync_copy(dst_hbm.at[pl.ds(ebase, CHUNK)], dst_a)

  def step(j, carry):
    c1 = 2 * j + 1
    c2 = 2 * j + 2
    pltpu.sync_copy(dst_hbm.at[pl.ds(ebase + c1 * CHUNK, CHUNK)], dst_b)
    pltpu.sync_copy(rows_v, cnt_sh.at[dst_a], add=True)
    pltpu.sync_copy(dst_hbm.at[pl.ds(ebase + c2 * CHUNK, CHUNK)], dst_a)
    pltpu.sync_copy(rows_v, cnt_sh.at[dst_b], add=True)
    return carry

  lax.fori_loop(0, NCHUNK // 2, step, 0)
  plsc.subcore_barrier()
  _copy_out(cnt_sh, rows_v, cnt_out, cid, r0)


def _lin2_body(x_ref, wl_ref, wr_ref, b_ref, z_ref, r_ref):
  x = x_ref[...]
  dn = (((1,), (1,)), ((), ()))
  z_ref[...] = lax.dot_general(x, wl_ref[...], dn,
                               preferred_element_type=jnp.float32)
  r_ref[...] = lax.dot_general(x, wr_ref[...], dn,
                               preferred_element_type=jnp.float32) + b_ref[...]


_lin2 = pl.pallas_call(
    _lin2_body,
    grid=(N // BLK,),
    in_specs=[
        pl.BlockSpec((BLK, D), lambda i: (i, 0)),
        pl.BlockSpec((D, D), lambda i: (0, 0)),
        pl.BlockSpec((D, D), lambda i: (0, 0)),
        pl.BlockSpec((1, D), lambda i: (0, 0)),
    ],
    out_specs=[pl.BlockSpec((BLK, D), lambda i: (i, 0)),
               pl.BlockSpec((BLK, D), lambda i: (i, 0))],
    out_shape=[jax.ShapeDtypeStruct((N, D), jnp.float32)] * 2,
)


def _mean_of(aggp, cntp, res):
  agg = aggp[0] + aggp[1]
  cnt = cntp[0, :, 0:1] + cntp[1, :, 0:1]
  return agg / jnp.clip(cnt, 1.0, None) + res


def _mid_body(aggp_ref, cntp_ref, r1_ref, wl_ref, wr_ref, b_ref, z_ref, r_ref):
  h = jnp.maximum(_mean_of(aggp_ref[...], cntp_ref[...], r1_ref[...]), 0.0)
  dn = (((1,), (1,)), ((), ()))
  z_ref[...] = lax.dot_general(h, wl_ref[...], dn,
                               preferred_element_type=jnp.float32)
  r_ref[...] = lax.dot_general(h, wr_ref[...], dn,
                               preferred_element_type=jnp.float32) + b_ref[...]


_mid = pl.pallas_call(
    _mid_body,
    grid=(N // BLK,),
    in_specs=[
        pl.BlockSpec((NC, BLK, D), lambda i: (0, i, 0)),
        pl.BlockSpec((NC, BLK, D), lambda i: (0, i, 0)),
        pl.BlockSpec((BLK, D), lambda i: (i, 0)),
        pl.BlockSpec((D, D), lambda i: (0, 0)),
        pl.BlockSpec((D, D), lambda i: (0, 0)),
        pl.BlockSpec((1, D), lambda i: (0, 0)),
    ],
    out_specs=[pl.BlockSpec((BLK, D), lambda i: (i, 0)),
               pl.BlockSpec((BLK, D), lambda i: (i, 0))],
    out_shape=[jax.ShapeDtypeStruct((N, D), jnp.float32)] * 2,
)


def _fin_body(aggp_ref, cntp_ref, r2_ref, o_ref):
  a = _mean_of(aggp_ref[...], cntp_ref[...], r2_ref[...])
  m = jnp.max(a, axis=1, keepdims=True)
  lse = jnp.log(jnp.sum(jnp.exp(a - m), axis=1, keepdims=True)) + m
  o_ref[...] = a - lse


_fin = pl.pallas_call(
    _fin_body,
    grid=(N // BLK,),
    in_specs=[
        pl.BlockSpec((NC, BLK, D), lambda i: (0, i, 0)),
        pl.BlockSpec((NC, BLK, D), lambda i: (0, i, 0)),
        pl.BlockSpec((BLK, D), lambda i: (i, 0)),
    ],
    out_specs=pl.BlockSpec((BLK, D), lambda i: (i, 0)),
    out_shape=jax.ShapeDtypeStruct((N, D), jnp.float32),
)


def kernel(x, edge_index, W1l, b1l, W1r, W2l, b2l, W2r):
  ei = edge_index.astype(jnp.int32)
  pad = jnp.zeros((NW, EPWPX - EPW), jnp.int32)
  src = jnp.concatenate([ei[0].reshape(NW, EPW), pad], axis=1).reshape(-1)
  dst = jnp.concatenate([ei[1].reshape(NW, EPW), pad + N], axis=1).reshape(-1)
  zrow = jnp.zeros((CHUNK, D), jnp.float32)
  onesw = jnp.ones((CHUNK, D), jnp.float32)

  cntp = _cntk(onesw, src, dst, zrow).reshape(NC, NP, D)
  z1, r1 = _lin2(x, W1l, W1r, b1l.reshape(1, D))
  aggp1 = _seg(z1, src, dst, zrow).reshape(NC, NP, D)
  z2, r2 = _mid(aggp1, cntp, r1, W2l, W2r, b2l.reshape(1, D))
  aggp2 = _seg(z2, src, dst, zrow).reshape(NC, NP, D)
  return _fin(aggp2, cntp, r2)

# --- scband reference (transcript-rebuilt; emitter-appended) ---
"""Pipeline reference for scband-sage-20117626814731 (READ-ONLY COPY).

The authoritative reference and input builder live on the scoring server;
editing this copy changes nothing except your own understanding.
"""

import jax, jax.numpy as jnp
import numpy as np

N_NODES = 10000
N_EDGES = 320000
D_IN = 128
D_HID = 128
D_OUT = 128


def setup_inputs(seed: int = 0) -> dict:
    key = jax.random.key(seed)
    ks = jax.random.split(key, 8)
    x = jax.random.normal(ks[0], (N_NODES, D_IN), dtype=jnp.float32)
    edge_index = jax.random.randint(ks[1], (2, N_EDGES), 0, N_NODES, dtype=jnp.int64)
    s1 = 1.0 / np.sqrt(D_IN)
    s2 = 1.0 / np.sqrt(D_HID)
    W1l = jax.random.uniform(ks[2], (D_HID, D_IN), dtype=jnp.float32, minval=-s1, maxval=s1)
    b1l = jnp.zeros((D_HID,), dtype=jnp.float32)
    W1r = jax.random.uniform(ks[3], (D_HID, D_IN), dtype=jnp.float32, minval=-s1, maxval=s1)
    W2l = jax.random.uniform(ks[4], (D_OUT, D_HID), dtype=jnp.float32, minval=-s2, maxval=s2)
    b2l = jnp.zeros((D_OUT,), dtype=jnp.float32)
    W2r = jax.random.uniform(ks[5], (D_OUT, D_HID), dtype=jnp.float32, minval=-s2, maxval=s2)
    return {"x": x, "edge_index": edge_index, "W1l": W1l, "b1l": b1l, "W1r": W1r,
            "W2l": W2l, "b2l": b2l, "W2r": W2r}


def _sage_conv(x, src, dst, Wl, bl, Wr):
    # mean aggregation of source-node features onto destination nodes
    msg = jnp.take(x, src, axis=0)                       # gather [E, d]
    agg = jax.ops.segment_sum(msg, dst, num_segments=N_NODES)   # scatter-add
    cnt = jax.ops.segment_sum(jnp.ones((src.shape[0],), dtype=x.dtype), dst,
                              num_segments=N_NODES)
    mean = agg / jnp.clip(cnt, 1.0, None)[:, None]
    # PyG SAGEConv: lin_l(aggr) + lin_r(x_root); lin_l carries the bias
    return mean @ Wl.T + bl + x @ Wr.T


def reference(x, edge_index, W1l, b1l, W1r, W2l, b2l, W2r):
    src = edge_index[0]
    dst = edge_index[1]
    h = _sage_conv(x, src, dst, W1l, b1l, W1r)
    h = jax.nn.relu(h)
    h = _sage_conv(h, src, dst, W2l, b2l, W2r)
    return jax.nn.log_softmax(h, axis=-1)

if __name__ == "__main__":
    import jax
    _d = setup_inputs()
    print(jax.jit(kernel)(*tuple(_d.values())))

</pallas_src>

<mosaic_0001>
#map = affine_map<(d0, d1) -> (0, 0)>
#map1 = affine_map<(d0, d1) -> (0)>
module attributes {stable_mosaic.version = 14 : i64} {
  func.func @_seg(%arg0: i32, %arg1: i32, %arg2: memref<10000x128xf32, #tpu.memory_space<hbm>>, %arg3: memref<330240xi32, #tpu.memory_space<hbm>>, %arg4: memref<330240xi32, #tpu.memory_space<hbm>>, %arg5: memref<80x128xf32, #tpu.memory_space<hbm>>, %arg6: memref<20480x128xf32, #tpu.memory_space<hbm>>, %arg7: memref<80xi32, #tpu.memory_space<vmem>>, %arg8: memref<80xi32, #tpu.memory_space<vmem>>, %arg9: memref<80xi32, #tpu.memory_space<vmem>>, %arg10: memref<80xi32, #tpu.memory_space<vmem>>, %arg11: memref<80x128xf32, #tpu.memory_space<vmem>>, %arg12: memref<80x128xf32, #tpu.memory_space<vmem>>, %arg13: memref<10240x128xf32, #tpu.memory_space<vmem_shared>>, %arg14: memref<!tpu.dma_semaphore, #tpu.memory_space<semaphore_mem>>, %arg15: memref<!tpu.dma_semaphore, #tpu.memory_space<semaphore_mem>>) attributes {dimension_semantics = [#tpu.dimension_semantics<core_parallel>, #tpu.dimension_semantics<subcore_parallel>], iteration_bounds = array<i64: 2, 16>, scalar_prefetch = 0 : i64, scratch_operands = 9 : i64, tpu.core_type = #tpu.core_type<sc_vector_subcore>, window_params = [{transform_indices = #map}, {transform_indices = #map1}, {transform_indices = #map1}, {transform_indices = #map}, {transform_indices = #map}]} {
    %mul3A = arith.constant 2 : i32
    %mul3A_0 = arith.muli %arg1, %mul3A : i32
    %add3A = arith.addi %mul3A_0, %arg0 : i32
    %mul3A_1 = arith.constant 640 : i32
    %mul3A_2 = arith.muli %arg1, %mul3A_1 : i32
    "tpu.region"() ({
      %run_scoped3A = tpu.sem_alloc : memref<!tpu.dma_semaphore, #tpu.memory_space<semaphore_mem>>
      tpu.enqueue_dma source(%arg5 : memref<80x128xf32, #tpu.memory_space<hbm>>) target(%arg11 : memref<80x128xf32, #tpu.memory_space<vmem>>) target_semaphore(%run_scoped3A : memref<!tpu.dma_semaphore, #tpu.memory_space<semaphore_mem>>)
      tpu.wait_dma2 semaphore(%run_scoped3A : memref<!tpu.dma_semaphore, #tpu.memory_space<semaphore_mem>>) src(%arg5 : memref<80x128xf32, #tpu.memory_space<hbm>>) dst(%arg11 : memref<80x128xf32, #tpu.memory_space<vmem>>)
      tpu.yield
    }) : () -> ()
    %add3A_3 = arith.constant 0 : i32
    %add3A_4 = arith.addi %mul3A_2, %add3A_3 : i32
    "tpu.region"() ({
      %run_scoped3A = tpu.sem_alloc : memref<!tpu.dma_semaphore, #tpu.memory_space<semaphore_mem>>
      %dma_start3A_87 = arith.constant 0 : i32
      %dma_start3A_88 = tpu.memref_slice %arg13[%add3A_4, %dma_start3A_87] : memref<10240x128xf32, #tpu.memory_space<vmem_shared>> -> memref<80x128xf32, #tpu.memory_space<vmem_shared>>
      %dma_start3A_89 = arith.constant 0 : i32
      %dma_start3A_90 = tpu.memref_slice %arg13[%add3A_4, %dma_start3A_89] : memref<10240x128xf32, #tpu.memory_space<vmem_shared>> -> memref<80x128xf32, #tpu.memory_space<vmem_shared>>
      tpu.enqueue_dma source(%arg11 : memref<80x128xf32, #tpu.memory_space<vmem>>) target(%dma_start3A_90 : memref<80x128xf32, #tpu.memory_space<vmem_shared>>) target_semaphore(%run_scoped3A : memref<!tpu.dma_semaphore, #tpu.memory_space<semaphore_mem>>)
      %dma_wait3A_91 = arith.constant 0 : i32
      %dma_wait3A_92 = tpu.memref_slice %arg13[%add3A_4, %dma_wait3A_91] : memref<10240x128xf32, #tpu.memory_space<vmem_shared>> -> memref<80x128xf32, #tpu.memory_space<vmem_shared>>
      %dma_wait3A_93 = arith.constant 0 : i32
      %dma_wait3A_94 = tpu.memref_slice %arg13[%add3A_4, %dma_wait3A_93] : memref<10240x128xf32, #tpu.memory_space<vmem_shared>> -> memref<80x128xf32, #tpu.memory_space<vmem_shared>>
      tpu.wait_dma2 semaphore(%run_scoped3A : memref<!tpu.dma_semaphore, #tpu.memory_space<semaphore_mem>>) src(%arg11 : memref<80x128xf32, #tpu.memory_space<vmem>>) dst(%dma_wait3A_94 : memref<80x128xf32, #tpu.memory_space<vmem_shared>>)
      tpu.yield
    }) : () -> ()
    %add3A_5 = arith.constant 80 : i32
    %add3A_6 = arith.addi %mul3A_2, %add3A_5 : i32
    "tpu.region"() ({
      %run_scoped3A = tpu.sem_alloc : memref<!tpu.dma_semaphore, #tpu.memory_space<semaphore_mem>>
      %dma_start3A_87 = arith.constant 0 : i32
      %dma_start3A_88 = tpu.memref_slice %arg13[%add3A_6, %dma_start3A_87] : memref<10240x128xf32, #tpu.memory_space<vmem_shared>> -> memref<80x128xf32, #tpu.memory_space<vmem_shared>>
      %dma_start3A_89 = arith.constant 0 : i32
      %dma_start3A_90 = tpu.memref_slice %arg13[%add3A_6, %dma_start3A_89] : memref<10240x128xf32, #tpu.memory_space<vmem_shared>> -> memref<80x128xf32, #tpu.memory_space<vmem_shared>>
      tpu.enqueue_dma source(%arg11 : memref<80x128xf32, #tpu.memory_space<vmem>>) target(%dma_start3A_90 : memref<80x128xf32, #tpu.memory_space<vmem_shared>>) target_semaphore(%run_scoped3A : memref<!tpu.dma_semaphore, #tpu.memory_space<semaphore_mem>>)
      %dma_wait3A_91 = arith.constant 0 : i32
      %dma_wait3A_92 = tpu.memref_slice %arg13[%add3A_6, %dma_wait3A_91] : memref<10240x128xf32, #tpu.memory_space<vmem_shared>> -> memref<80x128xf32, #tpu.memory_space<vmem_shared>>
      %dma_wait3A_93 = arith.constant 0 : i32
      %dma_wait3A_94 = tpu.memref_slice %arg13[%add3A_6, %dma_wait3A_93] : memref<10240x128xf32, #tpu.memory_space<vmem_shared>> -> memref<80x128xf32, #tpu.memory_space<vmem_shared>>
      tpu.wait_dma2 semaphore(%run_scoped3A : memref<!tpu.dma_semaphore, #tpu.memory_space<semaphore_mem>>) src(%arg11 : memref<80x128xf32, #tpu.memory_space<vmem>>) dst(%dma_wait3A_94 : memref<80x128xf32, #tpu.memory_space<vmem_shared>>)
      tpu.yield
    }) : () -> ()
    %add3A_7 = arith.constant 160 : i32
    %add3A_8 = arith.addi %mul3A_2, %add3A_7 : i32
    "tpu.region"() ({
      %run_scoped3A = tpu.sem_alloc : memref<!tpu.dma_semaphore, #tpu.memory_space<semaphore_mem>>
      %dma_start3A_87 = arith.constant 0 : i32
      %dma_start3A_88 = tpu.memref_slice %arg13[%add3A_8, %dma_start3A_87] : memref<10240x128xf32, #tpu.memory_space<vmem_shared>> -> memref<80x128xf32, #tpu.memory_space<vmem_shared>>
      %dma_start3A_89 = arith.constant 0 : i32
      %dma_start3A_90 = tpu.memref_slice %arg13[%add3A_8, %dma_start3A_89] : memref<10240x128xf32, #tpu.memory_space<vmem_shared>> -> memref<80x128xf32, #tpu.memory_space<vmem_shared>>
      tpu.enqueue_dma source(%arg11 : memref<80x128xf32, #tpu.memory_space<vmem>>) target(%dma_start3A_90 : memref<80x128xf32, #tpu.memory_space<vmem_shared>>) target_semaphore(%run_scoped3A : memref<!tpu.dma_semaphore, #tpu.memory_space<semaphore_mem>>)
      %dma_wait3A_91 = arith.constant 0 : i32
      %dma_wait3A_92 = tpu.memref_slice %arg13[%add3A_8, %dma_wait3A_91] : memref<10240x128xf32, #tpu.memory_space<vmem_shared>> -> memref<80x128xf32, #tpu.memory_space<vmem_shared>>
      %dma_wait3A_93 = arith.constant 0 : i32
      %dma_wait3A_94 = tpu.memref_slice %arg13[%add3A_8, %dma_wait3A_93] : memref<10240x128xf32, #tpu.memory_space<vmem_shared>> -> memref<80x128xf32, #tpu.memory_space<vmem_shared>>
      tpu.wait_dma2 semaphore(%run_scoped3A : memref<!tpu.dma_semaphore, #tpu.memory_space<semaphore_mem>>) src(%arg11 : memref<80x128xf32, #tpu.memory_space<vmem>>) dst(%dma_wait3A_94 : memref<80x128xf32, #tpu.memory_space<vmem_shared>>)
      tpu.yield
    }) : () -> ()
    %add3A_9 = arith.constant 240 : i32
    %add3A_10 = arith.addi %mul3A_2, %add3A_9 : i32
    "tpu.region"() ({
      %run_scoped3A = tpu.sem_alloc : memref<!tpu.dma_semaphore, #tpu.memory_space<semaphore_mem>>
      %dma_start3A_87 = arith.constant 0 : i32
      %dma_start3A_88 = tpu.memref_slice %arg13[%add3A_10, %dma_start3A_87] : memref<10240x128xf32, #tpu.memory_space<vmem_shared>> -> memref<80x128xf32, #tpu.memory_space<vmem_shared>>
      %dma_start3A_89 = arith.constant 0 : i32
      %dma_start3A_90 = tpu.memref_slice %arg13[%add3A_10, %dma_start3A_89] : memref<10240x128xf32, #tpu.memory_space<vmem_shared>> -> memref<80x128xf32, #tpu.memory_space<vmem_shared>>
      tpu.enqueue_dma source(%arg11 : memref<80x128xf32, #tpu.memory_space<vmem>>) target(%dma_start3A_90 : memref<80x128xf32, #tpu.memory_space<vmem_shared>>) target_semaphore(%run_scoped3A : memref<!tpu.dma_semaphore, #tpu.memory_space<semaphore_mem>>)
      %dma_wait3A_91 = arith.constant 0 : i32
      %dma_wait3A_92 = tpu.memref_slice %arg13[%add3A_10, %dma_wait3A_91] : memref<10240x128xf32, #tpu.memory_space<vmem_shared>> -> memref<80x128xf32, #tpu.memory_space<vmem_shared>>
      %dma_wait3A_93 = arith.constant 0 : i32
      %dma_wait3A_94 = tpu.memref_slice %arg13[%add3A_10, %dma_wait3A_93] : memref<10240x128xf32, #tpu.memory_space<vmem_shared>> -> memref<80x128xf32, #tpu.memory_space<vmem_shared>>
      tpu.wait_dma2 semaphore(%run_scoped3A : memref<!tpu.dma_semaphore, #tpu.memory_space<semaphore_mem>>) src(%arg11 : memref<80x128xf32, #tpu.memory_space<vmem>>) dst(%dma_wait3A_94 : memref<80x128xf32, #tpu.memory_space<vmem_shared>>)
      tpu.yield
    }) : () -> ()
    %add3A_11 = arith.constant 320 : i32
    %add3A_12 = arith.addi %mul3A_2, %add3A_11 : i32
    "tpu.region"() ({
      %run_scoped3A = tpu.sem_alloc : memref<!tpu.dma_semaphore, #tpu.memory_space<semaphore_mem>>
      %dma_start3A_87 = arith.constant 0 : i32
      %dma_start3A_88 = tpu.memref_slice %arg13[%add3A_12, %dma_start3A_87] : memref<10240x128xf32, #tpu.memory_space<vmem_shared>> -> memref<80x128xf32, #tpu.memory_space<vmem_shared>>
      %dma_start3A_89 = arith.constant 0 : i32
      %dma_start3A_90 = tpu.memref_slice %arg13[%add3A_12, %dma_start3A_89] : memref<10240x128xf32, #tpu.memory_space<vmem_shared>> -> memref<80x128xf32, #tpu.memory_space<vmem_shared>>
      tpu.enqueue_dma source(%arg11 : memref<80x128xf32, #tpu.memory_space<vmem>>) target(%dma_start3A_90 : memref<80x128xf32, #tpu.memory_space<vmem_shared>>) target_semaphore(%run_scoped3A : memref<!tpu.dma_semaphore, #tpu.memory_space<semaphore_mem>>)
      %dma_wait3A_91 = arith.constant 0 : i32
      %dma_wait3A_92 = tpu.memref_slice %arg13[%add3A_12, %dma_wait3A_91] : memref<10240x128xf32, #tpu.memory_space<vmem_shared>> -> memref<80x128xf32, #tpu.memory_space<vmem_shared>>
      %dma_wait3A_93 = arith.constant 0 : i32
      %dma_wait3A_94 = tpu.memref_slice %arg13[%add3A_12, %dma_wait3A_93] : memref<10240x128xf32, #tpu.memory_space<vmem_shared>> -> memref<80x128xf32, #tpu.memory_space<vmem_shared>>
      tpu.wait_dma2 semaphore(%run_scoped3A : memref<!tpu.dma_semaphore, #tpu.memory_space<semaphore_mem>>) src(%arg11 : memref<80x128xf32, #tpu.memory_space<vmem>>) dst(%dma_wait3A_94 : memref<80x128xf32, #tpu.memory_space<vmem_shared>>)
      tpu.yield
    }) : () -> ()
    %add3A_13 = arith.constant 400 : i32
    %add3A_14 = arith.addi %mul3A_2, %add3A_13 : i32
    "tpu.region"() ({
      %run_scoped3A = tpu.sem_alloc : memref<!tpu.dma_semaphore, #tpu.memory_space<semaphore_mem>>
      %dma_start3A_87 = arith.constant 0 : i32
      %dma_start3A_88 = tpu.memref_slice %arg13[%add3A_14, %dma_start3A_87] : memref<10240x128xf32, #tpu.memory_space<vmem_shared>> -> memref<80x128xf32, #tpu.memory_space<vmem_shared>>
      %dma_start3A_89 = arith.constant 0 : i32
      %dma_start3A_90 = tpu.memref_slice %arg13[%add3A_14, %dma_start3A_89] : memref<10240x128xf32, #tpu.memory_space<vmem_shared>> -> memref<80x128xf32, #tpu.memory_space<vmem_shared>>
      tpu.enqueue_dma source(%arg11 : memref<80x128xf32, #tpu.memory_space<vmem>>) target(%dma_start3A_90 : memref<80x128xf32, #tpu.memory_space<vmem_shared>>) target_semaphore(%run_scoped3A : memref<!tpu.dma_semaphore, #tpu.memory_space<semaphore_mem>>)
      %dma_wait3A_91 = arith.constant 0 : i32
      %dma_wait3A_92 = tpu.memref_slice %arg13[%add3A_14, %dma_wait3A_91] : memref<10240x128xf32, #tpu.memory_space<vmem_shared>> -> memref<80x128xf32, #tpu.memory_space<vmem_shared>>
      %dma_wait3A_93 = arith.constant 0 : i32
      %dma_wait3A_94 = tpu.memref_slice %arg13[%add3A_14, %dma_wait3A_93] : memref<10240x128xf32, #tpu.memory_space<vmem_shared>> -> memref<80x128xf32, #tpu.memory_space<vmem_shared>>
      tpu.wait_dma2 semaphore(%run_scoped3A : memref<!tpu.dma_semaphore, #tpu.memory_space<semaphore_mem>>) src(%arg11 : memref<80x128xf32, #tpu.memory_space<vmem>>) dst(%dma_wait3A_94 : memref<80x128xf32, #tpu.memory_space<vmem_shared>>)
      tpu.yield
    }) : () -> ()
    %add3A_15 = arith.constant 480 : i32
    %add3A_16 = arith.addi %mul3A_2, %add3A_15 : i32
    "tpu.region"() ({
      %run_scoped3A = tpu.sem_alloc : memref<!tpu.dma_semaphore, #tpu.memory_space<semaphore_mem>>
      %dma_start3A_87 = arith.constant 0 : i32
      %dma_start3A_88 = tpu.memref_slice %arg13[%add3A_16, %dma_start3A_87] : memref<10240x128xf32, #tpu.memory_space<vmem_shared>> -> memref<80x128xf32, #tpu.memory_space<vmem_shared>>
      %dma_start3A_89 = arith.constant 0 : i32
      %dma_start3A_90 = tpu.memref_slice %arg13[%add3A_16, %dma_start3A_89] : memref<10240x128xf32, #tpu.memory_space<vmem_shared>> -> memref<80x128xf32, #tpu.memory_space<vmem_shared>>
      tpu.enqueue_dma source(%arg11 : memref<80x128xf32, #tpu.memory_space<vmem>>) target(%dma_start3A_90 : memref<80x128xf32, #tpu.memory_space<vmem_shared>>) target_semaphore(%run_scoped3A : memref<!tpu.dma_semaphore, #tpu.memory_space<semaphore_mem>>)
      %dma_wait3A_91 = arith.constant 0 : i32
      %dma_wait3A_92 = tpu.memref_slice %arg13[%add3A_16, %dma_wait3A_91] : memref<10240x128xf32, #tpu.memory_space<vmem_shared>> -> memref<80x128xf32, #tpu.memory_space<vmem_shared>>
      %dma_wait3A_93 = arith.constant 0 : i32
      %dma_wait3A_94 = tpu.memref_slice %arg13[%add3A_16, %dma_wait3A_93] : memref<10240x128xf32, #tpu.memory_space<vmem_shared>> -> memref<80x128xf32, #tpu.memory_space<vmem_shared>>
      tpu.wait_dma2 semaphore(%run_scoped3A : memref<!tpu.dma_semaphore, #tpu.memory_space<semaphore_mem>>) src(%arg11 : memref<80x128xf32, #tpu.memory_space<vmem>>) dst(%dma_wait3A_94 : memref<80x128xf32, #tpu.memory_space<vmem_shared>>)
      tpu.yield
    }) : () -> ()
    %add3A_17 = arith.constant 560 : i32
    %add3A_18 = arith.addi %mul3A_2, %add3A_17 : i32
    "tpu.region"() ({
      %run_scoped3A = tpu.sem_alloc : memref<!tpu.dma_semaphore, #tpu.memory_space<semaphore_mem>>
      %dma_start3A_87 = arith.constant 0 : i32
      %dma_start3A_88 = tpu.memref_slice %arg13[%add3A_18, %dma_start3A_87] : memref<10240x128xf32, #tpu.memory_space<vmem_shared>> -> memref<80x128xf32, #tpu.memory_space<vmem_shared>>
      %dma_start3A_89 = arith.constant 0 : i32
      %dma_start3A_90 = tpu.memref_slice %arg13[%add3A_18, %dma_start3A_89] : memref<10240x128xf32, #tpu.memory_space<vmem_shared>> -> memref<80x128xf32, #tpu.memory_space<vmem_shared>>
      tpu.enqueue_dma source(%arg11 : memref<80x128xf32, #tpu.memory_space<vmem>>) target(%dma_start3A_90 : memref<80x128xf32, #tpu.memory_space<vmem_shared>>) target_semaphore(%run_scoped3A : memref<!tpu.dma_semaphore, #tpu.memory_space<semaphore_mem>>)
      %dma_wait3A_91 = arith.constant 0 : i32
      %dma_wait3A_92 = tpu.memref_slice %arg13[%add3A_18, %dma_wait3A_91] : memref<10240x128xf32, #tpu.memory_space<vmem_shared>> -> memref<80x128xf32, #tpu.memory_space<vmem_shared>>
      %dma_wait3A_93 = arith.constant 0 : i32
      %dma_wait3A_94 = tpu.memref_slice %arg13[%add3A_18, %dma_wait3A_93] : memref<10240x128xf32, #tpu.memory_space<vmem_shared>> -> memref<80x128xf32, #tpu.memory_space<vmem_shared>>
      tpu.wait_dma2 semaphore(%run_scoped3A : memref<!tpu.dma_semaphore, #tpu.memory_space<semaphore_mem>>) src(%arg11 : memref<80x128xf32, #tpu.memory_space<vmem>>) dst(%dma_wait3A_94 : memref<80x128xf32, #tpu.memory_space<vmem_shared>>)
      tpu.yield
    }) : () -> ()
    %barrier3A = arith.constant 0 : index
    tpu.barrier barrier_id(%barrier3A)
    %mul3A_19 = arith.constant 10320 : i32
    %mul3A_20 = arith.muli %add3A, %mul3A_19 : i32
    "tpu.region"() ({
      %run_scoped3A = tpu.sem_alloc : memref<!tpu.dma_semaphore, #tpu.memory_space<semaphore_mem>>
      %dma_start3A_87 = tpu.memref_slice %arg3[%mul3A_20] : memref<330240xi32, #tpu.memory_space<hbm>> -> memref<80xi32, #tpu.memory_space<hbm>>
      %dma_start3A_88 = tpu.memref_slice %arg3[%mul3A_20] : memref<330240xi32, #tpu.memory_space<hbm>> -> memref<80xi32, #tpu.memory_space<hbm>>
      tpu.enqueue_dma source(%dma_start3A_88 : memref<80xi32, #tpu.memory_space<hbm>>) target(%arg7 : memref<80xi32, #tpu.memory_space<vmem>>) target_semaphore(%run_scoped3A : memref<!tpu.dma_semaphore, #tpu.memory_space<semaphore_mem>>)
      %dma_wait3A_89 = tpu.memref_slice %arg3[%mul3A_20] : memref<330240xi32, #tpu.memory_space<hbm>> -> memref<80xi32, #tpu.memory_space<hbm>>
      %dma_wait3A_90 = tpu.memref_slice %arg3[%mul3A_20] : memref<330240xi32, #tpu.memory_space<hbm>> -> memref<80xi32, #tpu.memory_space<hbm>>
      tpu.wait_dma2 semaphore(%run_scoped3A : memref<!tpu.dma_semaphore, #tpu.memory_space<semaphore_mem>>) src(%dma_wait3A_90 : memref<80xi32, #tpu.memory_space<hbm>>) dst(%arg7 : memref<80xi32, #tpu.memory_space<vmem>>)
      tpu.yield
    }) : () -> ()
    "tpu.region"() ({
      %run_scoped3A = tpu.sem_alloc : memref<!tpu.dma_semaphore, #tpu.memory_space<semaphore_mem>>
      %dma_start3A_87 = tpu.memref_slice %arg4[%mul3A_20] : memref<330240xi32, #tpu.memory_space<hbm>> -> memref<80xi32, #tpu.memory_space<hbm>>
      %dma_start3A_88 = tpu.memref_slice %arg4[%mul3A_20] : memref<330240xi32, #tpu.memory_space<hbm>> -> memref<80xi32, #tpu.memory_space<hbm>>
      tpu.enqueue_dma source(%dma_start3A_88 : memref<80xi32, #tpu.memory_space<hbm>>) target(%arg8 : memref<80xi32, #tpu.memory_space<vmem>>) target_semaphore(%run_scoped3A : memref<!tpu.dma_semaphore, #tpu.memory_space<semaphore_mem>>)
      %dma_wait3A_89 = tpu.memref_slice %arg4[%mul3A_20] : memref<330240xi32, #tpu.memory_space<hbm>> -> memref<80xi32, #tpu.memory_space<hbm>>
      %dma_wait3A_90 = tpu.memref_slice %arg4[%mul3A_20] : memref<330240xi32, #tpu.memory_space<hbm>> -> memref<80xi32, #tpu.memory_space<hbm>>
      tpu.wait_dma2 semaphore(%run_scoped3A : memref<!tpu.dma_semaphore, #tpu.memory_space<semaphore_mem>>) src(%dma_wait3A_90 : memref<80xi32, #tpu.memory_space<hbm>>) dst(%arg8 : memref<80xi32, #tpu.memory_space<vmem>>)
      tpu.yield
    }) : () -> ()
    %dma_start3A = arith.constant 0 : i32
    %dma_start3A_21 = arith.constant 0 : i32
    %dma_start3A_22 = tpu.memref_slice %arg2[%dma_start3A, %dma_start3A_21] : memref<10000x128xf32, #tpu.memory_space<hbm>> -> memref<10000x128xf32, #tpu.memory_space<hbm>>
    tpu.enqueue_indirect_dma source(%dma_start3A_22 : memref<10000x128xf32, #tpu.memory_space<hbm>>) target(%arg11 : memref<80x128xf32, #tpu.memory_space<vmem>>) offsets(%arg7 : memref<80xi32, #tpu.memory_space<vmem>>) semaphore(%arg14 : memref<!tpu.dma_semaphore, #tpu.memory_space<semaphore_mem>>)
    %scan3A = arith.constant 0 : i32
    %scan3A_23 = arith.constant 0 : i32
    %scan3A_24 = arith.constant 64 : i32
    %scan3A_25 = arith.addi %scan3A_23, %scan3A_24 : i32
    %scan3A_26 = arith.constant 1 : i32
    scf.for %scan3A_87 = %scan3A_23 to %scan3A_25 step %scan3A_26  : i32 {
      %mul3A_88 = arith.constant 2 : i32
      %mul3A_89 = arith.muli %mul3A_88, %scan3A_87 : i32
      %add3A_90 = arith.constant 1 : i32
      %add3A_91 = arith.addi %mul3A_89, %add3A_90 : i32
      %mul3A_92 = arith.constant 2 : i32
      %mul3A_93 = arith.muli %mul3A_92, %scan3A_87 : i32
      %add3A_94 = arith.constant 2 : i32
      %add3A_95 = arith.addi %mul3A_93, %add3A_94 : i32
      %mul3A_96 = arith.constant 80 : i32
      %mul3A_97 = arith.muli %add3A_91, %mul3A_96 : i32
      %add3A_98 = arith.addi %mul3A_20, %mul3A_97 : i32
      "tpu.region"() ({
        %run_scoped3A = tpu.sem_alloc : memref<!tpu.dma_semaphore, #tpu.memory_space<semaphore_mem>>
        %dma_start3A_120 = tpu.memref_slice %arg3[%add3A_98] : memref<330240xi32, #tpu.memory_space<hbm>> -> memref<80xi32, #tpu.memory_space<hbm>>
        %dma_start3A_121 = tpu.memref_slice %arg3[%add3A_98] : memref<330240xi32, #tpu.memory_space<hbm>> -> memref<80xi32, #tpu.memory_space<hbm>>
        tpu.enqueue_dma source(%dma_start3A_121 : memref<80xi32, #tpu.memory_space<hbm>>) target(%arg9 : memref<80xi32, #tpu.memory_space<vmem>>) target_semaphore(%run_scoped3A : memref<!tpu.dma_semaphore, #tpu.memory_space<semaphore_mem>>)
        %dma_wait3A_122 = tpu.memref_slice %arg3[%add3A_98] : memref<330240xi32, #tpu.memory_space<hbm>> -> memref<80xi32, #tpu.memory_space<hbm>>
        %dma_wait3A_123 = tpu.memref_slice %arg3[%add3A_98] : memref<330240xi32, #tpu.memory_space<hbm>> -> memref<80xi32, #tpu.memory_space<hbm>>
        tpu.wait_dma2 semaphore(%run_scoped3A : memref<!tpu.dma_semaphore, #tpu.memory_space<semaphore_mem>>) src(%dma_wait3A_123 : memref<80xi32, #tpu.memory_space<hbm>>) dst(%arg9 : memref<80xi32, #tpu.memory_space<vmem>>)
        tpu.yield
      }) : () -> ()
      %mul3A_99 = arith.constant 80 : i32
      %mul3A_100 = arith.muli %add3A_91, %mul3A_99 : i32
      %add3A_101 = arith.addi %mul3A_20, %mul3A_100 : i32
      "tpu.region"() ({
        %run_scoped3A = tpu.sem_alloc : memref<!tpu.dma_semaphore, #tpu.memory_space<semaphore_mem>>
        %dma_start3A_120 = tpu.memref_slice %arg4[%add3A_101] : memref<330240xi32, #tpu.memory_space<hbm>> -> memref<80xi32, #tpu.memory_space<hbm>>
        %dma_start3A_121 = tpu.memref_slice %arg4[%add3A_101] : memref<330240xi32, #tpu.memory_space<hbm>> -> memref<80xi32, #tpu.memory_space<hbm>>
        tpu.enqueue_dma source(%dma_start3A_121 : memref<80xi32, #tpu.memory_space<hbm>>) target(%arg10 : memref<80xi32, #tpu.memory_space<vmem>>) target_semaphore(%run_scoped3A : memref<!tpu.dma_semaphore, #tpu.memory_space<semaphore_mem>>)
        %dma_wait3A_122 = tpu.memref_slice %arg4[%add3A_101] : memref<330240xi32, #tpu.memory_space<hbm>> -> memref<80xi32, #tpu.memory_space<hbm>>
        %dma_wait3A_123 = tpu.memref_slice %arg4[%add3A_101] : memref<330240xi32, #tpu.memory_space<hbm>> -> memref<80xi32, #tpu.memory_space<hbm>>
        tpu.wait_dma2 semaphore(%run_scoped3A : memref<!tpu.dma_semaphore, #tpu.memory_space<semaphore_mem>>) src(%dma_wait3A_123 : memref<80xi32, #tpu.memory_space<hbm>>) dst(%arg10 : memref<80xi32, #tpu.memory_space<vmem>>)
        tpu.yield
      }) : () -> ()
      %dma_start3A_102 = arith.constant 0 : i32
      %dma_start3A_103 = arith.constant 0 : i32
      %dma_start3A_104 = tpu.memref_slice %arg2[%dma_start3A_102, %dma_start3A_103] : memref<10000x128xf32, #tpu.memory_space<hbm>> -> memref<10000x128xf32, #tpu.memory_space<hbm>>
      tpu.enqueue_indirect_dma source(%dma_start3A_104 : memref<10000x128xf32, #tpu.memory_space<hbm>>) target(%arg12 : memref<80x128xf32, #tpu.memory_space<vmem>>) offsets(%arg9 : memref<80xi32, #tpu.memory_space<vmem>>) semaphore(%arg15 : memref<!tpu.dma_semaphore, #tpu.memory_space<semaphore_mem>>)
      %dma_wait3A_105 = arith.constant 0 : i32
      %dma_wait3A_106 = arith.constant 0 : i32
      %dma_wait3A_107 = tpu.memref_slice %arg2[%dma_wait3A_105, %dma_wait3A_106] : memref<10000x128xf32, #tpu.memory_space<hbm>> -> memref<10000x128xf32, #tpu.memory_space<hbm>>
      tpu.wait_indirect_dma semaphore(%arg14 : memref<!tpu.dma_semaphore, #tpu.memory_space<semaphore_mem>>) src(%dma_wait3A_107 : memref<10000x128xf32, #tpu.memory_space<hbm>>) dst(%arg11 : memref<80x128xf32, #tpu.memory_space<vmem>>)
      "tpu.region"() ({
        %run_scoped3A = tpu.sem_alloc : memref<!tpu.dma_semaphore, #tpu.memory_space<semaphore_mem>>
        %dma_start3A_120 = arith.constant 0 : i32
        %dma_start3A_121 = arith.constant 0 : i32
        %dma_start3A_122 = tpu.memref_slice %arg13[%dma_start3A_120, %dma_start3A_121] : memref<10240x128xf32, #tpu.memory_space<vmem_shared>> -> memref<10240x128xf32, #tpu.memory_space<vmem_shared>>
        tpu.enqueue_indirect_dma source(%arg11 : memref<80x128xf32, #tpu.memory_space<vmem>>) target(%dma_start3A_122 : memref<10240x128xf32, #tpu.memory_space<vmem_shared>>) offsets(%arg8 : memref<80xi32, #tpu.memory_space<vmem>>) semaphore(%run_scoped3A : memref<!tpu.dma_semaphore, #tpu.memory_space<semaphore_mem>>) {add = true}
        %dma_wait3A_123 = arith.constant 0 : i32
        %dma_wait3A_124 = arith.constant 0 : i32
        %dma_wait3A_125 = tpu.memref_slice %arg13[%dma_wait3A_123, %dma_wait3A_124] : memref<10240x128xf32, #tpu.memory_space<vmem_shared>> -> memref<10240x128xf32, #tpu.memory_space<vmem_shared>>
        tpu.wait_indirect_dma semaphore(%run_scoped3A : memref<!tpu.dma_semaphore, #tpu.memory_space<semaphore_mem>>) src(%arg11 : memref<80x128xf32, #tpu.memory_space<vmem>>) dst(%dma_wait3A_125 : memref<10240x128xf32, #tpu.memory_space<vmem_shared>>)
        tpu.yield
      }) : () -> ()
      %mul3A_108 = arith.constant 80 : i32
      %mul3A_109 = arith.muli %add3A_95, %mul3A_108 : i32
      %add3A_110 = arith.addi %mul3A_20, %mul3A_109 : i32
      "tpu.region"() ({
        %run_scoped3A = tpu.sem_alloc : memref<!tpu.dma_semaphore, #tpu.memory_space<semaphore_mem>>
        %dma_start3A_120 = tpu.memref_slice %arg3[%add3A_110] : memref<330240xi32, #tpu.memory_space<hbm>> -> memref<80xi32, #tpu.memory_space<hbm>>
        %dma_start3A_121 = tpu.memref_slice %arg3[%add3A_110] : memref<330240xi32, #tpu.memory_space<hbm>> -> memref<80xi32, #tpu.memory_space<hbm>>
        tpu.enqueue_dma source(%dma_start3A_121 : memref<80xi32, #tpu.memory_space<hbm>>) target(%arg7 : memref<80xi32, #tpu.memory_space<vmem>>) target_semaphore(%run_scoped3A : memref<!tpu.dma_semaphore, #tpu.memory_space<semaphore_mem>>)
        %dma_wait3A_122 = tpu.memref_slice %arg3[%add3A_110] : memref<330240xi32, #tpu.memory_space<hbm>> -> memref<80xi32, #tpu.memory_space<hbm>>
        %dma_wait3A_123 = tpu.memref_slice %arg3[%add3A_110] : memref<330240xi32, #tpu.memory_space<hbm>> -> memref<80xi32, #tpu.memory_space<hbm>>
        tpu.wait_dma2 semaphore(%run_scoped3A : memref<!tpu.dma_semaphore, #tpu.memory_space<semaphore_mem>>) src(%dma_wait3A_123 : memref<80xi32, #tpu.memory_space<hbm>>) dst(%arg7 : memref<80xi32, #tpu.memory_space<vmem>>)
        tpu.yield
      }) : () -> ()
      %mul3A_111 = arith.constant 80 : i32
      %mul3A_112 = arith.muli %add3A_95, %mul3A_111 : i32
      %add3A_113 = arith.addi %mul3A_20, %mul3A_112 : i32
      "tpu.region"() ({
        %run_scoped3A = tpu.sem_alloc : memref<!tpu.dma_semaphore, #tpu.memory_space<semaphore_mem>>
        %dma_start3A_120 = tpu.memref_slice %arg4[%add3A_113] : memref<330240xi32, #tpu.memory_space<hbm>> -> memref<80xi32, #tpu.memory_space<hbm>>
        %dma_start3A_121 = tpu.memref_slice %arg4[%add3A_113] : memref<330240xi32, #tpu.memory_space<hbm>> -> memref<80xi32, #tpu.memory_space<hbm>>
        tpu.enqueue_dma source(%dma_start3A_121 : memref<80xi32, #tpu.memory_space<hbm>>) target(%arg8 : memref<80xi32, #tpu.memory_space<vmem>>) target_semaphore(%run_scoped3A : memref<!tpu.dma_semaphore, #tpu.memory_space<semaphore_mem>>)
        %dma_wait3A_122 = tpu.memref_slice %arg4[%add3A_113] : memref<330240xi32, #tpu.memory_space<hbm>> -> memref<80xi32, #tpu.memory_space<hbm>>
        %dma_wait3A_123 = tpu.memref_slice %arg4[%add3A_113] : memref<330240xi32, #tpu.memory_space<hbm>> -> memref<80xi32, #tpu.memory_space<hbm>>
        tpu.wait_dma2 semaphore(%run_scoped3A : memref<!tpu.dma_semaphore, #tpu.memory_space<semaphore_mem>>) src(%dma_wait3A_123 : memref<80xi32, #tpu.memory_space<hbm>>) dst(%arg8 : memref<80xi32, #tpu.memory_space<vmem>>)
        tpu.yield
      }) : () -> ()
      %dma_start3A_114 = arith.constant 0 : i32
      %dma_start3A_115 = arith.constant 0 : i32
      %dma_start3A_116 = tpu.memref_slice %arg2[%dma_start3A_114, %dma_start3A_115] : memref<10000x128xf32, #tpu.memory_space<hbm>> -> memref<10000x128xf32, #tpu.memory_space<hbm>>
      tpu.enqueue_indirect_dma source(%dma_start3A_116 : memref<10000x128xf32, #tpu.memory_space<hbm>>) target(%arg11 : memref<80x128xf32, #tpu.memory_space<vmem>>) offsets(%arg7 : memref<80xi32, #tpu.memory_space<vmem>>) semaphore(%arg14 : memref<!tpu.dma_semaphore, #tpu.memory_space<semaphore_mem>>)
      %dma_wait3A_117 = arith.constant 0 : i32
      %dma_wait3A_118 = arith.constant 0 : i32
      %dma_wait3A_119 = tpu.memref_slice %arg2[%dma_wait3A_117, %dma_wait3A_118] : memref<10000x128xf32, #tpu.memory_space<hbm>> -> memref<10000x128xf32, #tpu.memory_space<hbm>>
      tpu.wait_indirect_dma semaphore(%arg15 : memref<!tpu.dma_semaphore, #tpu.memory_space<semaphore_mem>>) src(%dma_wait3A_119 : memref<10000x128xf32, #tpu.memory_space<hbm>>) dst(%arg12 : memref<80x128xf32, #tpu.memory_space<vmem>>)
      "tpu.region"() ({
        %run_scoped3A = tpu.sem_alloc : memref<!tpu.dma_semaphore, #tpu.memory_space<semaphore_mem>>
        %dma_start3A_120 = arith.constant 0 : i32
        %dma_start3A_121 = arith.constant 0 : i32
        %dma_start3A_122 = tpu.memref_slice %arg13[%dma_start3A_120, %dma_start3A_121] : memref<10240x128xf32, #tpu.memory_space<vmem_shared>> -> memref<10240x128xf32, #tpu.memory_space<vmem_shared>>
        tpu.enqueue_indirect_dma source(%arg12 : memref<80x128xf32, #tpu.memory_space<vmem>>) target(%dma_start3A_122 : memref<10240x128xf32, #tpu.memory_space<vmem_shared>>) offsets(%arg10 : memref<80xi32, #tpu.memory_space<vmem>>) semaphore(%run_scoped3A : memref<!tpu.dma_semaphore, #tpu.memory_space<semaphore_mem>>) {add = true}
        %dma_wait3A_123 = arith.constant 0 : i32
        %dma_wait3A_124 = arith.constant 0 : i32
        %dma_wait3A_125 = tpu.memref_slice %arg13[%dma_wait3A_123, %dma_wait3A_124] : memref<10240x128xf32, #tpu.memory_space<vmem_shared>> -> memref<10240x128xf32, #tpu.memory_space<vmem_shared>>
        tpu.wait_indirect_dma semaphore(%run_scoped3A : memref<!tpu.dma_semaphore, #tpu.memory_space<semaphore_mem>>) src(%arg12 : memref<80x128xf32, #tpu.memory_space<vmem>>) dst(%dma_wait3A_125 : memref<10240x128xf32, #tpu.memory_space<vmem_shared>>)
        tpu.yield
      }) : () -> ()
    }
    %scan3A_27 = arith.constant 64 : i32
    %dma_wait3A = arith.constant 0 : i32
    %dma_wait3A_28 = arith.constant 0 : i32
    %dma_wait3A_29 = tpu.memref_slice %arg2[%dma_wait3A, %dma_wait3A_28] : memref<10000x128xf32, #tpu.memory_space<hbm>> -> memref<10000x128xf32, #tpu.memory_space<hbm>>
    tpu.wait_indirect_dma semaphore(%arg14 : memref<!tpu.dma_semaphore, #tpu.memory_space<semaphore_mem>>) src(%dma_wait3A_29 : memref<10000x128xf32, #tpu.memory_space<hbm>>) dst(%arg11 : memref<80x128xf32, #tpu.memory_space<vmem>>)
    %barrier3A_30 = arith.constant 0 : index
    tpu.barrier barrier_id(%barrier3A_30)
    %add3A_31 = arith.constant 0 : i32
    %add3A_32 = arith.addi %mul3A_2, %add3A_31 : i32
    "tpu.region"() ({
      %run_scoped3A = tpu.sem_alloc : memref<!tpu.dma_semaphore, #tpu.memory_space<semaphore_mem>>
      %dma_start3A_87 = arith.constant 0 : i32
      %dma_start3A_88 = tpu.memref_slice %arg13[%add3A_32, %dma_start3A_87] : memref<10240x128xf32, #tpu.memory_space<vmem_shared>> -> memref<80x128xf32, #tpu.memory_space<vmem_shared>>
      %dma_start3A_89 = arith.constant 0 : i32
      %dma_start3A_90 = tpu.memref_slice %arg13[%add3A_32, %dma_start3A_89] : memref<10240x128xf32, #tpu.memory_space<vmem_shared>> -> memref<80x128xf32, #tpu.memory_space<vmem_shared>>
      tpu.enqueue_dma source(%dma_start3A_90 : memref<80x128xf32, #tpu.memory_space<vmem_shared>>) target(%arg11 : memref<80x128xf32, #tpu.memory_space<vmem>>) target_semaphore(%run_scoped3A : memref<!tpu.dma_semaphore, #tpu.memory_space<semaphore_mem>>)
      %dma_wait3A_91 = arith.constant 0 : i32
      %dma_wait3A_92 = tpu.memref_slice %arg13[%add3A_32, %dma_wait3A_91] : memref<10240x128xf32, #tpu.memory_space<vmem_shared>> -> memref<80x128xf32, #tpu.memory_space<vmem_shared>>
      %dma_wait3A_93 = arith.constant 0 : i32
      %dma_wait3A_94 = tpu.memref_slice %arg13[%add3A_32, %dma_wait3A_93] : memref<10240x128xf32, #tpu.memory_space<vmem_shared>> -> memref<80x128xf32, #tpu.memory_space<vmem_shared>>
      tpu.wait_dma2 semaphore(%run_scoped3A : memref<!tpu.dma_semaphore, #tpu.memory_space<semaphore_mem>>) src(%dma_wait3A_94 : memref<80x128xf32, #tpu.memory_space<vmem_shared>>) dst(%arg11 : memref<80x128xf32, #tpu.memory_space<vmem>>)
      tpu.yield
    }) : () -> ()
    %mul3A_33 = arith.constant 10240 : i32
    %mul3A_34 = arith.muli %arg0, %mul3A_33 : i32
    %add3A_35 = arith.addi %mul3A_34, %mul3A_2 : i32
    %add3A_36 = arith.constant 0 : i32
    %add3A_37 = arith.addi %add3A_35, %add3A_36 : i32
    "tpu.region"() ({
      %run_scoped3A = tpu.sem_alloc : memref<!tpu.dma_semaphore, #tpu.memory_space<semaphore_mem>>
      %dma_start3A_87 = arith.constant 0 : i32
      %dma_start3A_88 = tpu.memref_slice %arg6[%add3A_37, %dma_start3A_87] : memref<20480x128xf32, #tpu.memory_space<hbm>> -> memref<80x128xf32, #tpu.memory_space<hbm>>
      %dma_start3A_89 = arith.constant 0 : i32
      %dma_start3A_90 = tpu.memref_slice %arg6[%add3A_37, %dma_start3A_89] : memref<20480x128xf32, #tpu.memory_space<hbm>> -> memref<80x128xf32, #tpu.memory_space<hbm>>
      tpu.enqueue_dma source(%arg11 : memref<80x128xf32, #tpu.memory_space<vmem>>) target(%dma_start3A_90 : memref<80x128xf32, #tpu.memory_space<hbm>>) target_semaphore(%run_scoped3A : memref<!tpu.dma_semaphore, #tpu.memory_space<semaphore_mem>>)
      %dma_wait3A_91 = arith.constant 0 : i32
      %dma_wait3A_92 = tpu.memref_slice %arg6[%add3A_37, %dma_wait3A_91] : memref<20480x128xf32, #tpu.memory_space<hbm>> -> memref<80x128xf32, #tpu.memory_space<hbm>>
      %dma_wait3A_93 = arith.constant 0 : i32
      %dma_wait3A_94 = tpu.memref_slice %arg6[%add3A_37, %dma_wait3A_93] : memref<20480x128xf32, #tpu.memory_space<hbm>> -> memref<80x128xf32, #tpu.memory_space<hbm>>
      tpu.wait_dma2 semaphore(%run_scoped3A : memref<!tpu.dma_semaphore, #tpu.memory_space<semaphore_mem>>) src(%arg11 : memref<80x128xf32, #tpu.memory_space<vmem>>) dst(%dma_wait3A_94 : memref<80x128xf32, #tpu.memory_space<hbm>>)
      tpu.yield
    }) : () -> ()
    %add3A_38 = arith.constant 80 : i32
    %add3A_39 = arith.addi %mul3A_2, %add3A_38 : i32
    "tpu.region"() ({
      %run_scoped3A = tpu.sem_alloc : memref<!tpu.dma_semaphore, #tpu.memory_space<semaphore_mem>>
      %dma_start3A_87 = arith.constant 0 : i32
      %dma_start3A_88 = tpu.memref_slice %arg13[%add3A_39, %dma_start3A_87] : memref<10240x128xf32, #tpu.memory_space<vmem_shared>> -> memref<80x128xf32, #tpu.memory_space<vmem_shared>>
      %dma_start3A_89 = arith.constant 0 : i32
      %dma_start3A_90 = tpu.memref_slice %arg13[%add3A_39, %dma_start3A_89] : memref<10240x128xf32, #tpu.memory_space<vmem_shared>> -> memref<80x128xf32, #tpu.memory_space<vmem_shared>>
      tpu.enqueue_dma source(%dma_start3A_90 : memref<80x128xf32, #tpu.memory_space<vmem_shared>>) target(%arg11 : memref<80x128xf32, #tpu.memory_space<vmem>>) target_semaphore(%run_scoped3A : memref<!tpu.dma_semaphore, #tpu.memory_space<semaphore_mem>>)
      %dma_wait3A_91 = arith.constant 0 : i32
      %dma_wait3A_92 = tpu.memref_slice %arg13[%add3A_39, %dma_wait3A_91] : memref<10240x128xf32, #tpu.memory_space<vmem_shared>> -> memref<80x128xf32, #tpu.memory_space<vmem_shared>>
      %dma_wait3A_93 = arith.constant 0 : i32
      %dma_wait3A_94 = tpu.memref_slice %arg13[%add3A_39, %dma_wait3A_93] : memref<10240x128xf32, #tpu.memory_space<vmem_shared>> -> memref<80x128xf32, #tpu.memory_space<vmem_shared>>
      tpu.wait_dma2 semaphore(%run_scoped3A : memref<!tpu.dma_semaphore, #tpu.memory_space<semaphore_mem>>) src(%dma_wait3A_94 : memref<80x128xf32, #tpu.memory_space<vmem_shared>>) dst(%arg11 : memref<80x128xf32, #tpu.memory_space<vmem>>)
      tpu.yield
    }) : () -> ()
    %mul3A_40 = arith.constant 10240 : i32
    %mul3A_41 = arith.muli %arg0, %mul3A_40 : i32
    %add3A_42 = arith.addi %mul3A_41, %mul3A_2 : i32
    %add3A_43 = arith.constant 80 : i32
    %add3A_44 = arith.addi %add3A_42, %add3A_43 : i32
    "tpu.region"() ({
      %run_scoped3A = tpu.sem_alloc : memref<!tpu.dma_semaphore, #tpu.memory_space<semaphore_mem>>
      %dma_start3A_87 = arith.constant 0 : i32
      %dma_start3A_88 = tpu.memref_slice %arg6[%add3A_44, %dma_start3A_87] : memref<20480x128xf32, #tpu.memory_space<hbm>> -> memref<80x128xf32, #tpu.memory_space<hbm>>
      %dma_start3A_89 = arith.constant 0 : i32
      %dma_start3A_90 = tpu.memref_slice %arg6[%add3A_44, %dma_start3A_89] : memref<20480x128xf32, #tpu.memory_space<hbm>> -> memref<80x128xf32, #tpu.memory_space<hbm>>
      tpu.enqueue_dma source(%arg11 : memref<80x128xf32, #tpu.memory_space<vmem>>) target(%dma_start3A_90 : memref<80x128xf32, #tpu.memory_space<hbm>>) target_semaphore(%run_scoped3A : memref<!tpu.dma_semaphore, #tpu.memory_space<semaphore_mem>>)
      %dma_wait3A_91 = arith.constant 0 : i32
      %dma_wait3A_92 = tpu.memref_slice %arg6[%add3A_44, %dma_wait3A_91] : memref<20480x128xf32, #tpu.memory_space<hbm>> -> memref<80x128xf32, #tpu.memory_space<hbm>>
      %dma_wait3A_93 = arith.constant 0 : i32
      %dma_wait3A_94 = tpu.memref_slice %arg6[%add3A_44, %dma_wait3A_93] : memref<20480x128xf32, #tpu.memory_space<hbm>> -> memref<80x128xf32, #tpu.memory_space<hbm>>
      tpu.wait_dma2 semaphore(%run_scoped3A : memref<!tpu.dma_semaphore, #tpu.memory_space<semaphore_mem>>) src(%arg11 : memref<80x128xf32, #tpu.memory_space<vmem>>) dst(%dma_wait3A_94 : memref<80x128xf32, #tpu.memory_space<hbm>>)
      tpu.yield
    }) : () -> ()
    %add3A_45 = arith.constant 160 : i32
    %add3A_46 = arith.addi %mul3A_2, %add3A_45 : i32
    "tpu.region"() ({
      %run_scoped3A = tpu.sem_alloc : memref<!tpu.dma_semaphore, #tpu.memory_space<semaphore_mem>>
      %dma_start3A_87 = arith.constant 0 : i32
      %dma_start3A_88 = tpu.memref_slice %arg13[%add3A_46, %dma_start3A_87] : memref<10240x128xf32, #tpu.memory_space<vmem_shared>> -> memref<80x128xf32, #tpu.memory_space<vmem_shared>>
      %dma_start3A_89 = arith.constant 0 : i32
      %dma_start3A_90 = tpu.memref_slice %arg13[%add3A_46, %dma_start3A_89] : memref<10240x128xf32, #tpu.memory_space<vmem_shared>> -> memref<80x128xf32, #tpu.memory_space<vmem_shared>>
      tpu.enqueue_dma source(%dma_start3A_90 : memref<80x128xf32, #tpu.memory_space<vmem_shared>>) target(%arg11 : memref<80x128xf32, #tpu.memory_space<vmem>>) target_semaphore(%run_scoped3A : memref<!tpu.dma_semaphore, #tpu.memory_space<semaphore_mem>>)
      %dma_wait3A_91 = arith.constant 0 : i32
      %dma_wait3A_92 = tpu.memref_slice %arg13[%add3A_46, %dma_wait3A_91] : memref<10240x128xf32, #tpu.memory_space<vmem_shared>> -> memref<80x128xf32, #tpu.memory_space<vmem_shared>>
      %dma_wait3A_93 = arith.constant 0 : i32
      %dma_wait3A_94 = tpu.memref_slice %arg13[%add3A_46, %dma_wait3A_93] : memref<10240x128xf32, #tpu.memory_space<vmem_shared>> -> memref<80x128xf32, #tpu.memory_space<vmem_shared>>
      tpu.wait_dma2 semaphore(%run_scoped3A : memref<!tpu.dma_semaphore, #tpu.memory_space<semaphore_mem>>) src(%dma_wait3A_94 : memref<80x128xf32, #tpu.memory_space<vmem_shared>>) dst(%arg11 : memref<80x128xf32, #tpu.memory_space<vmem>>)
      tpu.yield
    }) : () -> ()
    %mul3A_47 = arith.constant 10240 : i32
    %mul3A_48 = arith.muli %arg0, %mul3A_47 : i32
    %add3A_49 = arith.addi %mul3A_48, %mul3A_2 : i32
    %add3A_50 = arith.constant 160 : i32
    %add3A_51 = arith.addi %add3A_49, %add3A_50 : i32
    "tpu.region"() ({
      %run_scoped3A = tpu.sem_alloc : memref<!tpu.dma_semaphore, #tpu.memory_space<semaphore_mem>>
      %dma_start3A_87 = arith.constant 0 : i32
      %dma_start3A_88 = tpu.memref_slice %arg6[%add3A_51, %dma_start3A_87] : memref<20480x128xf32, #tpu.memory_space<hbm>> -> memref<80x128xf32, #tpu.memory_space<hbm>>
      %dma_start3A_89 = arith.constant 0 : i32
      %dma_start3A_90 = tpu.memref_slice %arg6[%add3A_51, %dma_start3A_89] : memref<20480x128xf32, #tpu.memory_space<hbm>> -> memref<80x128xf32, #tpu.memory_space<hbm>>
      tpu.enqueue_dma source(%arg11 : memref<80x128xf32, #tpu.memory_space<vmem>>) target(%dma_start3A_90 : memref<80x128xf32, #tpu.memory_space<hbm>>) target_semaphore(%run_scoped3A : memref<!tpu.dma_semaphore, #tpu.memory_space<semaphore_mem>>)
      %dma_wait3A_91 = arith.constant 0 : i32
      %dma_wait3A_92 = tpu.memref_slice %arg6[%add3A_51, %dma_wait3A_91] : memref<20480x128xf32, #tpu.memory_space<hbm>> -> memref<80x128xf32, #tpu.memory_space<hbm>>
      %dma_wait3A_93 = arith.constant 0 : i32
      %dma_wait3A_94 = tpu.memref_slice %arg6[%add3A_51, %dma_wait3A_93] : memref<20480x128xf32, #tpu.memory_space<hbm>> -> memref<80x128xf32, #tpu.memory_space<hbm>>
      tpu.wait_dma2 semaphore(%run_scoped3A : memref<!tpu.dma_semaphore, #tpu.memory_space<semaphore_mem>>) src(%arg11 : memref<80x128xf32, #tpu.memory_space<vmem>>) dst(%dma_wait3A_94 : memref<80x128xf32, #tpu.memory_space<hbm>>)
      tpu.yield
    }) : () -> ()
    %add3A_52 = arith.constant 240 : i32
    %add3A_53 = arith.addi %mul3A_2, %add3A_52 : i32
    "tpu.region"() ({
      %run_scoped3A = tpu.sem_alloc : memref<!tpu.dma_semaphore, #tpu.memory_space<semaphore_mem>>
      %dma_start3A_87 = arith.constant 0 : i32
      %dma_start3A_88 = tpu.memref_slice %arg13[%add3A_53, %dma_start3A_87] : memref<10240x128xf32, #tpu.memory_space<vmem_shared>> -> memref<80x128xf32, #tpu.memory_space<vmem_shared>>
      %dma_start3A_89 = arith.constant 0 : i32
      %dma_start3A_90 = tpu.memref_slice %arg13[%add3A_53, %dma_start3A_89] : memref<10240x128xf32, #tpu.memory_space<vmem_shared>> -> memref<80x128xf32, #tpu.memory_space<vmem_shared>>
      tpu.enqueue_dma source(%dma_start3A_90 : memref<80x128xf32, #tpu.memory_space<vmem_shared>>) target(%arg11 : memref<80x128xf32, #tpu.memory_space<vmem>>) target_semaphore(%run_scoped3A : memref<!tpu.dma_semaphore, #tpu.memory_space<semaphore_mem>>)
      %dma_wait3A_91 = arith.constant 0 : i32
      %dma_wait3A_92 = tpu.memref_slice %arg13[%add3A_53, %dma_wait3A_91] : memref<10240x128xf32, #tpu.memory_space<vmem_shared>> -> memref<80x128xf32, #tpu.memory_space<vmem_shared>>
      %dma_wait3A_93 = arith.constant 0 : i32
      %dma_wait3A_94 = tpu.memref_slice %arg13[%add3A_53, %dma_wait3A_93] : memref<10240x128xf32, #tpu.memory_space<vmem_shared>> -> memref<80x128xf32, #tpu.memory_space<vmem_shared>>
      tpu.wait_dma2 semaphore(%run_scoped3A : memref<!tpu.dma_semaphore, #tpu.memory_space<semaphore_mem>>) src(%dma_wait3A_94 : memref<80x128xf32, #tpu.memory_space<vmem_shared>>) dst(%arg11 : memref<80x128xf32, #tpu.memory_space<vmem>>)
      tpu.yield
    }) : () -> ()
    %mul3A_54 = arith.constant 10240 : i32
    %mul3A_55 = arith.muli %arg0, %mul3A_54 : i32
    %add3A_56 = arith.addi %mul3A_55, %mul3A_2 : i32
    %add3A_57 = arith.constant 240 : i32
    %add3A_58 = arith.addi %add3A_56, %add3A_57 : i32
    "tpu.region"() ({
      %run_scoped3A = tpu.sem_alloc : memref<!tpu.dma_semaphore, #tpu.memory_space<semaphore_mem>>
      %dma_start3A_87 = arith.constant 0 : i32
      %dma_start3A_88 = tpu.memref_slice %arg6[%add3A_58, %dma_start3A_87] : memref<20480x128xf32, #tpu.memory_space<hbm>> -> memref<80x128xf32, #tpu.memory_space<hbm>>
      %dma_start3A_89 = arith.constant 0 : i32
      %dma_start3A_90 = tpu.memref_slice %arg6[%add3A_58, %dma_start3A_89] : memref<20480x128xf32, #tpu.memory_space<hbm>> -> memref<80x128xf32, #tpu.memory_space<hbm>>
      tpu.enqueue_dma source(%arg11 : memref<80x128xf32, #tpu.memory_space<vmem>>) target(%dma_start3A_90 : memref<80x128xf32, #tpu.memory_space<hbm>>) target_semaphore(%run_scoped3A : memref<!tpu.dma_semaphore, #tpu.memory_space<semaphore_mem>>)
      %dma_wait3A_91 = arith.constant 0 : i32
      %dma_wait3A_92 = tpu.memref_slice %arg6[%add3A_58, %dma_wait3A_91] : memref<20480x128xf32, #tpu.memory_space<hbm>> -> memref<80x128xf32, #tpu.memory_space<hbm>>
      %dma_wait3A_93 = arith.constant 0 : i32
      %dma_wait3A_94 = tpu.memref_slice %arg6[%add3A_58, %dma_wait3A_93] : memref<20480x128xf32, #tpu.memory_space<hbm>> -> memref<80x128xf32, #tpu.memory_space<hbm>>
      tpu.wait_dma2 semaphore(%run_scoped3A : memref<!tpu.dma_semaphore, #tpu.memory_space<semaphore_mem>>) src(%arg11 : memref<80x128xf32, #tpu.memory_space<vmem>>) dst(%dma_wait3A_94 : memref<80x128xf32, #tpu.memory_space<hbm>>)
      tpu.yield
    }) : () -> ()
    %add3A_59 = arith.constant 320 : i32
    %add3A_60 = arith.addi %mul3A_2, %add3A_59 : i32
    "tpu.region"() ({
      %run_scoped3A = tpu.sem_alloc : memref<!tpu.dma_semaphore, #tpu.memory_space<semaphore_mem>>
      %dma_start3A_87 = arith.constant 0 : i32
      %dma_start3A_88 = tpu.memref_slice %arg13[%add3A_60, %dma_start3A_87] : memref<10240x128xf32, #tpu.memory_space<vmem_shared>> -> memref<80x128xf32, #tpu.memory_space<vmem_shared>>
      %dma_start3A_89 = arith.constant 0 : i32
      %dma_start3A_90 = tpu.memref_slice %arg13[%add3A_60, %dma_start3A_89] : memref<10240x128xf32, #tpu.memory_space<vmem_shared>> -> memref<80x128xf32, #tpu.memory_space<vmem_shared>>
      tpu.enqueue_dma source(%dma_start3A_90 : memref<80x128xf32, #tpu.memory_space<vmem_shared>>) target(%arg11 : memref<80x128xf32, #tpu.memory_space<vmem>>) target_semaphore(%run_scoped3A : memref<!tpu.dma_semaphore, #tpu.memory_space<semaphore_mem>>)
      %dma_wait3A_91 = arith.constant 0 : i32
      %dma_wait3A_92 = tpu.memref_slice %arg13[%add3A_60, %dma_wait3A_91] : memref<10240x128xf32, #tpu.memory_space<vmem_shared>> -> memref<80x128xf32, #tpu.memory_space<vmem_shared>>
      %dma_wait3A_93 = arith.constant 0 : i32
      %dma_wait3A_94 = tpu.memref_slice %arg13[%add3A_60, %dma_wait3A_93] : memref<10240x128xf32, #tpu.memory_space<vmem_shared>> -> memref<80x128xf32, #tpu.memory_space<vmem_shared>>
      tpu.wait_dma2 semaphore(%run_scoped3A : memref<!tpu.dma_semaphore, #tpu.memory_space<semaphore_mem>>) src(%dma_wait3A_94 : memref<80x128xf32, #tpu.memory_space<vmem_shared>>) dst(%arg11 : memref<80x128xf32, #tpu.memory_space<vmem>>)
      tpu.yield
    }) : () -> ()
    %mul3A_61 = arith.constant 10240 : i32
    %mul3A_62 = arith.muli %arg0, %mul3A_61 : i32
    %add3A_63 = arith.addi %mul3A_62, %mul3A_2 : i32
    %add3A_64 = arith.constant 320 : i32
    %add3A_65 = arith.addi %add3A_63, %add3A_64 : i32
    "tpu.region"() ({
      %run_scoped3A = tpu.sem_alloc : memref<!tpu.dma_semaphore, #tpu.memory_space<semaphore_mem>>
      %dma_start3A_87 = arith.constant 0 : i32
      %dma_start3A_88 = tpu.memref_slice %arg6[%add3A_65, %dma_start3A_87] : memref<20480x128xf32, #tpu.memory_space<hbm>> -> memref<80x128xf32, #tpu.memory_space<hbm>>
      %dma_start3A_89 = arith.constant 0 : i32
      %dma_start3A_90 = tpu.memref_slice %arg6[%add3A_65, %dma_start3A_89] : memref<20480x128xf32, #tpu.memory_space<hbm>> -> memref<80x128xf32, #tpu.memory_space<hbm>>
      tpu.enqueue_dma source(%arg11 : memref<80x128xf32, #tpu.memory_space<vmem>>) target(%dma_start3A_90 : memref<80x128xf32, #tpu.memory_space<hbm>>) target_semaphore(%run_scoped3A : memref<!tpu.dma_semaphore, #tpu.memory_space<semaphore_mem>>)
      %dma_wait3A_91 = arith.constant 0 : i32
      %dma_wait3A_92 = tpu.memref_slice %arg6[%add3A_65, %dma_wait3A_91] : memref<20480x128xf32, #tpu.memory_space<hbm>> -> memref<80x128xf32, #tpu.memory_space<hbm>>
      %dma_wait3A_93 = arith.constant 0 : i32
      %dma_wait3A_94 = tpu.memref_slice %arg6[%add3A_65, %dma_wait3A_93] : memref<20480x128xf32, #tpu.memory_space<hbm>> -> memref<80x128xf32, #tpu.memory_space<hbm>>
      tpu.wait_dma2 semaphore(%run_scoped3A : memref<!tpu.dma_semaphore, #tpu.memory_space<semaphore_mem>>) src(%arg11 : memref<80x128xf32, #tpu.memory_space<vmem>>) dst(%dma_wait3A_94 : memref<80x128xf32, #tpu.memory_space<hbm>>)
      tpu.yield
    }) : () -> ()
    %add3A_66 = arith.constant 400 : i32
    %add3A_67 = arith.addi %mul3A_2, %add3A_66 : i32
    "tpu.region"() ({
      %run_scoped3A = tpu.sem_alloc : memref<!tpu.dma_semaphore, #tpu.memory_space<semaphore_mem>>
      %dma_start3A_87 = arith.constant 0 : i32
      %dma_start3A_88 = tpu.memref_slice %arg13[%add3A_67, %dma_start3A_87] : memref<10240x128xf32, #tpu.memory_space<vmem_shared>> -> memref<80x128xf32, #tpu.memory_space<vmem_shared>>
      %dma_start3A_89 = arith.constant 0 : i32
      %dma_start3A_90 = tpu.memref_slice %arg13[%add3A_67, %dma_start3A_89] : memref<10240x128xf32, #tpu.memory_space<vmem_shared>> -> memref<80x128xf32, #tpu.memory_space<vmem_shared>>
      tpu.enqueue_dma source(%dma_start3A_90 : memref<80x128xf32, #tpu.memory_space<vmem_shared>>) target(%arg11 : memref<80x128xf32, #tpu.memory_space<vmem>>) target_semaphore(%run_scoped3A : memref<!tpu.dma_semaphore, #tpu.memory_space<semaphore_mem>>)
      %dma_wait3A_91 = arith.constant 0 : i32
      %dma_wait3A_92 = tpu.memref_slice %arg13[%add3A_67, %dma_wait3A_91] : memref<10240x128xf32, #tpu.memory_space<vmem_shared>> -> memref<80x128xf32, #tpu.memory_space<vmem_shared>>
      %dma_wait3A_93 = arith.constant 0 : i32
      %dma_wait3A_94 = tpu.memref_slice %arg13[%add3A_67, %dma_wait3A_93] : memref<10240x128xf32, #tpu.memory_space<vmem_shared>> -> memref<80x128xf32, #tpu.memory_space<vmem_shared>>
      tpu.wait_dma2 semaphore(%run_scoped3A : memref<!tpu.dma_semaphore, #tpu.memory_space<semaphore_mem>>) src(%dma_wait3A_94 : memref<80x128xf32, #tpu.memory_space<vmem_shared>>) dst(%arg11 : memref<80x128xf32, #tpu.memory_space<vmem>>)
      tpu.yield
    }) : () -> ()
    %mul3A_68 = arith.constant 10240 : i32
    %mul3A_69 = arith.muli %arg0, %mul3A_68 : i32
    %add3A_70 = arith.addi %mul3A_69, %mul3A_2 : i32
    %add3A_71 = arith.constant 400 : i32
    %add3A_72 = arith.addi %add3A_70, %add3A_71 : i32
    "tpu.region"() ({
      %run_scoped3A = tpu.sem_alloc : memref<!tpu.dma_semaphore, #tpu.memory_space<semaphore_mem>>
      %dma_start3A_87 = arith.constant 0 : i32
      %dma_start3A_88 = tpu.memref_slice %arg6[%add3A_72, %dma_start3A_87] : memref<20480x128xf32, #tpu.memory_space<hbm>> -> memref<80x128xf32, #tpu.memory_space<hbm>>
      %dma_start3A_89 = arith.constant 0 : i32
      %dma_start3A_90 = tpu.memref_slice %arg6[%add3A_72, %dma_start3A_89] : memref<20480x128xf32, #tpu.memory_space<hbm>> -> memref<80x128xf32, #tpu.memory_space<hbm>>
      tpu.enqueue_dma source(%arg11 : memref<80x128xf32, #tpu.memory_space<vmem>>) target(%dma_start3A_90 : memref<80x128xf32, #tpu.memory_space<hbm>>) target_semaphore(%run_scoped3A : memref<!tpu.dma_semaphore, #tpu.memory_space<semaphore_mem>>)
      %dma_wait3A_91 = arith.constant 0 : i32
      %dma_wait3A_92 = tpu.memref_slice %arg6[%add3A_72, %dma_wait3A_91] : memref<20480x128xf32, #tpu.memory_space<hbm>> -> memref<80x128xf32, #tpu.memory_space<hbm>>
      %dma_wait3A_93 = arith.constant 0 : i32
      %dma_wait3A_94 = tpu.memref_slice %arg6[%add3A_72, %dma_wait3A_93] : memref<20480x128xf32, #tpu.memory_space<hbm>> -> memref<80x128xf32, #tpu.memory_space<hbm>>
      tpu.wait_dma2 semaphore(%run_scoped3A : memref<!tpu.dma_semaphore, #tpu.memory_space<semaphore_mem>>) src(%arg11 : memref<80x128xf32, #tpu.memory_space<vmem>>) dst(%dma_wait3A_94 : memref<80x128xf32, #tpu.memory_space<hbm>>)
      tpu.yield
    }) : () -> ()
    %add3A_73 = arith.constant 480 : i32
    %add3A_74 = arith.addi %mul3A_2, %add3A_73 : i32
    "tpu.region"() ({
      %run_scoped3A = tpu.sem_alloc : memref<!tpu.dma_semaphore, #tpu.memory_space<semaphore_mem>>
      %dma_start3A_87 = arith.constant 0 : i32
      %dma_start3A_88 = tpu.memref_slice %arg13[%add3A_74, %dma_start3A_87] : memref<10240x128xf32, #tpu.memory_space<vmem_shared>> -> memref<80x128xf32, #tpu.memory_space<vmem_shared>>
      %dma_start3A_89 = arith.constant 0 : i32
      %dma_start3A_90 = tpu.memref_slice %arg13[%add3A_74, %dma_start3A_89] : memref<10240x128xf32, #tpu.memory_space<vmem_shared>> -> memref<80x128xf32, #tpu.memory_space<vmem_shared>>
      tpu.enqueue_dma source(%dma_start3A_90 : memref<80x128xf32, #tpu.memory_space<vmem_shared>>) target(%arg11 : memref<80x128xf32, #tpu.memory_space<vmem>>) target_semaphore(%run_scoped3A : memref<!tpu.dma_semaphore, #tpu.memory_space<semaphore_mem>>)
      %dma_wait3A_91 = arith.constant 0 : i32
      %dma_wait3A_92 = tpu.memref_slice %arg13[%add3A_74, %dma_wait3A_91] : memref<10240x128xf32, #tpu.memory_space<vmem_shared>> -> memref<80x128xf32, #tpu.memory_space<vmem_shared>>
      %dma_wait3A_93 = arith.constant 0 : i32
      %dma_wait3A_94 = tpu.memref_slice %arg13[%add3A_74, %dma_wait3A_93] : memref<10240x128xf32, #tpu.memory_space<vmem_shared>> -> memref<80x128xf32, #tpu.memory_space<vmem_shared>>
      tpu.wait_dma2 semaphore(%run_scoped3A : memref<!tpu.dma_semaphore, #tpu.memory_space<semaphore_mem>>) src(%dma_wait3A_94 : memref<80x128xf32, #tpu.memory_space<vmem_shared>>) dst(%arg11 : memref<80x128xf32, #tpu.memory_space<vmem>>)
      tpu.yield
    }) : () -> ()
    %mul3A_75 = arith.constant 10240 : i32
    %mul3A_76 = arith.muli %arg0, %mul3A_75 : i32
    %add3A_77 = arith.addi %mul3A_76, %mul3A_2 : i32
    %add3A_78 = arith.constant 480 : i32
    %add3A_79 = arith.addi %add3A_77, %add3A_78 : i32
    "tpu.region"() ({
      %run_scoped3A = tpu.sem_alloc : memref<!tpu.dma_semaphore, #tpu.memory_space<semaphore_mem>>
      %dma_start3A_87 = arith.constant 0 : i32
      %dma_start3A_88 = tpu.memref_slice %arg6[%add3A_79, %dma_start3A_87] : memref<20480x128xf32, #tpu.memory_space<hbm>> -> memref<80x128xf32, #tpu.memory_space<hbm>>
      %dma_start3A_89 = arith.constant 0 : i32
      %dma_start3A_90 = tpu.memref_slice %arg6[%add3A_79, %dma_start3A_89] : memref<20480x128xf32, #tpu.memory_space<hbm>> -> memref<80x128xf32, #tpu.memory_space<hbm>>
      tpu.enqueue_dma source(%arg11 : memref<80x128xf32, #tpu.memory_space<vmem>>) target(%dma_start3A_90 : memref<80x128xf32, #tpu.memory_space<hbm>>) target_semaphore(%run_scoped3A : memref<!tpu.dma_semaphore, #tpu.memory_space<semaphore_mem>>)
      %dma_wait3A_91 = arith.constant 0 : i32
      %dma_wait3A_92 = tpu.memref_slice %arg6[%add3A_79, %dma_wait3A_91] : memref<20480x128xf32, #tpu.memory_space<hbm>> -> memref<80x128xf32, #tpu.memory_space<hbm>>
      %dma_wait3A_93 = arith.constant 0 : i32
      %dma_wait3A_94 = tpu.memref_slice %arg6[%add3A_79, %dma_wait3A_93] : memref<20480x128xf32, #tpu.memory_space<hbm>> -> memref<80x128xf32, #tpu.memory_space<hbm>>
      tpu.wait_dma2 semaphore(%run_scoped3A : memref<!tpu.dma_semaphore, #tpu.memory_space<semaphore_mem>>) src(%arg11 : memref<80x128xf32, #tpu.memory_space<vmem>>) dst(%dma_wait3A_94 : memref<80x128xf32, #tpu.memory_space<hbm>>)
      tpu.yield
    }) : () -> ()
    %add3A_80 = arith.constant 560 : i32
    %add3A_81 = arith.addi %mul3A_2, %add3A_80 : i32
    "tpu.region"() ({
      %run_scoped3A = tpu.sem_alloc : memref<!tpu.dma_semaphore, #tpu.memory_space<semaphore_mem>>
      %dma_start3A_87 = arith.constant 0 : i32
      %dma_start3A_88 = tpu.memref_slice %arg13[%add3A_81, %dma_start3A_87] : memref<10240x128xf32, #tpu.memory_space<vmem_shared>> -> memref<80x128xf32, #tpu.memory_space<vmem_shared>>
      %dma_start3A_89 = arith.constant 0 : i32
      %dma_start3A_90 = tpu.memref_slice %arg13[%add3A_81, %dma_start3A_89] : memref<10240x128xf32, #tpu.memory_space<vmem_shared>> -> memref<80x128xf32, #tpu.memory_space<vmem_shared>>
      tpu.enqueue_dma source(%dma_start3A_90 : memref<80x128xf32, #tpu.memory_space<vmem_shared>>) target(%arg11 : memref<80x128xf32, #tpu.memory_space<vmem>>) target_semaphore(%run_scoped3A : memref<!tpu.dma_semaphore, #tpu.memory_space<semaphore_mem>>)
      %dma_wait3A_91 = arith.constant 0 : i32
      %dma_wait3A_92 = tpu.memref_slice %arg13[%add3A_81, %dma_wait3A_91] : memref<10240x128xf32, #tpu.memory_space<vmem_shared>> -> memref<80x128xf32, #tpu.memory_space<vmem_shared>>
      %dma_wait3A_93 = arith.constant 0 : i32
      %dma_wait3A_94 = tpu.memref_slice %arg13[%add3A_81, %dma_wait3A_93] : memref<10240x128xf32, #tpu.memory_space<vmem_shared>> -> memref<80x128xf32, #tpu.memory_space<vmem_shared>>
      tpu.wait_dma2 semaphore(%run_scoped3A : memref<!tpu.dma_semaphore, #tpu.memory_space<semaphore_mem>>) src(%dma_wait3A_94 : memref<80x128xf32, #tpu.memory_space<vmem_shared>>) dst(%arg11 : memref<80x128xf32, #tpu.memory_space<vmem>>)
      tpu.yield
    }) : () -> ()
    %mul3A_82 = arith.constant 10240 : i32
    %mul3A_83 = arith.muli %arg0, %mul3A_82 : i32
    %add3A_84 = arith.addi %mul3A_83, %mul3A_2 : i32
    %add3A_85 = arith.constant 560 : i32
    %add3A_86 = arith.addi %add3A_84, %add3A_85 : i32
    "tpu.region"() ({
      %run_scoped3A = tpu.sem_alloc : memref<!tpu.dma_semaphore, #tpu.memory_space<semaphore_mem>>
      %dma_start3A_87 = arith.constant 0 : i32
      %dma_start3A_88 = tpu.memref_slice %arg6[%add3A_86, %dma_start3A_87] : memref<20480x128xf32, #tpu.memory_space<hbm>> -> memref<80x128xf32, #tpu.memory_space<hbm>>
      %dma_start3A_89 = arith.constant 0 : i32
      %dma_start3A_90 = tpu.memref_slice %arg6[%add3A_86, %dma_start3A_89] : memref<20480x128xf32, #tpu.memory_space<hbm>> -> memref<80x128xf32, #tpu.memory_space<hbm>>
      tpu.enqueue_dma source(%arg11 : memref<80x128xf32, #tpu.memory_space<vmem>>) target(%dma_start3A_90 : memref<80x128xf32, #tpu.memory_space<hbm>>) target_semaphore(%run_scoped3A : memref<!tpu.dma_semaphore, #tpu.memory_space<semaphore_mem>>)
      %dma_wait3A_91 = arith.constant 0 : i32
      %dma_wait3A_92 = tpu.memref_slice %arg6[%add3A_86, %dma_wait3A_91] : memref<20480x128xf32, #tpu.memory_space<hbm>> -> memref<80x128xf32, #tpu.memory_space<hbm>>
      %dma_wait3A_93 = arith.constant 0 : i32
      %dma_wait3A_94 = tpu.memref_slice %arg6[%add3A_86, %dma_wait3A_93] : memref<20480x128xf32, #tpu.memory_space<hbm>> -> memref<80x128xf32, #tpu.memory_space<hbm>>
      tpu.wait_dma2 semaphore(%run_scoped3A : memref<!tpu.dma_semaphore, #tpu.memory_space<semaphore_mem>>) src(%arg11 : memref<80x128xf32, #tpu.memory_space<vmem>>) dst(%dma_wait3A_94 : memref<80x128xf32, #tpu.memory_space<hbm>>)
      tpu.yield
    }) : () -> ()
    return
  }
}

#map = affine_map<(d0, d1) -> (0, 0)>
#map1 = affine_map<(d0, d1) -> (0)>
module attributes {stable_mosaic.version = 14 : i64} {
  func.func @_cntk(%arg0: i32, %arg1: i32, %arg2: memref<80x128xf32, #tpu.memory_space<hbm>>, %arg3: memref<330240xi32, #tpu.memory_space<hbm>>, %arg4: memref<330240xi32, #tpu.memory_space<hbm>>, %arg5: memref<80x128xf32, #tpu.memory_space<hbm>>, %arg6: memref<20480x128xf32, #tpu.memory_space<hbm>>, %arg7: memref<80xi32, #tpu.memory_space<vmem>>, %arg8: memref<80xi32, #tpu.memory_space<vmem>>, %arg9: memref<80x128xf32, #tpu.memory_space<vmem>>, %arg10: memref<10240x128xf32, #tpu.memory_space<vmem_shared>>, %arg11: memref<!tpu.dma_semaphore, #tpu.memory_space<semaphore_mem>>) attributes {dimension_semantics = [#tpu.dimension_semantics<core_parallel>, #tpu.dimension_semantics<subcore_parallel>], iteration_bounds = array<i64: 2, 16>, scalar_prefetch = 0 : i64, scratch_operands = 5 : i64, tpu.core_type = #tpu.core_type<sc_vector_subcore>, window_params = [{transform_indices = #map}, {transform_indices = #map1}, {transform_indices = #map1}, {transform_indices = #map}, {transform_indices = #map}]} {
    %mul3A = arith.constant 2 : i32
    %mul3A_0 = arith.muli %arg1, %mul3A : i32
    %add3A = arith.addi %mul3A_0, %arg0 : i32
    %mul3A_1 = arith.constant 640 : i32
    %mul3A_2 = arith.muli %arg1, %mul3A_1 : i32
    "tpu.region"() ({
      %run_scoped3A = tpu.sem_alloc : memref<!tpu.dma_semaphore, #tpu.memory_space<semaphore_mem>>
      tpu.enqueue_dma source(%arg5 : memref<80x128xf32, #tpu.memory_space<hbm>>) target(%arg9 : memref<80x128xf32, #tpu.memory_space<vmem>>) target_semaphore(%run_scoped3A : memref<!tpu.dma_semaphore, #tpu.memory_space<semaphore_mem>>)
      tpu.wait_dma2 semaphore(%run_scoped3A : memref<!tpu.dma_semaphore, #tpu.memory_space<semaphore_mem>>) src(%arg5 : memref<80x128xf32, #tpu.memory_space<hbm>>) dst(%arg9 : memref<80x128xf32, #tpu.memory_space<vmem>>)
      tpu.yield
    }) : () -> ()
    %add3A_3 = arith.constant 0 : i32
    %add3A_4 = arith.addi %mul3A_2, %add3A_3 : i32
    "tpu.region"() ({
      %run_scoped3A = tpu.sem_alloc : memref<!tpu.dma_semaphore, #tpu.memory_space<semaphore_mem>>
      %dma_start3A = arith.constant 0 : i32
      %dma_start3A_83 = tpu.memref_slice %arg10[%add3A_4, %dma_start3A] : memref<10240x128xf32, #tpu.memory_space<vmem_shared>> -> memref<80x128xf32, #tpu.memory_space<vmem_shared>>
      %dma_start3A_84 = arith.constant 0 : i32
      %dma_start3A_85 = tpu.memref_slice %arg10[%add3A_4, %dma_start3A_84] : memref<10240x128xf32, #tpu.memory_space<vmem_shared>> -> memref<80x128xf32, #tpu.memory_space<vmem_shared>>
      tpu.enqueue_dma source(%arg9 : memref<80x128xf32, #tpu.memory_space<vmem>>) target(%dma_start3A_85 : memref<80x128xf32, #tpu.memory_space<vmem_shared>>) target_semaphore(%run_scoped3A : memref<!tpu.dma_semaphore, #tpu.memory_space<semaphore_mem>>)
      %dma_wait3A = arith.constant 0 : i32
      %dma_wait3A_86 = tpu.memref_slice %arg10[%add3A_4, %dma_wait3A] : memref<10240x128xf32, #tpu.memory_space<vmem_shared>> -> memref<80x128xf32, #tpu.memory_space<vmem_shared>>
      %dma_wait3A_87 = arith.constant 0 : i32
      %dma_wait3A_88 = tpu.memref_slice %arg10[%add3A_4, %dma_wait3A_87] : memref<10240x128xf32, #tpu.memory_space<vmem_shared>> -> memref<80x128xf32, #tpu.memory_space<vmem_shared>>
      tpu.wait_dma2 semaphore(%run_scoped3A : memref<!tpu.dma_semaphore, #tpu.memory_space<semaphore_mem>>) src(%arg9 : memref<80x128xf32, #tpu.memory_space<vmem>>) dst(%dma_wait3A_88 : memref<80x128xf32, #tpu.memory_space<vmem_shared>>)
      tpu.yield
    }) : () -> ()
    %add3A_5 = arith.constant 80 : i32
    %add3A_6 = arith.addi %mul3A_2, %add3A_5 : i32
    "tpu.region"() ({
      %run_scoped3A = tpu.sem_alloc : memref<!tpu.dma_semaphore, #tpu.memory_space<semaphore_mem>>
      %dma_start3A = arith.constant 0 : i32
      %dma_start3A_83 = tpu.memref_slice %arg10[%add3A_6, %dma_start3A] : memref<10240x128xf32, #tpu.memory_space<vmem_shared>> -> memref<80x128xf32, #tpu.memory_space<vmem_shared>>
      %dma_start3A_84 = arith.constant 0 : i32
      %dma_start3A_85 = tpu.memref_slice %arg10[%add3A_6, %dma_start3A_84] : memref<10240x128xf32, #tpu.memory_space<vmem_shared>> -> memref<80x128xf32, #tpu.memory_space<vmem_shared>>
      tpu.enqueue_dma source(%arg9 : memref<80x128xf32, #tpu.memory_space<vmem>>) target(%dma_start3A_85 : memref<80x128xf32, #tpu.memory_space<vmem_shared>>) target_semaphore(%run_scoped3A : memref<!tpu.dma_semaphore, #tpu.memory_space<semaphore_mem>>)
      %dma_wait3A = arith.constant 0 : i32
      %dma_wait3A_86 = tpu.memref_slice %arg10[%add3A_6, %dma_wait3A] : memref<10240x128xf32, #tpu.memory_space<vmem_shared>> -> memref<80x128xf32, #tpu.memory_space<vmem_shared>>
      %dma_wait3A_87 = arith.constant 0 : i32
      %dma_wait3A_88 = tpu.memref_slice %arg10[%add3A_6, %dma_wait3A_87] : memref<10240x128xf32, #tpu.memory_space<vmem_shared>> -> memref<80x128xf32, #tpu.memory_space<vmem_shared>>
      tpu.wait_dma2 semaphore(%run_scoped3A : memref<!tpu.dma_semaphore, #tpu.memory_space<semaphore_mem>>) src(%arg9 : memref<80x128xf32, #tpu.memory_space<vmem>>) dst(%dma_wait3A_88 : memref<80x128xf32, #tpu.memory_space<vmem_shared>>)
      tpu.yield
    }) : () -> ()
    %add3A_7 = arith.constant 160 : i32
    %add3A_8 = arith.addi %mul3A_2, %add3A_7 : i32
    "tpu.region"() ({
      %run_scoped3A = tpu.sem_alloc : memref<!tpu.dma_semaphore, #tpu.memory_space<semaphore_mem>>
      %dma_start3A = arith.constant 0 : i32
      %dma_start3A_83 = tpu.memref_slice %arg10[%add3A_8, %dma_start3A] : memref<10240x128xf32, #tpu.memory_space<vmem_shared>> -> memref<80x128xf32, #tpu.memory_space<vmem_shared>>
      %dma_start3A_84 = arith.constant 0 : i32
      %dma_start3A_85 = tpu.memref_slice %arg10[%add3A_8, %dma_start3A_84] : memref<10240x128xf32, #tpu.memory_space<vmem_shared>> -> memref<80x128xf32, #tpu.memory_space<vmem_shared>>
      tpu.enqueue_dma source(%arg9 : memref<80x128xf32, #tpu.memory_space<vmem>>) target(%dma_start3A_85 : memref<80x128xf32, #tpu.memory_space<vmem_shared>>) target_semaphore(%run_scoped3A : memref<!tpu.dma_semaphore, #tpu.memory_space<semaphore_mem>>)
      %dma_wait3A = arith.constant 0 : i32
      %dma_wait3A_86 = tpu.memref_slice %arg10[%add3A_8, %dma_wait3A] : memref<10240x128xf32, #tpu.memory_space<vmem_shared>> -> memref<80x128xf32, #tpu.memory_space<vmem_shared>>
      %dma_wait3A_87 = arith.constant 0 : i32
      %dma_wait3A_88 = tpu.memref_slice %arg10[%add3A_8, %dma_wait3A_87] : memref<10240x128xf32, #tpu.memory_space<vmem_shared>> -> memref<80x128xf32, #tpu.memory_space<vmem_shared>>
      tpu.wait_dma2 semaphore(%run_scoped3A : memref<!tpu.dma_semaphore, #tpu.memory_space<semaphore_mem>>) src(%arg9 : memref<80x128xf32, #tpu.memory_space<vmem>>) dst(%dma_wait3A_88 : memref<80x128xf32, #tpu.memory_space<vmem_shared>>)
      tpu.yield
    }) : () -> ()
    %add3A_9 = arith.constant 240 : i32
    %add3A_10 = arith.addi %mul3A_2, %add3A_9 : i32
    "tpu.region"() ({
      %run_scoped3A = tpu.sem_alloc : memref<!tpu.dma_semaphore, #tpu.memory_space<semaphore_mem>>
      %dma_start3A = arith.constant 0 : i32
      %dma_start3A_83 = tpu.memref_slice %arg10[%add3A_10, %dma_start3A] : memref<10240x128xf32, #tpu.memory_space<vmem_shared>> -> memref<80x128xf32, #tpu.memory_space<vmem_shared>>
      %dma_start3A_84 = arith.constant 0 : i32
      %dma_start3A_85 = tpu.memref_slice %arg10[%add3A_10, %dma_start3A_84] : memref<10240x128xf32, #tpu.memory_space<vmem_shared>> -> memref<80x128xf32, #tpu.memory_space<vmem_shared>>
      tpu.enqueue_dma source(%arg9 : memref<80x128xf32, #tpu.memory_space<vmem>>) target(%dma_start3A_85 : memref<80x128xf32, #tpu.memory_space<vmem_shared>>) target_semaphore(%run_scoped3A : memref<!tpu.dma_semaphore, #tpu.memory_space<semaphore_mem>>)
      %dma_wait3A = arith.constant 0 : i32
      %dma_wait3A_86 = tpu.memref_slice %arg10[%add3A_10, %dma_wait3A] : memref<10240x128xf32, #tpu.memory_space<vmem_shared>> -> memref<80x128xf32, #tpu.memory_space<vmem_shared>>
      %dma_wait3A_87 = arith.constant 0 : i32
      %dma_wait3A_88 = tpu.memref_slice %arg10[%add3A_10, %dma_wait3A_87] : memref<10240x128xf32, #tpu.memory_space<vmem_shared>> -> memref<80x128xf32, #tpu.memory_space<vmem_shared>>
      tpu.wait_dma2 semaphore(%run_scoped3A : memref<!tpu.dma_semaphore, #tpu.memory_space<semaphore_mem>>) src(%arg9 : memref<80x128xf32, #tpu.memory_space<vmem>>) dst(%dma_wait3A_88 : memref<80x128xf32, #tpu.memory_space<vmem_shared>>)
      tpu.yield
    }) : () -> ()
    %add3A_11 = arith.constant 320 : i32
    %add3A_12 = arith.addi %mul3A_2, %add3A_11 : i32
    "tpu.region"() ({
      %run_scoped3A = tpu.sem_alloc : memref<!tpu.dma_semaphore, #tpu.memory_space<semaphore_mem>>
      %dma_start3A = arith.constant 0 : i32
      %dma_start3A_83 = tpu.memref_slice %arg10[%add3A_12, %dma_start3A] : memref<10240x128xf32, #tpu.memory_space<vmem_shared>> -> memref<80x128xf32, #tpu.memory_space<vmem_shared>>
      %dma_start3A_84 = arith.constant 0 : i32
      %dma_start3A_85 = tpu.memref_slice %arg10[%add3A_12, %dma_start3A_84] : memref<10240x128xf32, #tpu.memory_space<vmem_shared>> -> memref<80x128xf32, #tpu.memory_space<vmem_shared>>
      tpu.enqueue_dma source(%arg9 : memref<80x128xf32, #tpu.memory_space<vmem>>) target(%dma_start3A_85 : memref<80x128xf32, #tpu.memory_space<vmem_shared>>) target_semaphore(%run_scoped3A : memref<!tpu.dma_semaphore, #tpu.memory_space<semaphore_mem>>)
      %dma_wait3A = arith.constant 0 : i32
      %dma_wait3A_86 = tpu.memref_slice %arg10[%add3A_12, %dma_wait3A] : memref<10240x128xf32, #tpu.memory_space<vmem_shared>> -> memref<80x128xf32, #tpu.memory_space<vmem_shared>>
      %dma_wait3A_87 = arith.constant 0 : i32
      %dma_wait3A_88 = tpu.memref_slice %arg10[%add3A_12, %dma_wait3A_87] : memref<10240x128xf32, #tpu.memory_space<vmem_shared>> -> memref<80x128xf32, #tpu.memory_space<vmem_shared>>
      tpu.wait_dma2 semaphore(%run_scoped3A : memref<!tpu.dma_semaphore, #tpu.memory_space<semaphore_mem>>) src(%arg9 : memref<80x128xf32, #tpu.memory_space<vmem>>) dst(%dma_wait3A_88 : memref<80x128xf32, #tpu.memory_space<vmem_shared>>)
      tpu.yield
    }) : () -> ()
    %add3A_13 = arith.constant 400 : i32
    %add3A_14 = arith.addi %mul3A_2, %add3A_13 : i32
    "tpu.region"() ({
      %run_scoped3A = tpu.sem_alloc : memref<!tpu.dma_semaphore, #tpu.memory_space<semaphore_mem>>
      %dma_start3A = arith.constant 0 : i32
      %dma_start3A_83 = tpu.memref_slice %arg10[%add3A_14, %dma_start3A] : memref<10240x128xf32, #tpu.memory_space<vmem_shared>> -> memref<80x128xf32, #tpu.memory_space<vmem_shared>>
      %dma_start3A_84 = arith.constant 0 : i32
      %dma_start3A_85 = tpu.memref_slice %arg10[%add3A_14, %dma_start3A_84] : memref<10240x128xf32, #tpu.memory_space<vmem_shared>> -> memref<80x128xf32, #tpu.memory_space<vmem_shared>>
      tpu.enqueue_dma source(%arg9 : memref<80x128xf32, #tpu.memory_space<vmem>>) target(%dma_start3A_85 : memref<80x128xf32, #tpu.memory_space<vmem_shared>>) target_semaphore(%run_scoped3A : memref<!tpu.dma_semaphore, #tpu.memory_space<semaphore_mem>>)
      %dma_wait3A = arith.constant 0 : i32
      %dma_wait3A_86 = tpu.memref_slice %arg10[%add3A_14, %dma_wait3A] : memref<10240x128xf32, #tpu.memory_space<vmem_shared>> -> memref<80x128xf32, #tpu.memory_space<vmem_shared>>
      %dma_wait3A_87 = arith.constant 0 : i32
      %dma_wait3A_88 = tpu.memref_slice %arg10[%add3A_14, %dma_wait3A_87] : memref<10240x128xf32, #tpu.memory_space<vmem_shared>> -> memref<80x128xf32, #tpu.memory_space<vmem_shared>>
      tpu.wait_dma2 semaphore(%run_scoped3A : memref<!tpu.dma_semaphore, #tpu.memory_space<semaphore_mem>>) src(%arg9 : memref<80x128xf32, #tpu.memory_space<vmem>>) dst(%dma_wait3A_88 : memref<80x128xf32, #tpu.memory_space<vmem_shared>>)
      tpu.yield
    }) : () -> ()
    %add3A_15 = arith.constant 480 : i32
    %add3A_16 = arith.addi %mul3A_2, %add3A_15 : i32
    "tpu.region"() ({
      %run_scoped3A = tpu.sem_alloc : memref<!tpu.dma_semaphore, #tpu.memory_space<semaphore_mem>>
      %dma_start3A = arith.constant 0 : i32
      %dma_start3A_83 = tpu.memref_slice %arg10[%add3A_16, %dma_start3A] : memref<10240x128xf32, #tpu.memory_space<vmem_shared>> -> memref<80x128xf32, #tpu.memory_space<vmem_shared>>
      %dma_start3A_84 = arith.constant 0 : i32
      %dma_start3A_85 = tpu.memref_slice %arg10[%add3A_16, %dma_start3A_84] : memref<10240x128xf32, #tpu.memory_space<vmem_shared>> -> memref<80x128xf32, #tpu.memory_space<vmem_shared>>
      tpu.enqueue_dma source(%arg9 : memref<80x128xf32, #tpu.memory_space<vmem>>) target(%dma_start3A_85 : memref<80x128xf32, #tpu.memory_space<vmem_shared>>) target_semaphore(%run_scoped3A : memref<!tpu.dma_semaphore, #tpu.memory_space<semaphore_mem>>)
      %dma_wait3A = arith.constant 0 : i32
      %dma_wait3A_86 = tpu.memref_slice %arg10[%add3A_16, %dma_wait3A] : memref<10240x128xf32, #tpu.memory_space<vmem_shared>> -> memref<80x128xf32, #tpu.memory_space<vmem_shared>>
      %dma_wait3A_87 = arith.constant 0 : i32
      %dma_wait3A_88 = tpu.memref_slice %arg10[%add3A_16, %dma_wait3A_87] : memref<10240x128xf32, #tpu.memory_space<vmem_shared>> -> memref<80x128xf32, #tpu.memory_space<vmem_shared>>
      tpu.wait_dma2 semaphore(%run_scoped3A : memref<!tpu.dma_semaphore, #tpu.memory_space<semaphore_mem>>) src(%arg9 : memref<80x128xf32, #tpu.memory_space<vmem>>) dst(%dma_wait3A_88 : memref<80x128xf32, #tpu.memory_space<vmem_shared>>)
      tpu.yield
    }) : () -> ()
    %add3A_17 = arith.constant 560 : i32
    %add3A_18 = arith.addi %mul3A_2, %add3A_17 : i32
    "tpu.region"() ({
      %run_scoped3A = tpu.sem_alloc : memref<!tpu.dma_semaphore, #tpu.memory_space<semaphore_mem>>
      %dma_start3A = arith.constant 0 : i32
      %dma_start3A_83 = tpu.memref_slice %arg10[%add3A_18, %dma_start3A] : memref<10240x128xf32, #tpu.memory_space<vmem_shared>> -> memref<80x128xf32, #tpu.memory_space<vmem_shared>>
      %dma_start3A_84 = arith.constant 0 : i32
      %dma_start3A_85 = tpu.memref_slice %arg10[%add3A_18, %dma_start3A_84] : memref<10240x128xf32, #tpu.memory_space<vmem_shared>> -> memref<80x128xf32, #tpu.memory_space<vmem_shared>>
      tpu.enqueue_dma source(%arg9 : memref<80x128xf32, #tpu.memory_space<vmem>>) target(%dma_start3A_85 : memref<80x128xf32, #tpu.memory_space<vmem_shared>>) target_semaphore(%run_scoped3A : memref<!tpu.dma_semaphore, #tpu.memory_space<semaphore_mem>>)
      %dma_wait3A = arith.constant 0 : i32
      %dma_wait3A_86 = tpu.memref_slice %arg10[%add3A_18, %dma_wait3A] : memref<10240x128xf32, #tpu.memory_space<vmem_shared>> -> memref<80x128xf32, #tpu.memory_space<vmem_shared>>
      %dma_wait3A_87 = arith.constant 0 : i32
      %dma_wait3A_88 = tpu.memref_slice %arg10[%add3A_18, %dma_wait3A_87] : memref<10240x128xf32, #tpu.memory_space<vmem_shared>> -> memref<80x128xf32, #tpu.memory_space<vmem_shared>>
      tpu.wait_dma2 semaphore(%run_scoped3A : memref<!tpu.dma_semaphore, #tpu.memory_space<semaphore_mem>>) src(%arg9 : memref<80x128xf32, #tpu.memory_space<vmem>>) dst(%dma_wait3A_88 : memref<80x128xf32, #tpu.memory_space<vmem_shared>>)
      tpu.yield
    }) : () -> ()
    "tpu.region"() ({
      %run_scoped3A = tpu.sem_alloc : memref<!tpu.dma_semaphore, #tpu.memory_space<semaphore_mem>>
      tpu.enqueue_dma source(%arg2 : memref<80x128xf32, #tpu.memory_space<hbm>>) target(%arg9 : memref<80x128xf32, #tpu.memory_space<vmem>>) target_semaphore(%run_scoped3A : memref<!tpu.dma_semaphore, #tpu.memory_space<semaphore_mem>>)
      tpu.wait_dma2 semaphore(%run_scoped3A : memref<!tpu.dma_semaphore, #tpu.memory_space<semaphore_mem>>) src(%arg2 : memref<80x128xf32, #tpu.memory_space<hbm>>) dst(%arg9 : memref<80x128xf32, #tpu.memory_space<vmem>>)
      tpu.yield
    }) : () -> ()
    %barrier3A = arith.constant 0 : index
    tpu.barrier barrier_id(%barrier3A)
    %mul3A_19 = arith.constant 10320 : i32
    %mul3A_20 = arith.muli %add3A, %mul3A_19 : i32
    "tpu.region"() ({
      %run_scoped3A = tpu.sem_alloc : memref<!tpu.dma_semaphore, #tpu.memory_space<semaphore_mem>>
      %dma_start3A = tpu.memref_slice %arg4[%mul3A_20] : memref<330240xi32, #tpu.memory_space<hbm>> -> memref<80xi32, #tpu.memory_space<hbm>>
      %dma_start3A_83 = tpu.memref_slice %arg4[%mul3A_20] : memref<330240xi32, #tpu.memory_space<hbm>> -> memref<80xi32, #tpu.memory_space<hbm>>
      tpu.enqueue_dma source(%dma_start3A_83 : memref<80xi32, #tpu.memory_space<hbm>>) target(%arg7 : memref<80xi32, #tpu.memory_space<vmem>>) target_semaphore(%run_scoped3A : memref<!tpu.dma_semaphore, #tpu.memory_space<semaphore_mem>>)
      %dma_wait3A = tpu.memref_slice %arg4[%mul3A_20] : memref<330240xi32, #tpu.memory_space<hbm>> -> memref<80xi32, #tpu.memory_space<hbm>>
      %dma_wait3A_84 = tpu.memref_slice %arg4[%mul3A_20] : memref<330240xi32, #tpu.memory_space<hbm>> -> memref<80xi32, #tpu.memory_space<hbm>>
      tpu.wait_dma2 semaphore(%run_scoped3A : memref<!tpu.dma_semaphore, #tpu.memory_space<semaphore_mem>>) src(%dma_wait3A_84 : memref<80xi32, #tpu.memory_space<hbm>>) dst(%arg7 : memref<80xi32, #tpu.memory_space<vmem>>)
      tpu.yield
    }) : () -> ()
    %scan3A = arith.constant 0 : i32
    %scan3A_21 = arith.constant 0 : i32
    %scan3A_22 = arith.constant 64 : i32
    %scan3A_23 = arith.addi %scan3A_21, %scan3A_22 : i32
    %scan3A_24 = arith.constant 1 : i32
    scf.for %scan3A_83 = %scan3A_21 to %scan3A_23 step %scan3A_24  : i32 {
      %mul3A_84 = arith.constant 2 : i32
      %mul3A_85 = arith.muli %mul3A_84, %scan3A_83 : i32
      %add3A_86 = arith.constant 1 : i32
      %add3A_87 = arith.addi %mul3A_85, %add3A_86 : i32
      %mul3A_88 = arith.constant 2 : i32
      %mul3A_89 = arith.muli %mul3A_88, %scan3A_83 : i32
      %add3A_90 = arith.constant 2 : i32
      %add3A_91 = arith.addi %mul3A_89, %add3A_90 : i32
      %mul3A_92 = arith.constant 80 : i32
      %mul3A_93 = arith.muli %add3A_87, %mul3A_92 : i32
      %add3A_94 = arith.addi %mul3A_20, %mul3A_93 : i32
      "tpu.region"() ({
        %run_scoped3A = tpu.sem_alloc : memref<!tpu.dma_semaphore, #tpu.memory_space<semaphore_mem>>
        %dma_start3A = tpu.memref_slice %arg4[%add3A_94] : memref<330240xi32, #tpu.memory_space<hbm>> -> memref<80xi32, #tpu.memory_space<hbm>>
        %dma_start3A_98 = tpu.memref_slice %arg4[%add3A_94] : memref<330240xi32, #tpu.memory_space<hbm>> -> memref<80xi32, #tpu.memory_space<hbm>>
        tpu.enqueue_dma source(%dma_start3A_98 : memref<80xi32, #tpu.memory_space<hbm>>) target(%arg8 : memref<80xi32, #tpu.memory_space<vmem>>) target_semaphore(%run_scoped3A : memref<!tpu.dma_semaphore, #tpu.memory_space<semaphore_mem>>)
        %dma_wait3A = tpu.memref_slice %arg4[%add3A_94] : memref<330240xi32, #tpu.memory_space<hbm>> -> memref<80xi32, #tpu.memory_space<hbm>>
        %dma_wait3A_99 = tpu.memref_slice %arg4[%add3A_94] : memref<330240xi32, #tpu.memory_space<hbm>> -> memref<80xi32, #tpu.memory_space<hbm>>
        tpu.wait_dma2 semaphore(%run_scoped3A : memref<!tpu.dma_semaphore, #tpu.memory_space<semaphore_mem>>) src(%dma_wait3A_99 : memref<80xi32, #tpu.memory_space<hbm>>) dst(%arg8 : memref<80xi32, #tpu.memory_space<vmem>>)
        tpu.yield
      }) : () -> ()
      "tpu.region"() ({
        %run_scoped3A = tpu.sem_alloc : memref<!tpu.dma_semaphore, #tpu.memory_space<semaphore_mem>>
        %dma_start3A = arith.constant 0 : i32
        %dma_start3A_98 = arith.constant 0 : i32
        %dma_start3A_99 = tpu.memref_slice %arg10[%dma_start3A, %dma_start3A_98] : memref<10240x128xf32, #tpu.memory_space<vmem_shared>> -> memref<10240x128xf32, #tpu.memory_space<vmem_shared>>
        tpu.enqueue_indirect_dma source(%arg9 : memref<80x128xf32, #tpu.memory_space<vmem>>) target(%dma_start3A_99 : memref<10240x128xf32, #tpu.memory_space<vmem_shared>>) offsets(%arg7 : memref<80xi32, #tpu.memory_space<vmem>>) semaphore(%run_scoped3A : memref<!tpu.dma_semaphore, #tpu.memory_space<semaphore_mem>>) {add = true}
        %dma_wait3A = arith.constant 0 : i32
        %dma_wait3A_100 = arith.constant 0 : i32
        %dma_wait3A_101 = tpu.memref_slice %arg10[%dma_wait3A, %dma_wait3A_100] : memref<10240x128xf32, #tpu.memory_space<vmem_shared>> -> memref<10240x128xf32, #tpu.memory_space<vmem_shared>>
        tpu.wait_indirect_dma semaphore(%run_scoped3A : memref<!tpu.dma_semaphore, #tpu.memory_space<semaphore_mem>>) src(%arg9 : memref<80x128xf32, #tpu.memory_space<vmem>>) dst(%dma_wait3A_101 : memref<10240x128xf32, #tpu.memory_space<vmem_shared>>)
        tpu.yield
      }) : () -> ()
      %mul3A_95 = arith.constant 80 : i32
      %mul3A_96 = arith.muli %add3A_91, %mul3A_95 : i32
      %add3A_97 = arith.addi %mul3A_20, %mul3A_96 : i32
      "tpu.region"() ({
        %run_scoped3A = tpu.sem_alloc : memref<!tpu.dma_semaphore, #tpu.memory_space<semaphore_mem>>
        %dma_start3A = tpu.memref_slice %arg4[%add3A_97] : memref<330240xi32, #tpu.memory_space<hbm>> -> memref<80xi32, #tpu.memory_space<hbm>>
        %dma_start3A_98 = tpu.memref_slice %arg4[%add3A_97] : memref<330240xi32, #tpu.memory_space<hbm>> -> memref<80xi32, #tpu.memory_space<hbm>>
        tpu.enqueue_dma source(%dma_start3A_98 : memref<80xi32, #tpu.memory_space<hbm>>) target(%arg7 : memref<80xi32, #tpu.memory_space<vmem>>) target_semaphore(%run_scoped3A : memref<!tpu.dma_semaphore, #tpu.memory_space<semaphore_mem>>)
        %dma_wait3A = tpu.memref_slice %arg4[%add3A_97] : memref<330240xi32, #tpu.memory_space<hbm>> -> memref<80xi32, #tpu.memory_space<hbm>>
        %dma_wait3A_99 = tpu.memref_slice %arg4[%add3A_97] : memref<330240xi32, #tpu.memory_space<hbm>> -> memref<80xi32, #tpu.memory_space<hbm>>
        tpu.wait_dma2 semaphore(%run_scoped3A : memref<!tpu.dma_semaphore, #tpu.memory_space<semaphore_mem>>) src(%dma_wait3A_99 : memref<80xi32, #tpu.memory_space<hbm>>) dst(%arg7 : memref<80xi32, #tpu.memory_space<vmem>>)
        tpu.yield
      }) : () -> ()
      "tpu.region"() ({
        %run_scoped3A = tpu.sem_alloc : memref<!tpu.dma_semaphore, #tpu.memory_space<semaphore_mem>>
        %dma_start3A = arith.constant 0 : i32
        %dma_start3A_98 = arith.constant 0 : i32
        %dma_start3A_99 = tpu.memref_slice %arg10[%dma_start3A, %dma_start3A_98] : memref<10240x128xf32, #tpu.memory_space<vmem_shared>> -> memref<10240x128xf32, #tpu.memory_space<vmem_shared>>
        tpu.enqueue_indirect_dma source(%arg9 : memref<80x128xf32, #tpu.memory_space<vmem>>) target(%dma_start3A_99 : memref<10240x128xf32, #tpu.memory_space<vmem_shared>>) offsets(%arg8 : memref<80xi32, #tpu.memory_space<vmem>>) semaphore(%run_scoped3A : memref<!tpu.dma_semaphore, #tpu.memory_space<semaphore_mem>>) {add = true}
        %dma_wait3A = arith.constant 0 : i32
        %dma_wait3A_100 = arith.constant 0 : i32
        %dma_wait3A_101 = tpu.memref_slice %arg10[%dma_wait3A, %dma_wait3A_100] : memref<10240x128xf32, #tpu.memory_space<vmem_shared>> -> memref<10240x128xf32, #tpu.memory_space<vmem_shared>>
        tpu.wait_indirect_dma semaphore(%run_scoped3A : memref<!tpu.dma_semaphore, #tpu.memory_space<semaphore_mem>>) src(%arg9 : memref<80x128xf32, #tpu.memory_space<vmem>>) dst(%dma_wait3A_101 : memref<10240x128xf32, #tpu.memory_space<vmem_shared>>)
        tpu.yield
      }) : () -> ()
    }
    %scan3A_25 = arith.constant 64 : i32
    %barrier3A_26 = arith.constant 0 : index
    tpu.barrier barrier_id(%barrier3A_26)
    %add3A_27 = arith.constant 0 : i32
    %add3A_28 = arith.addi %mul3A_2, %add3A_27 : i32
    "tpu.region"() ({
      %run_scoped3A = tpu.sem_alloc : memref<!tpu.dma_semaphore, #tpu.memory_space<semaphore_mem>>
      %dma_start3A = arith.constant 0 : i32
      %dma_start3A_83 = tpu.memref_slice %arg10[%add3A_28, %dma_start3A] : memref<10240x128xf32, #tpu.memory_space<vmem_shared>> -> memref<80x128xf32, #tpu.memory_space<vmem_shared>>
      %dma_start3A_84 = arith.constant 0 : i32
      %dma_start3A_85 = tpu.memref_slice %arg10[%add3A_28, %dma_start3A_84] : memref<10240x128xf32, #tpu.memory_space<vmem_shared>> -> memref<80x128xf32, #tpu.memory_space<vmem_shared>>
      tpu.enqueue_dma source(%dma_start3A_85 : memref<80x128xf32, #tpu.memory_space<vmem_shared>>) target(%arg9 : memref<80x128xf32, #tpu.memory_space<vmem>>) target_semaphore(%run_scoped3A : memref<!tpu.dma_semaphore, #tpu.memory_space<semaphore_mem>>)
      %dma_wait3A = arith.constant 0 : i32
      %dma_wait3A_86 = tpu.memref_slice %arg10[%add3A_28, %dma_wait3A] : memref<10240x128xf32, #tpu.memory_space<vmem_shared>> -> memref<80x128xf32, #tpu.memory_space<vmem_shared>>
      %dma_wait3A_87 = arith.constant 0 : i32
      %dma_wait3A_88 = tpu.memref_slice %arg10[%add3A_28, %dma_wait3A_87] : memref<10240x128xf32, #tpu.memory_space<vmem_shared>> -> memref<80x128xf32, #tpu.memory_space<vmem_shared>>
      tpu.wait_dma2 semaphore(%run_scoped3A : memref<!tpu.dma_semaphore, #tpu.memory_space<semaphore_mem>>) src(%dma_wait3A_88 : memref<80x128xf32, #tpu.memory_space<vmem_shared>>) dst(%arg9 : memref<80x128xf32, #tpu.memory_space<vmem>>)
      tpu.yield
    }) : () -> ()
    %mul3A_29 = arith.constant 10240 : i32
    %mul3A_30 = arith.muli %arg0, %mul3A_29 : i32
    %add3A_31 = arith.addi %mul3A_30, %mul3A_2 : i32
    %add3A_32 = arith.constant 0 : i32
    %add3A_33 = arith.addi %add3A_31, %add3A_32 : i32
    "tpu.region"() ({
      %run_scoped3A = tpu.sem_alloc : memref<!tpu.dma_semaphore, #tpu.memory_space<semaphore_mem>>
      %dma_start3A = arith.constant 0 : i32
      %dma_start3A_83 = tpu.memref_slice %arg6[%add3A_33, %dma_start3A] : memref<20480x128xf32, #tpu.memory_space<hbm>> -> memref<80x128xf32, #tpu.memory_space<hbm>>
      %dma_start3A_84 = arith.constant 0 : i32
      %dma_start3A_85 = tpu.memref_slice %arg6[%add3A_33, %dma_start3A_84] : memref<20480x128xf32, #tpu.memory_space<hbm>> -> memref<80x128xf32, #tpu.memory_space<hbm>>
      tpu.enqueue_dma source(%arg9 : memref<80x128xf32, #tpu.memory_space<vmem>>) target(%dma_start3A_85 : memref<80x128xf32, #tpu.memory_space<hbm>>) target_semaphore(%run_scoped3A : memref<!tpu.dma_semaphore, #tpu.memory_space<semaphore_mem>>)
      %dma_wait3A = arith.constant 0 : i32
      %dma_wait3A_86 = tpu.memref_slice %arg6[%add3A_33, %dma_wait3A] : memref<20480x128xf32, #tpu.memory_space<hbm>> -> memref<80x128xf32, #tpu.memory_space<hbm>>
      %dma_wait3A_87 = arith.constant 0 : i32
      %dma_wait3A_88 = tpu.memref_slice %arg6[%add3A_33, %dma_wait3A_87] : memref<20480x128xf32, #tpu.memory_space<hbm>> -> memref<80x128xf32, #tpu.memory_space<hbm>>
      tpu.wait_dma2 semaphore(%run_scoped3A : memref<!tpu.dma_semaphore, #tpu.memory_space<semaphore_mem>>) src(%arg9 : memref<80x128xf32, #tpu.memory_space<vmem>>) dst(%dma_wait3A_88 : memref<80x128xf32, #tpu.memory_space<hbm>>)
      tpu.yield
    }) : () -> ()
    %add3A_34 = arith.constant 80 : i32
    %add3A_35 = arith.addi %mul3A_2, %add3A_34 : i32
    "tpu.region"() ({
      %run_scoped3A = tpu.sem_alloc : memref<!tpu.dma_semaphore, #tpu.memory_space<semaphore_mem>>
      %dma_start3A = arith.constant 0 : i32
      %dma_start3A_83 = tpu.memref_slice %arg10[%add3A_35, %dma_start3A] : memref<10240x128xf32, #tpu.memory_space<vmem_shared>> -> memref<80x128xf32, #tpu.memory_space<vmem_shared>>
      %dma_start3A_84 = arith.constant 0 : i32
      %dma_start3A_85 = tpu.memref_slice %arg10[%add3A_35, %dma_start3A_84] : memref<10240x128xf32, #tpu.memory_space<vmem_shared>> -> memref<80x128xf32, #tpu.memory_space<vmem_shared>>
      tpu.enqueue_dma source(%dma_start3A_85 : memref<80x128xf32, #tpu.memory_space<vmem_shared>>) target(%arg9 : memref<80x128xf32, #tpu.memory_space<vmem>>) target_semaphore(%run_scoped3A : memref<!tpu.dma_semaphore, #tpu.memory_space<semaphore_mem>>)
      %dma_wait3A = arith.constant 0 : i32
      %dma_wait3A_86 = tpu.memref_slice %arg10[%add3A_35, %dma_wait3A] : memref<10240x128xf32, #tpu.memory_space<vmem_shared>> -> memref<80x128xf32, #tpu.memory_space<vmem_shared>>
      %dma_wait3A_87 = arith.constant 0 : i32
      %dma_wait3A_88 = tpu.memref_slice %arg10[%add3A_35, %dma_wait3A_87] : memref<10240x128xf32, #tpu.memory_space<vmem_shared>> -> memref<80x128xf32, #tpu.memory_space<vmem_shared>>
      tpu.wait_dma2 semaphore(%run_scoped3A : memref<!tpu.dma_semaphore, #tpu.memory_space<semaphore_mem>>) src(%dma_wait3A_88 : memref<80x128xf32, #tpu.memory_space<vmem_shared>>) dst(%arg9 : memref<80x128xf32, #tpu.memory_space<vmem>>)
      tpu.yield
    }) : () -> ()
    %mul3A_36 = arith.constant 10240 : i32
    %mul3A_37 = arith.muli %arg0, %mul3A_36 : i32
    %add3A_38 = arith.addi %mul3A_37, %mul3A_2 : i32
    %add3A_39 = arith.constant 80 : i32
    %add3A_40 = arith.addi %add3A_38, %add3A_39 : i32
    "tpu.region"() ({
      %run_scoped3A = tpu.sem_alloc : memref<!tpu.dma_semaphore, #tpu.memory_space<semaphore_mem>>
      %dma_start3A = arith.constant 0 : i32
      %dma_start3A_83 = tpu.memref_slice %arg6[%add3A_40, %dma_start3A] : memref<20480x128xf32, #tpu.memory_space<hbm>> -> memref<80x128xf32, #tpu.memory_space<hbm>>
      %dma_start3A_84 = arith.constant 0 : i32
      %dma_start3A_85 = tpu.memref_slice %arg6[%add3A_40, %dma_start3A_84] : memref<20480x128xf32, #tpu.memory_space<hbm>> -> memref<80x128xf32, #tpu.memory_space<hbm>>
      tpu.enqueue_dma source(%arg9 : memref<80x128xf32, #tpu.memory_space<vmem>>) target(%dma_start3A_85 : memref<80x128xf32, #tpu.memory_space<hbm>>) target_semaphore(%run_scoped3A : memref<!tpu.dma_semaphore, #tpu.memory_space<semaphore_mem>>)
      %dma_wait3A = arith.constant 0 : i32
      %dma_wait3A_86 = tpu.memref_slice %arg6[%add3A_40, %dma_wait3A] : memref<20480x128xf32, #tpu.memory_space<hbm>> -> memref<80x128xf32, #tpu.memory_space<hbm>>
      %dma_wait3A_87 = arith.constant 0 : i32
      %dma_wait3A_88 = tpu.memref_slice %arg6[%add3A_40, %dma_wait3A_87] : memref<20480x128xf32, #tpu.memory_space<hbm>> -> memref<80x128xf32, #tpu.memory_space<hbm>>
      tpu.wait_dma2 semaphore(%run_scoped3A : memref<!tpu.dma_semaphore, #tpu.memory_space<semaphore_mem>>) src(%arg9 : memref<80x128xf32, #tpu.memory_space<vmem>>) dst(%dma_wait3A_88 : memref<80x128xf32, #tpu.memory_space<hbm>>)
      tpu.yield
    }) : () -> ()
    %add3A_41 = arith.constant 160 : i32
    %add3A_42 = arith.addi %mul3A_2, %add3A_41 : i32
    "tpu.region"() ({
      %run_scoped3A = tpu.sem_alloc : memref<!tpu.dma_semaphore, #tpu.memory_space<semaphore_mem>>
      %dma_start3A = arith.constant 0 : i32
      %dma_start3A_83 = tpu.memref_slice %arg10[%add3A_42, %dma_start3A] : memref<10240x128xf32, #tpu.memory_space<vmem_shared>> -> memref<80x128xf32, #tpu.memory_space<vmem_shared>>
      %dma_start3A_84 = arith.constant 0 : i32
      %dma_start3A_85 = tpu.memref_slice %arg10[%add3A_42, %dma_start3A_84] : memref<10240x128xf32, #tpu.memory_space<vmem_shared>> -> memref<80x128xf32, #tpu.memory_space<vmem_shared>>
      tpu.enqueue_dma source(%dma_start3A_85 : memref<80x128xf32, #tpu.memory_space<vmem_shared>>) target(%arg9 : memref<80x128xf32, #tpu.memory_space<vmem>>) target_semaphore(%run_scoped3A : memref<!tpu.dma_semaphore, #tpu.memory_space<semaphore_mem>>)
      %dma_wait3A = arith.constant 0 : i32
      %dma_wait3A_86 = tpu.memref_slice %arg10[%add3A_42, %dma_wait3A] : memref<10240x128xf32, #tpu.memory_space<vmem_shared>> -> memref<80x128xf32, #tpu.memory_space<vmem_shared>>
      %dma_wait3A_87 = arith.constant 0 : i32
      %dma_wait3A_88 = tpu.memref_slice %arg10[%add3A_42, %dma_wait3A_87] : memref<10240x128xf32, #tpu.memory_space<vmem_shared>> -> memref<80x128xf32, #tpu.memory_space<vmem_shared>>
      tpu.wait_dma2 semaphore(%run_scoped3A : memref<!tpu.dma_semaphore, #tpu.memory_space<semaphore_mem>>) src(%dma_wait3A_88 : memref<80x128xf32, #tpu.memory_space<vmem_shared>>) dst(%arg9 : memref<80x128xf32, #tpu.memory_space<vmem>>)
      tpu.yield
    }) : () -> ()
    %mul3A_43 = arith.constant 10240 : i32
    %mul3A_44 = arith.muli %arg0, %mul3A_43 : i32
    %add3A_45 = arith.addi %mul3A_44, %mul3A_2 : i32
    %add3A_46 = arith.constant 160 : i32
    %add3A_47 = arith.addi %add3A_45, %add3A_46 : i32
    "tpu.region"() ({
      %run_scoped3A = tpu.sem_alloc : memref<!tpu.dma_semaphore, #tpu.memory_space<semaphore_mem>>
      %dma_start3A = arith.constant 0 : i32
      %dma_start3A_83 = tpu.memref_slice %arg6[%add3A_47, %dma_start3A] : memref<20480x128xf32, #tpu.memory_space<hbm>> -> memref<80x128xf32, #tpu.memory_space<hbm>>
      %dma_start3A_84 = arith.constant 0 : i32
      %dma_start3A_85 = tpu.memref_slice %arg6[%add3A_47, %dma_start3A_84] : memref<20480x128xf32, #tpu.memory_space<hbm>> -> memref<80x128xf32, #tpu.memory_space<hbm>>
      tpu.enqueue_dma source(%arg9 : memref<80x128xf32, #tpu.memory_space<vmem>>) target(%dma_start3A_85 : memref<80x128xf32, #tpu.memory_space<hbm>>) target_semaphore(%run_scoped3A : memref<!tpu.dma_semaphore, #tpu.memory_space<semaphore_mem>>)
      %dma_wait3A = arith.constant 0 : i32
      %dma_wait3A_86 = tpu.memref_slice %arg6[%add3A_47, %dma_wait3A] : memref<20480x128xf32, #tpu.memory_space<hbm>> -> memref<80x128xf32, #tpu.memory_space<hbm>>
      %dma_wait3A_87 = arith.constant 0 : i32
      %dma_wait3A_88 = tpu.memref_slice %arg6[%add3A_47, %dma_wait3A_87] : memref<20480x128xf32, #tpu.memory_space<hbm>> -> memref<80x128xf32, #tpu.memory_space<hbm>>
      tpu.wait_dma2 semaphore(%run_scoped3A : memref<!tpu.dma_semaphore, #tpu.memory_space<semaphore_mem>>) src(%arg9 : memref<80x128xf32, #tpu.memory_space<vmem>>) dst(%dma_wait3A_88 : memref<80x128xf32, #tpu.memory_space<hbm>>)
      tpu.yield
    }) : () -> ()
    %add3A_48 = arith.constant 240 : i32
    %add3A_49 = arith.addi %mul3A_2, %add3A_48 : i32
    "tpu.region"() ({
      %run_scoped3A = tpu.sem_alloc : memref<!tpu.dma_semaphore, #tpu.memory_space<semaphore_mem>>
      %dma_start3A = arith.constant 0 : i32
      %dma_start3A_83 = tpu.memref_slice %arg10[%add3A_49, %dma_start3A] : memref<10240x128xf32, #tpu.memory_space<vmem_shared>> -> memref<80x128xf32, #tpu.memory_space<vmem_shared>>
      %dma_start3A_84 = arith.constant 0 : i32
      %dma_start3A_85 = tpu.memref_slice %arg10[%add3A_49, %dma_start3A_84] : memref<10240x128xf32, #tpu.memory_space<vmem_shared>> -> memref<80x128xf32, #tpu.memory_space<vmem_shared>>
      tpu.enqueue_dma source(%dma_start3A_85 : memref<80x128xf32, #tpu.memory_space<vmem_shared>>) target(%arg9 : memref<80x128xf32, #tpu.memory_space<vmem>>) target_semaphore(%run_scoped3A : memref<!tpu.dma_semaphore, #tpu.memory_space<semaphore_mem>>)
      %dma_wait3A = arith.constant 0 : i32
      %dma_wait3A_86 = tpu.memref_slice %arg10[%add3A_49, %dma_wait3A] : memref<10240x128xf32, #tpu.memory_space<vmem_shared>> -> memref<80x128xf32, #tpu.memory_space<vmem_shared>>
      %dma_wait3A_87 = arith.constant 0 : i32
      %dma_wait3A_88 = tpu.memref_slice %arg10[%add3A_49, %dma_wait3A_87] : memref<10240x128xf32, #tpu.memory_space<vmem_shared>> -> memref<80x128xf32, #tpu.memory_space<vmem_shared>>
      tpu.wait_dma2 semaphore(%run_scoped3A : memref<!tpu.dma_semaphore, #tpu.memory_space<semaphore_mem>>) src(%dma_wait3A_88 : memref<80x128xf32, #tpu.memory_space<vmem_shared>>) dst(%arg9 : memref<80x128xf32, #tpu.memory_space<vmem>>)
      tpu.yield
    }) : () -> ()
    %mul3A_50 = arith.constant 10240 : i32
    %mul3A_51 = arith.muli %arg0, %mul3A_50 : i32
    %add3A_52 = arith.addi %mul3A_51, %mul3A_2 : i32
    %add3A_53 = arith.constant 240 : i32
    %add3A_54 = arith.addi %add3A_52, %add3A_53 : i32
    "tpu.region"() ({
      %run_scoped3A = tpu.sem_alloc : memref<!tpu.dma_semaphore, #tpu.memory_space<semaphore_mem>>
      %dma_start3A = arith.constant 0 : i32
      %dma_start3A_83 = tpu.memref_slice %arg6[%add3A_54, %dma_start3A] : memref<20480x128xf32, #tpu.memory_space<hbm>> -> memref<80x128xf32, #tpu.memory_space<hbm>>
      %dma_start3A_84 = arith.constant 0 : i32
      %dma_start3A_85 = tpu.memref_slice %arg6[%add3A_54, %dma_start3A_84] : memref<20480x128xf32, #tpu.memory_space<hbm>> -> memref<80x128xf32, #tpu.memory_space<hbm>>
      tpu.enqueue_dma source(%arg9 : memref<80x128xf32, #tpu.memory_space<vmem>>) target(%dma_start3A_85 : memref<80x128xf32, #tpu.memory_space<hbm>>) target_semaphore(%run_scoped3A : memref<!tpu.dma_semaphore, #tpu.memory_space<semaphore_mem>>)
      %dma_wait3A = arith.constant 0 : i32
      %dma_wait3A_86 = tpu.memref_slice %arg6[%add3A_54, %dma_wait3A] : memref<20480x128xf32, #tpu.memory_space<hbm>> -> memref<80x128xf32, #tpu.memory_space<hbm>>
      %dma_wait3A_87 = arith.constant 0 : i32
      %dma_wait3A_88 = tpu.memref_slice %arg6[%add3A_54, %dma_wait3A_87] : memref<20480x128xf32, #tpu.memory_space<hbm>> -> memref<80x128xf32, #tpu.memory_space<hbm>>
      tpu.wait_dma2 semaphore(%run_scoped3A : memref<!tpu.dma_semaphore, #tpu.memory_space<semaphore_mem>>) src(%arg9 : memref<80x128xf32, #tpu.memory_space<vmem>>) dst(%dma_wait3A_88 : memref<80x128xf32, #tpu.memory_space<hbm>>)
      tpu.yield
    }) : () -> ()
    %add3A_55 = arith.constant 320 : i32
    %add3A_56 = arith.addi %mul3A_2, %add3A_55 : i32
    "tpu.region"() ({
      %run_scoped3A = tpu.sem_alloc : memref<!tpu.dma_semaphore, #tpu.memory_space<semaphore_mem>>
      %dma_start3A = arith.constant 0 : i32
      %dma_start3A_83 = tpu.memref_slice %arg10[%add3A_56, %dma_start3A] : memref<10240x128xf32, #tpu.memory_space<vmem_shared>> -> memref<80x128xf32, #tpu.memory_space<vmem_shared>>
      %dma_start3A_84 = arith.constant 0 : i32
      %dma_start3A_85 = tpu.memref_slice %arg10[%add3A_56, %dma_start3A_84] : memref<10240x128xf32, #tpu.memory_space<vmem_shared>> -> memref<80x128xf32, #tpu.memory_space<vmem_shared>>
      tpu.enqueue_dma source(%dma_start3A_85 : memref<80x128xf32, #tpu.memory_space<vmem_shared>>) target(%arg9 : memref<80x128xf32, #tpu.memory_space<vmem>>) target_semaphore(%run_scoped3A : memref<!tpu.dma_semaphore, #tpu.memory_space<semaphore_mem>>)
      %dma_wait3A = arith.constant 0 : i32
      %dma_wait3A_86 = tpu.memref_slice %arg10[%add3A_56, %dma_wait3A] : memref<10240x128xf32, #tpu.memory_space<vmem_shared>> -> memref<80x128xf32, #tpu.memory_space<vmem_shared>>
      %dma_wait3A_87 = arith.constant 0 : i32
      %dma_wait3A_88 = tpu.memref_slice %arg10[%add3A_56, %dma_wait3A_87] : memref<10240x128xf32, #tpu.memory_space<vmem_shared>> -> memref<80x128xf32, #tpu.memory_space<vmem_shared>>
      tpu.wait_dma2 semaphore(%run_scoped3A : memref<!tpu.dma_semaphore, #tpu.memory_space<semaphore_mem>>) src(%dma_wait3A_88 : memref<80x128xf32, #tpu.memory_space<vmem_shared>>) dst(%arg9 : memref<80x128xf32, #tpu.memory_space<vmem>>)
      tpu.yield
    }) : () -> ()
    %mul3A_57 = arith.constant 10240 : i32
    %mul3A_58 = arith.muli %arg0, %mul3A_57 : i32
    %add3A_59 = arith.addi %mul3A_58, %mul3A_2 : i32
    %add3A_60 = arith.constant 320 : i32
    %add3A_61 = arith.addi %add3A_59, %add3A_60 : i32
    "tpu.region"() ({
      %run_scoped3A = tpu.sem_alloc : memref<!tpu.dma_semaphore, #tpu.memory_space<semaphore_mem>>
      %dma_start3A = arith.constant 0 : i32
      %dma_start3A_83 = tpu.memref_slice %arg6[%add3A_61, %dma_start3A] : memref<20480x128xf32, #tpu.memory_space<hbm>> -> memref<80x128xf32, #tpu.memory_space<hbm>>
      %dma_start3A_84 = arith.constant 0 : i32
      %dma_start3A_85 = tpu.memref_slice %arg6[%add3A_61, %dma_start3A_84] : memref<20480x128xf32, #tpu.memory_space<hbm>> -> memref<80x128xf32, #tpu.memory_space<hbm>>
      tpu.enqueue_dma source(%arg9 : memref<80x128xf32, #tpu.memory_space<vmem>>) target(%dma_start3A_85 : memref<80x128xf32, #tpu.memory_space<hbm>>) target_semaphore(%run_scoped3A : memref<!tpu.dma_semaphore, #tpu.memory_space<semaphore_mem>>)
      %dma_wait3A = arith.constant 0 : i32
      %dma_wait3A_86 = tpu.memref_slice %arg6[%add3A_61, %dma_wait3A] : memref<20480x128xf32, #tpu.memory_space<hbm>> -> memref<80x128xf32, #tpu.memory_space<hbm>>
      %dma_wait3A_87 = arith.constant 0 : i32
      %dma_wait3A_88 = tpu.memref_slice %arg6[%add3A_61, %dma_wait3A_87] : memref<20480x128xf32, #tpu.memory_space<hbm>> -> memref<80x128xf32, #tpu.memory_space<hbm>>
      tpu.wait_dma2 semaphore(%run_scoped3A : memref<!tpu.dma_semaphore, #tpu.memory_space<semaphore_mem>>) src(%arg9 : memref<80x128xf32, #tpu.memory_space<vmem>>) dst(%dma_wait3A_88 : memref<80x128xf32, #tpu.memory_space<hbm>>)
      tpu.yield
    }) : () -> ()
    %add3A_62 = arith.constant 400 : i32
    %add3A_63 = arith.addi %mul3A_2, %add3A_62 : i32
    "tpu.region"() ({
      %run_scoped3A = tpu.sem_alloc : memref<!tpu.dma_semaphore, #tpu.memory_space<semaphore_mem>>
      %dma_start3A = arith.constant 0 : i32
      %dma_start3A_83 = tpu.memref_slice %arg10[%add3A_63, %dma_start3A] : memref<10240x128xf32, #tpu.memory_space<vmem_shared>> -> memref<80x128xf32, #tpu.memory_space<vmem_shared>>
      %dma_start3A_84 = arith.constant 0 : i32
      %dma_start3A_85 = tpu.memref_slice %arg10[%add3A_63, %dma_start3A_84] : memref<10240x128xf32, #tpu.memory_space<vmem_shared>> -> memref<80x128xf32, #tpu.memory_space<vmem_shared>>
      tpu.enqueue_dma source(%dma_start3A_85 : memref<80x128xf32, #tpu.memory_space<vmem_shared>>) target(%arg9 : memref<80x128xf32, #tpu.memory_space<vmem>>) target_semaphore(%run_scoped3A : memref<!tpu.dma_semaphore, #tpu.memory_space<semaphore_mem>>)
      %dma_wait3A = arith.constant 0 : i32
      %dma_wait3A_86 = tpu.memref_slice %arg10[%add3A_63, %dma_wait3A] : memref<10240x128xf32, #tpu.memory_space<vmem_shared>> -> memref<80x128xf32, #tpu.memory_space<vmem_shared>>
      %dma_wait3A_87 = arith.constant 0 : i32
      %dma_wait3A_88 = tpu.memref_slice %arg10[%add3A_63, %dma_wait3A_87] : memref<10240x128xf32, #tpu.memory_space<vmem_shared>> -> memref<80x128xf32, #tpu.memory_space<vmem_shared>>
      tpu.wait_dma2 semaphore(%run_scoped3A : memref<!tpu.dma_semaphore, #tpu.memory_space<semaphore_mem>>) src(%dma_wait3A_88 : memref<80x128xf32, #tpu.memory_space<vmem_shared>>) dst(%arg9 : memref<80x128xf32, #tpu.memory_space<vmem>>)
      tpu.yield
    }) : () -> ()
    %mul3A_64 = arith.constant 10240 : i32
    %mul3A_65 = arith.muli %arg0, %mul3A_64 : i32
    %add3A_66 = arith.addi %mul3A_65, %mul3A_2 : i32
    %add3A_67 = arith.constant 400 : i32
    %add3A_68 = arith.addi %add3A_66, %add3A_67 : i32
    "tpu.region"() ({
      %run_scoped3A = tpu.sem_alloc : memref<!tpu.dma_semaphore, #tpu.memory_space<semaphore_mem>>
      %dma_start3A = arith.constant 0 : i32
      %dma_start3A_83 = tpu.memref_slice %arg6[%add3A_68, %dma_start3A] : memref<20480x128xf32, #tpu.memory_space<hbm>> -> memref<80x128xf32, #tpu.memory_space<hbm>>
      %dma_start3A_84 = arith.constant 0 : i32
      %dma_start3A_85 = tpu.memref_slice %arg6[%add3A_68, %dma_start3A_84] : memref<20480x128xf32, #tpu.memory_space<hbm>> -> memref<80x128xf32, #tpu.memory_space<hbm>>
      tpu.enqueue_dma source(%arg9 : memref<80x128xf32, #tpu.memory_space<vmem>>) target(%dma_start3A_85 : memref<80x128xf32, #tpu.memory_space<hbm>>) target_semaphore(%run_scoped3A : memref<!tpu.dma_semaphore, #tpu.memory_space<semaphore_mem>>)
      %dma_wait3A = arith.constant 0 : i32
      %dma_wait3A_86 = tpu.memref_slice %arg6[%add3A_68, %dma_wait3A] : memref<20480x128xf32, #tpu.memory_space<hbm>> -> memref<80x128xf32, #tpu.memory_space<hbm>>
      %dma_wait3A_87 = arith.constant 0 : i32
      %dma_wait3A_88 = tpu.memref_slice %arg6[%add3A_68, %dma_wait3A_87] : memref<20480x128xf32, #tpu.memory_space<hbm>> -> memref<80x128xf32, #tpu.memory_space<hbm>>
      tpu.wait_dma2 semaphore(%run_scoped3A : memref<!tpu.dma_semaphore, #tpu.memory_space<semaphore_mem>>) src(%arg9 : memref<80x128xf32, #tpu.memory_space<vmem>>) dst(%dma_wait3A_88 : memref<80x128xf32, #tpu.memory_space<hbm>>)
      tpu.yield
    }) : () -> ()
    %add3A_69 = arith.constant 480 : i32
    %add3A_70 = arith.addi %mul3A_2, %add3A_69 : i32
    "tpu.region"() ({
      %run_scoped3A = tpu.sem_alloc : memref<!tpu.dma_semaphore, #tpu.memory_space<semaphore_mem>>
      %dma_start3A = arith.constant 0 : i32
      %dma_start3A_83 = tpu.memref_slice %arg10[%add3A_70, %dma_start3A] : memref<10240x128xf32, #tpu.memory_space<vmem_shared>> -> memref<80x128xf32, #tpu.memory_space<vmem_shared>>
      %dma_start3A_84 = arith.constant 0 : i32
      %dma_start3A_85 = tpu.memref_slice %arg10[%add3A_70, %dma_start3A_84] : memref<10240x128xf32, #tpu.memory_space<vmem_shared>> -> memref<80x128xf32, #tpu.memory_space<vmem_shared>>
      tpu.enqueue_dma source(%dma_start3A_85 : memref<80x128xf32, #tpu.memory_space<vmem_shared>>) target(%arg9 : memref<80x128xf32, #tpu.memory_space<vmem>>) target_semaphore(%run_scoped3A : memref<!tpu.dma_semaphore, #tpu.memory_space<semaphore_mem>>)
      %dma_wait3A = arith.constant 0 : i32
      %dma_wait3A_86 = tpu.memref_slice %arg10[%add3A_70, %dma_wait3A] : memref<10240x128xf32, #tpu.memory_space<vmem_shared>> -> memref<80x128xf32, #tpu.memory_space<vmem_shared>>
      %dma_wait3A_87 = arith.constant 0 : i32
      %dma_wait3A_88 = tpu.memref_slice %arg10[%add3A_70, %dma_wait3A_87] : memref<10240x128xf32, #tpu.memory_space<vmem_shared>> -> memref<80x128xf32, #tpu.memory_space<vmem_shared>>
      tpu.wait_dma2 semaphore(%run_scoped3A : memref<!tpu.dma_semaphore, #tpu.memory_space<semaphore_mem>>) src(%dma_wait3A_88 : memref<80x128xf32, #tpu.memory_space<vmem_shared>>) dst(%arg9 : memref<80x128xf32, #tpu.memory_space<vmem>>)
      tpu.yield
    }) : () -> ()
    %mul3A_71 = arith.constant 10240 : i32
    %mul3A_72 = arith.muli %arg0, %mul3A_71 : i32
    %add3A_73 = arith.addi %mul3A_72, %mul3A_2 : i32
    %add3A_74 = arith.constant 480 : i32
    %add3A_75 = arith.addi %add3A_73, %add3A_74 : i32
    "tpu.region"() ({
      %run_scoped3A = tpu.sem_alloc : memref<!tpu.dma_semaphore, #tpu.memory_space<semaphore_mem>>
      %dma_start3A = arith.constant 0 : i32
      %dma_start3A_83 = tpu.memref_slice %arg6[%add3A_75, %dma_start3A] : memref<20480x128xf32, #tpu.memory_space<hbm>> -> memref<80x128xf32, #tpu.memory_space<hbm>>
      %dma_start3A_84 = arith.constant 0 : i32
      %dma_start3A_85 = tpu.memref_slice %arg6[%add3A_75, %dma_start3A_84] : memref<20480x128xf32, #tpu.memory_space<hbm>> -> memref<80x128xf32, #tpu.memory_space<hbm>>
      tpu.enqueue_dma source(%arg9 : memref<80x128xf32, #tpu.memory_space<vmem>>) target(%dma_start3A_85 : memref<80x128xf32, #tpu.memory_space<hbm>>) target_semaphore(%run_scoped3A : memref<!tpu.dma_semaphore, #tpu.memory_space<semaphore_mem>>)
      %dma_wait3A = arith.constant 0 : i32
      %dma_wait3A_86 = tpu.memref_slice %arg6[%add3A_75, %dma_wait3A] : memref<20480x128xf32, #tpu.memory_space<hbm>> -> memref<80x128xf32, #tpu.memory_space<hbm>>
      %dma_wait3A_87 = arith.constant 0 : i32
      %dma_wait3A_88 = tpu.memref_slice %arg6[%add3A_75, %dma_wait3A_87] : memref<20480x128xf32, #tpu.memory_space<hbm>> -> memref<80x128xf32, #tpu.memory_space<hbm>>
      tpu.wait_dma2 semaphore(%run_scoped3A : memref<!tpu.dma_semaphore, #tpu.memory_space<semaphore_mem>>) src(%arg9 : memref<80x128xf32, #tpu.memory_space<vmem>>) dst(%dma_wait3A_88 : memref<80x128xf32, #tpu.memory_space<hbm>>)
      tpu.yield
    }) : () -> ()
    %add3A_76 = arith.constant 560 : i32
    %add3A_77 = arith.addi %mul3A_2, %add3A_76 : i32
    "tpu.region"() ({
      %run_scoped3A = tpu.sem_alloc : memref<!tpu.dma_semaphore, #tpu.memory_space<semaphore_mem>>
      %dma_start3A = arith.constant 0 : i32
      %dma_start3A_83 = tpu.memref_slice %arg10[%add3A_77, %dma_start3A] : memref<10240x128xf32, #tpu.memory_space<vmem_shared>> -> memref<80x128xf32, #tpu.memory_space<vmem_shared>>
      %dma_start3A_84 = arith.constant 0 : i32
      %dma_start3A_85 = tpu.memref_slice %arg10[%add3A_77, %dma_start3A_84] : memref<10240x128xf32, #tpu.memory_space<vmem_shared>> -> memref<80x128xf32, #tpu.memory_space<vmem_shared>>
      tpu.enqueue_dma source(%dma_start3A_85 : memref<80x128xf32, #tpu.memory_space<vmem_shared>>) target(%arg9 : memref<80x128xf32, #tpu.memory_space<vmem>>) target_semaphore(%run_scoped3A : memref<!tpu.dma_semaphore, #tpu.memory_space<semaphore_mem>>)
      %dma_wait3A = arith.constant 0 : i32
      %dma_wait3A_86 = tpu.memref_slice %arg10[%add3A_77, %dma_wait3A] : memref<10240x128xf32, #tpu.memory_space<vmem_shared>> -> memref<80x128xf32, #tpu.memory_space<vmem_shared>>
      %dma_wait3A_87 = arith.constant 0 : i32
      %dma_wait3A_88 = tpu.memref_slice %arg10[%add3A_77, %dma_wait3A_87] : memref<10240x128xf32, #tpu.memory_space<vmem_shared>> -> memref<80x128xf32, #tpu.memory_space<vmem_shared>>
      tpu.wait_dma2 semaphore(%run_scoped3A : memref<!tpu.dma_semaphore, #tpu.memory_space<semaphore_mem>>) src(%dma_wait3A_88 : memref<80x128xf32, #tpu.memory_space<vmem_shared>>) dst(%arg9 : memref<80x128xf32, #tpu.memory_space<vmem>>)
      tpu.yield
    }) : () -> ()
    %mul3A_78 = arith.constant 10240 : i32
    %mul3A_79 = arith.muli %arg0, %mul3A_78 : i32
    %add3A_80 = arith.addi %mul3A_79, %mul3A_2 : i32
    %add3A_81 = arith.constant 560 : i32
    %add3A_82 = arith.addi %add3A_80, %add3A_81 : i32
    "tpu.region"() ({
      %run_scoped3A = tpu.sem_alloc : memref<!tpu.dma_semaphore, #tpu.memory_space<semaphore_mem>>
      %dma_start3A = arith.constant 0 : i32
      %dma_start3A_83 = tpu.memref_slice %arg6[%add3A_82, %dma_start3A] : memref<20480x128xf32, #tpu.memory_space<hbm>> -> memref<80x128xf32, #tpu.memory_space<hbm>>
      %dma_start3A_84 = arith.constant 0 : i32
      %dma_start3A_85 = tpu.memref_slice %arg6[%add3A_82, %dma_start3A_84] : memref<20480x128xf32, #tpu.memory_space<hbm>> -> memref<80x128xf32, #tpu.memory_space<hbm>>
      tpu.enqueue_dma source(%arg9 : memref<80x128xf32, #tpu.memory_space<vmem>>) target(%dma_start3A_85 : memref<80x128xf32, #tpu.memory_space<hbm>>) target_semaphore(%run_scoped3A : memref<!tpu.dma_semaphore, #tpu.memory_space<semaphore_mem>>)
      %dma_wait3A = arith.constant 0 : i32
      %dma_wait3A_86 = tpu.memref_slice %arg6[%add3A_82, %dma_wait3A] : memref<20480x128xf32, #tpu.memory_space<hbm>> -> memref<80x128xf32, #tpu.memory_space<hbm>>
      %dma_wait3A_87 = arith.constant 0 : i32
      %dma_wait3A_88 = tpu.memref_slice %arg6[%add3A_82, %dma_wait3A_87] : memref<20480x128xf32, #tpu.memory_space<hbm>> -> memref<80x128xf32, #tpu.memory_space<hbm>>
      tpu.wait_dma2 semaphore(%run_scoped3A : memref<!tpu.dma_semaphore, #tpu.memory_space<semaphore_mem>>) src(%arg9 : memref<80x128xf32, #tpu.memory_space<vmem>>) dst(%dma_wait3A_88 : memref<80x128xf32, #tpu.memory_space<hbm>>)
      tpu.yield
    }) : () -> ()
    return
  }
}

#map = affine_map<(d0, d1) -> (0, 0)>
#map1 = affine_map<(d0, d1) -> (0)>
module attributes {stable_mosaic.version = 14 : i64} {
  func.func @_seg(%arg0: i32, %arg1: i32, %arg2: memref<10000x128xf32, #tpu.memory_space<hbm>>, %arg3: memref<330240xi32, #tpu.memory_space<hbm>>, %arg4: memref<330240xi32, #tpu.memory_space<hbm>>, %arg5: memref<80x128xf32, #tpu.memory_space<hbm>>, %arg6: memref<20480x128xf32, #tpu.memory_space<hbm>>, %arg7: memref<80xi32, #tpu.memory_space<vmem>>, %arg8: memref<80xi32, #tpu.memory_space<vmem>>, %arg9: memref<80xi32, #tpu.memory_space<vmem>>, %arg10: memref<80xi32, #tpu.memory_space<vmem>>, %arg11: memref<80x128xf32, #tpu.memory_space<vmem>>, %arg12: memref<80x128xf32, #tpu.memory_space<vmem>>, %arg13: memref<10240x128xf32, #tpu.memory_space<vmem_shared>>, %arg14: memref<!tpu.dma_semaphore, #tpu.memory_space<semaphore_mem>>, %arg15: memref<!tpu.dma_semaphore, #tpu.memory_space<semaphore_mem>>) attributes {dimension_semantics = [#tpu.dimension_semantics<core_parallel>, #tpu.dimension_semantics<subcore_parallel>], iteration_bounds = array<i64: 2, 16>, scalar_prefetch = 0 : i64, scratch_operands = 9 : i64, tpu.core_type = #tpu.core_type<sc_vector_subcore>, window_params = [{transform_indices = #map}, {transform_indices = #map1}, {transform_indices = #map1}, {transform_indices = #map}, {transform_indices = #map}]} {
    %mul3A = arith.constant 2 : i32
    %mul3A_0 = arith.muli %arg1, %mul3A : i32
    %add3A = arith.addi %mul3A_0, %arg0 : i32
    %mul3A_1 = arith.constant 640 : i32
    %mul3A_2 = arith.muli %arg1, %mul3A_1 : i32
    "tpu.region"() ({
      %run_scoped3A = tpu.sem_alloc : memref<!tpu.dma_semaphore, #tpu.memory_space<semaphore_mem>>
      tpu.enqueue_dma source(%arg5 : memref<80x128xf32, #tpu.memory_space<hbm>>) target(%arg11 : memref<80x128xf32, #tpu.memory_space<vmem>>) target_semaphore(%run_scoped3A : memref<!tpu.dma_semaphore, #tpu.memory_space<semaphore_mem>>)
      tpu.wait_dma2 semaphore(%run_scoped3A : memref<!tpu.dma_semaphore, #tpu.memory_space<semaphore_mem>>) src(%arg5 : memref<80x128xf32, #tpu.memory_space<hbm>>) dst(%arg11 : memref<80x128xf32, #tpu.memory_space<vmem>>)
      tpu.yield
    }) : () -> ()
    %add3A_3 = arith.constant 0 : i32
    %add3A_4 = arith.addi %mul3A_2, %add3A_3 : i32
    "tpu.region"() ({
      %run_scoped3A = tpu.sem_alloc : memref<!tpu.dma_semaphore, #tpu.memory_space<semaphore_mem>>
      %dma_start3A_87 = arith.constant 0 : i32
      %dma_start3A_88 = tpu.memref_slice %arg13[%add3A_4, %dma_start3A_87] : memref<10240x128xf32, #tpu.memory_space<vmem_shared>> -> memref<80x128xf32, #tpu.memory_space<vmem_shared>>
      %dma_start3A_89 = arith.constant 0 : i32
      %dma_start3A_90 = tpu.memref_slice %arg13[%add3A_4, %dma_start3A_89] : memref<10240x128xf32, #tpu.memory_space<vmem_shared>> -> memref<80x128xf32, #tpu.memory_space<vmem_shared>>
      tpu.enqueue_dma source(%arg11 : memref<80x128xf32, #tpu.memory_space<vmem>>) target(%dma_start3A_90 : memref<80x128xf32, #tpu.memory_space<vmem_shared>>) target_semaphore(%run_scoped3A : memref<!tpu.dma_semaphore, #tpu.memory_space<semaphore_mem>>)
      %dma_wait3A_91 = arith.constant 0 : i32
      %dma_wait3A_92 = tpu.memref_slice %arg13[%add3A_4, %dma_wait3A_91] : memref<10240x128xf32, #tpu.memory_space<vmem_shared>> -> memref<80x128xf32, #tpu.memory_space<vmem_shared>>
      %dma_wait3A_93 = arith.constant 0 : i32
      %dma_wait3A_94 = tpu.memref_slice %arg13[%add3A_4, %dma_wait3A_93] : memref<10240x128xf32, #tpu.memory_space<vmem_shared>> -> memref<80x128xf32, #tpu.memory_space<vmem_shared>>
      tpu.wait_dma2 semaphore(%run_scoped3A : memref<!tpu.dma_semaphore, #tpu.memory_space<semaphore_mem>>) src(%arg11 : memref<80x128xf32, #tpu.memory_space<vmem>>) dst(%dma_wait3A_94 : memref<80x128xf32, #tpu.memory_space<vmem_shared>>)
      tpu.yield
    }) : () -> ()
    %add3A_5 = arith.constant 80 : i32
    %add3A_6 = arith.addi %mul3A_2, %add3A_5 : i32
    "tpu.region"() ({
      %run_scoped3A = tpu.sem_alloc : memref<!tpu.dma_semaphore, #tpu.memory_space<semaphore_mem>>
      %dma_start3A_87 = arith.constant 0 : i32
      %dma_start3A_88 = tpu.memref_slice %arg13[%add3A_6, %dma_start3A_87] : memref<10240x128xf32, #tpu.memory_space<vmem_shared>> -> memref<80x128xf32, #tpu.memory_space<vmem_shared>>
      %dma_start3A_89 = arith.constant 0 : i32
      %dma_start3A_90 = tpu.memref_slice %arg13[%add3A_6, %dma_start3A_89] : memref<10240x128xf32, #tpu.memory_space<vmem_shared>> -> memref<80x128xf32, #tpu.memory_space<vmem_shared>>
      tpu.enqueue_dma source(%arg11 : memref<80x128xf32, #tpu.memory_space<vmem>>) target(%dma_start3A_90 : memref<80x128xf32, #tpu.memory_space<vmem_shared>>) target_semaphore(%run_scoped3A : memref<!tpu.dma_semaphore, #tpu.memory_space<semaphore_mem>>)
      %dma_wait3A_91 = arith.constant 0 : i32
      %dma_wait3A_92 = tpu.memref_slice %arg13[%add3A_6, %dma_wait3A_91] : memref<10240x128xf32, #tpu.memory_space<vmem_shared>> -> memref<80x128xf32, #tpu.memory_space<vmem_shared>>
      %dma_wait3A_93 = arith.constant 0 : i32
      %dma_wait3A_94 = tpu.memref_slice %arg13[%add3A_6, %dma_wait3A_93] : memref<10240x128xf32, #tpu.memory_space<vmem_shared>> -> memref<80x128xf32, #tpu.memory_space<vmem_shared>>
      tpu.wait_dma2 semaphore(%run_scoped3A : memref<!tpu.dma_semaphore, #tpu.memory_space<semaphore_mem>>) src(%arg11 : memref<80x128xf32, #tpu.memory_space<vmem>>) dst(%dma_wait3A_94 : memref<80x128xf32, #tpu.memory_space<vmem_shared>>)
      tpu.yield
    }) : () -> ()
    %add3A_7 = arith.constant 160 : i32
    %add3A_8 = arith.addi %mul3A_2, %add3A_7 : i32
    "tpu.region"() ({
      %run_scoped3A = tpu.sem_alloc : memref<!tpu.dma_semaphore, #tpu.memory_space<semaphore_mem>>
      %dma_start3A_87 = arith.constant 0 : i32
      %dma_start3A_88 = tpu.memref_slice %arg13[%add3A_8, %dma_start3A_87] : memref<10240x128xf32, #tpu.memory_space<vmem_shared>> -> memref<80x128xf32, #tpu.memory_space<vmem_shared>>
      %dma_start3A_89 = arith.constant 0 : i32
      %dma_start3A_90 = tpu.memref_slice %arg13[%add3A_8, %dma_start3A_89] : memref<10240x128xf32, #tpu.memory_space<vmem_shared>> -> memref<80x128xf32, #tpu.memory_space<vmem_shared>>
      tpu.enqueue_dma source(%arg11 : memref<80x128xf32, #tpu.memory_space<vmem>>) target(%dma_start3A_90 : memref<80x128xf32, #tpu.memory_space<vmem_shared>>) target_semaphore(%run_scoped3A : memref<!tpu.dma_semaphore, #tpu.memory_space<semaphore_mem>>)
      %dma_wait3A_91 = arith.constant 0 : i32
      %dma_wait3A_92 = tpu.memref_slice %arg13[%add3A_8, %dma_wait3A_91] : memref<10240x128xf32, #tpu.memory_space<vmem_shared>> -> memref<80x128xf32, #tpu.memory_space<vmem_shared>>
      %dma_wait3A_93 = arith.constant 0 : i32
      %dma_wait3A_94 = tpu.memref_slice %arg13[%add3A_8, %dma_wait3A_93] : memref<10240x128xf32, #tpu.memory_space<vmem_shared>> -> memref<80x128xf32, #tpu.memory_space<vmem_shared>>
      tpu.wait_dma2 semaphore(%run_scoped3A : memref<!tpu.dma_semaphore, #tpu.memory_space<semaphore_mem>>) src(%arg11 : memref<80x128xf32, #tpu.memory_space<vmem>>) dst(%dma_wait3A_94 : memref<80x128xf32, #tpu.memory_space<vmem_shared>>)
      tpu.yield
    }) : () -> ()
    %add3A_9 = arith.constant 240 : i32
    %add3A_10 = arith.addi %mul3A_2, %add3A_9 : i32
    "tpu.region"() ({
      %run_scoped3A = tpu.sem_alloc : memref<!tpu.dma_semaphore, #tpu.memory_space<semaphore_mem>>
      %dma_start3A_87 = arith.constant 0 : i32
      %dma_start3A_88 = tpu.memref_slice %arg13[%add3A_10, %dma_start3A_87] : memref<10240x128xf32, #tpu.memory_space<vmem_shared>> -> memref<80x128xf32, #tpu.memory_space<vmem_shared>>
      %dma_start3A_89 = arith.constant 0 : i32
      %dma_start3A_90 = tpu.memref_slice %arg13[%add3A_10, %dma_start3A_89] : memref<10240x128xf32, #tpu.memory_space<vmem_shared>> -> memref<80x128xf32, #tpu.memory_space<vmem_shared>>
      tpu.enqueue_dma source(%arg11 : memref<80x128xf32, #tpu.memory_space<vmem>>) target(%dma_start3A_90 : memref<80x128xf32, #tpu.memory_space<vmem_shared>>) target_semaphore(%run_scoped3A : memref<!tpu.dma_semaphore, #tpu.memory_space<semaphore_mem>>)
      %dma_wait3A_91 = arith.constant 0 : i32
      %dma_wait3A_92 = tpu.memref_slice %arg13[%add3A_10, %dma_wait3A_91] : memref<10240x128xf32, #tpu.memory_space<vmem_shared>> -> memref<80x128xf32, #tpu.memory_space<vmem_shared>>
      %dma_wait3A_93 = arith.constant 0 : i32
      %dma_wait3A_94 = tpu.memref_slice %arg13[%add3A_10, %dma_wait3A_93] : memref<10240x128xf32, #tpu.memory_space<vmem_shared>> -> memref<80x128xf32, #tpu.memory_space<vmem_shared>>
      tpu.wait_dma2 semaphore(%run_scoped3A : memref<!tpu.dma_semaphore, #tpu.memory_space<semaphore_mem>>) src(%arg11 : memref<80x128xf32, #tpu.memory_space<vmem>>) dst(%dma_wait3A_94 : memref<80x128xf32, #tpu.memory_space<vmem_shared>>)
      tpu.yield
    }) : () -> ()
    %add3A_11 = arith.constant 320 : i32
    %add3A_12 = arith.addi %mul3A_2, %add3A_11 : i32
    "tpu.region"() ({
      %run_scoped3A = tpu.sem_alloc : memref<!tpu.dma_semaphore, #tpu.memory_space<semaphore_mem>>
      %dma_start3A_87 = arith.constant 0 : i32
      %dma_start3A_88 = tpu.memref_slice %arg13[%add3A_12, %dma_start3A_87] : memref<10240x128xf32, #tpu.memory_space<vmem_shared>> -> memref<80x128xf32, #tpu.memory_space<vmem_shared>>
      %dma_start3A_89 = arith.constant 0 : i32
      %dma_start3A_90 = tpu.memref_slice %arg13[%add3A_12, %dma_start3A_89] : memref<10240x128xf32, #tpu.memory_space<vmem_shared>> -> memref<80x128xf32, #tpu.memory_space<vmem_shared>>
      tpu.enqueue_dma source(%arg11 : memref<80x128xf32, #tpu.memory_space<vmem>>) target(%dma_start3A_90 : memref<80x128xf32, #tpu.memory_space<vmem_shared>>) target_semaphore(%run_scoped3A : memref<!tpu.dma_semaphore, #tpu.memory_space<semaphore_mem>>)
      %dma_wait3A_91 = arith.constant 0 : i32
      %dma_wait3A_92 = tpu.memref_slice %arg13[%add3A_12, %dma_wait3A_91] : memref<10240x128xf32, #tpu.memory_space<vmem_shared>> -> memref<80x128xf32, #tpu.memory_space<vmem_shared>>
      %dma_wait3A_93 = arith.constant 0 : i32
      %dma_wait3A_94 = tpu.memref_slice %arg13[%add3A_12, %dma_wait3A_93] : memref<10240x128xf32, #tpu.memory_space<vmem_shared>> -> memref<80x128xf32, #tpu.memory_space<vmem_shared>>
      tpu.wait_dma2 semaphore(%run_scoped3A : memref<!tpu.dma_semaphore, #tpu.memory_space<semaphore_mem>>) src(%arg11 : memref<80x128xf32, #tpu.memory_space<vmem>>) dst(%dma_wait3A_94 : memref<80x128xf32, #tpu.memory_space<vmem_shared>>)
      tpu.yield
    }) : () -> ()
    %add3A_13 = arith.constant 400 : i32
    %add3A_14 = arith.addi %mul3A_2, %add3A_13 : i32
    "tpu.region"() ({
      %run_scoped3A = tpu.sem_alloc : memref<!tpu.dma_semaphore, #tpu.memory_space<semaphore_mem>>
      %dma_start3A_87 = arith.constant 0 : i32
      %dma_start3A_88 = tpu.memref_slice %arg13[%add3A_14, %dma_start3A_87] : memref<10240x128xf32, #tpu.memory_space<vmem_shared>> -> memref<80x128xf32, #tpu.memory_space<vmem_shared>>
      %dma_start3A_89 = arith.constant 0 : i32
      %dma_start3A_90 = tpu.memref_slice %arg13[%add3A_14, %dma_start3A_89] : memref<10240x128xf32, #tpu.memory_space<vmem_shared>> -> memref<80x128xf32, #tpu.memory_space<vmem_shared>>
      tpu.enqueue_dma source(%arg11 : memref<80x128xf32, #tpu.memory_space<vmem>>) target(%dma_start3A_90 : memref<80x128xf32, #tpu.memory_space<vmem_shared>>) target_semaphore(%run_scoped3A : memref<!tpu.dma_semaphore, #tpu.memory_space<semaphore_mem>>)
      %dma_wait3A_91 = arith.constant 0 : i32
      %dma_wait3A_92 = tpu.memref_slice %arg13[%add3A_14, %dma_wait3A_91] : memref<10240x128xf32, #tpu.memory_space<vmem_shared>> -> memref<80x128xf32, #tpu.memory_space<vmem_shared>>
      %dma_wait3A_93 = arith.constant 0 : i32
      %dma_wait3A_94 = tpu.memref_slice %arg13[%add3A_14, %dma_wait3A_93] : memref<10240x128xf32, #tpu.memory_space<vmem_shared>> -> memref<80x128xf32, #tpu.memory_space<vmem_shared>>
      tpu.wait_dma2 semaphore(%run_scoped3A : memref<!tpu.dma_semaphore, #tpu.memory_space<semaphore_mem>>) src(%arg11 : memref<80x128xf32, #tpu.memory_space<vmem>>) dst(%dma_wait3A_94 : memref<80x128xf32, #tpu.memory_space<vmem_shared>>)
      tpu.yield
    }) : () -> ()
    %add3A_15 = arith.constant 480 : i32
    %add3A_16 = arith.addi %mul3A_2, %add3A_15 : i32
    "tpu.region"() ({
      %run_scoped3A = tpu.sem_alloc : memref<!tpu.dma_semaphore, #tpu.memory_space<semaphore_mem>>
      %dma_start3A_87 = arith.constant 0 : i32
      %dma_start3A_88 = tpu.memref_slice %arg13[%add3A_16, %dma_start3A_87] : memref<10240x128xf32, #tpu.memory_space<vmem_shared>> -> memref<80x128xf32, #tpu.memory_space<vmem_shared>>
      %dma_start3A_89 = arith.constant 0 : i32
      %dma_start3A_90 = tpu.memref_slice %arg13[%add3A_16, %dma_start3A_89] : memref<10240x128xf32, #tpu.memory_space<vmem_shared>> -> memref<80x128xf32, #tpu.memory_space<vmem_shared>>
      tpu.enqueue_dma source(%arg11 : memref<80x128xf32, #tpu.memory_space<vmem>>) target(%dma_start3A_90 : memref<80x128xf32, #tpu.memory_space<vmem_shared>>) target_semaphore(%run_scoped3A : memref<!tpu.dma_semaphore, #tpu.memory_space<semaphore_mem>>)
      %dma_wait3A_91 = arith.constant 0 : i32
      %dma_wait3A_92 = tpu.memref_slice %arg13[%add3A_16, %dma_wait3A_91] : memref<10240x128xf32, #tpu.memory_space<vmem_shared>> -> memref<80x128xf32, #tpu.memory_space<vmem_shared>>
      %dma_wait3A_93 = arith.constant 0 : i32
      %dma_wait3A_94 = tpu.memref_slice %arg13[%add3A_16, %dma_wait3A_93] : memref<10240x128xf32, #tpu.memory_space<vmem_shared>> -> memref<80x128xf32, #tpu.memory_space<vmem_shared>>
      tpu.wait_dma2 semaphore(%run_scoped3A : memref<!tpu.dma_semaphore, #tpu.memory_space<semaphore_mem>>) src(%arg11 : memref<80x128xf32, #tpu.memory_space<vmem>>) dst(%dma_wait3A_94 : memref<80x128xf32, #tpu.memory_space<vmem_shared>>)
      tpu.yield
    }) : () -> ()
    %add3A_17 = arith.constant 560 : i32
    %add3A_18 = arith.addi %mul3A_2, %add3A_17 : i32
    "tpu.region"() ({
      %run_scoped3A = tpu.sem_alloc : memref<!tpu.dma_semaphore, #tpu.memory_space<semaphore_mem>>
      %dma_start3A_87 = arith.constant 0 : i32
      %dma_start3A_88 = tpu.memref_slice %arg13[%add3A_18, %dma_start3A_87] : memref<10240x128xf32, #tpu.memory_space<vmem_shared>> -> memref<80x128xf32, #tpu.memory_space<vmem_shared>>
      %dma_start3A_89 = arith.constant 0 : i32
      %dma_start3A_90 = tpu.memref_slice %arg13[%add3A_18, %dma_start3A_89] : memref<10240x128xf32, #tpu.memory_space<vmem_shared>> -> memref<80x128xf32, #tpu.memory_space<vmem_shared>>
      tpu.enqueue_dma source(%arg11 : memref<80x128xf32, #tpu.memory_space<vmem>>) target(%dma_start3A_90 : memref<80x128xf32, #tpu.memory_space<vmem_shared>>) target_semaphore(%run_scoped3A : memref<!tpu.dma_semaphore, #tpu.memory_space<semaphore_mem>>)
      %dma_wait3A_91 = arith.constant 0 : i32
      %dma_wait3A_92 = tpu.memref_slice %arg13[%add3A_18, %dma_wait3A_91] : memref<10240x128xf32, #tpu.memory_space<vmem_shared>> -> memref<80x128xf32, #tpu.memory_space<vmem_shared>>
      %dma_wait3A_93 = arith.constant 0 : i32
      %dma_wait3A_94 = tpu.memref_slice %arg13[%add3A_18, %dma_wait3A_93] : memref<10240x128xf32, #tpu.memory_space<vmem_shared>> -> memref<80x128xf32, #tpu.memory_space<vmem_shared>>
      tpu.wait_dma2 semaphore(%run_scoped3A : memref<!tpu.dma_semaphore, #tpu.memory_space<semaphore_mem>>) src(%arg11 : memref<80x128xf32, #tpu.memory_space<vmem>>) dst(%dma_wait3A_94 : memref<80x128xf32, #tpu.memory_space<vmem_shared>>)
      tpu.yield
    }) : () -> ()
    %barrier3A = arith.constant 0 : index
    tpu.barrier barrier_id(%barrier3A)
    %mul3A_19 = arith.constant 10320 : i32
    %mul3A_20 = arith.muli %add3A, %mul3A_19 : i32
    "tpu.region"() ({
      %run_scoped3A = tpu.sem_alloc : memref<!tpu.dma_semaphore, #tpu.memory_space<semaphore_mem>>
      %dma_start3A_87 = tpu.memref_slice %arg3[%mul3A_20] : memref<330240xi32, #tpu.memory_space<hbm>> -> memref<80xi32, #tpu.memory_space<hbm>>
      %dma_start3A_88 = tpu.memref_slice %arg3[%mul3A_20] : memref<330240xi32, #tpu.memory_space<hbm>> -> memref<80xi32, #tpu.memory_space<hbm>>
      tpu.enqueue_dma source(%dma_start3A_88 : memref<80xi32, #tpu.memory_space<hbm>>) target(%arg7 : memref<80xi32, #tpu.memory_space<vmem>>) target_semaphore(%run_scoped3A : memref<!tpu.dma_semaphore, #tpu.memory_space<semaphore_mem>>)
      %dma_wait3A_89 = tpu.memref_slice %arg3[%mul3A_20] : memref<330240xi32, #tpu.memory_space<hbm>> -> memref<80xi32, #tpu.memory_space<hbm>>
      %dma_wait3A_90 = tpu.memref_slice %arg3[%mul3A_20] : memref<330240xi32, #tpu.memory_space<hbm>> -> memref<80xi32, #tpu.memory_space<hbm>>
      tpu.wait_dma2 semaphore(%run_scoped3A : memref<!tpu.dma_semaphore, #tpu.memory_space<semaphore_mem>>) src(%dma_wait3A_90 : memref<80xi32, #tpu.memory_space<hbm>>) dst(%arg7 : memref<80xi32, #tpu.memory_space<vmem>>)
      tpu.yield
    }) : () -> ()
    "tpu.region"() ({
      %run_scoped3A = tpu.sem_alloc : memref<!tpu.dma_semaphore, #tpu.memory_space<semaphore_mem>>
      %dma_start3A_87 = tpu.memref_slice %arg4[%mul3A_20] : memref<330240xi32, #tpu.memory_space<hbm>> -> memref<80xi32, #tpu.memory_space<hbm>>
      %dma_start3A_88 = tpu.memref_slice %arg4[%mul3A_20] : memref<330240xi32, #tpu.memory_space<hbm>> -> memref<80xi32, #tpu.memory_space<hbm>>
      tpu.enqueue_dma source(%dma_start3A_88 : memref<80xi32, #tpu.memory_space<hbm>>) target(%arg8 : memref<80xi32, #tpu.memory_space<vmem>>) target_semaphore(%run_scoped3A : memref<!tpu.dma_semaphore, #tpu.memory_space<semaphore_mem>>)
      %dma_wait3A_89 = tpu.memref_slice %arg4[%mul3A_20] : memref<330240xi32, #tpu.memory_space<hbm>> -> memref<80xi32, #tpu.memory_space<hbm>>
      %dma_wait3A_90 = tpu.memref_slice %arg4[%mul3A_20] : memref<330240xi32, #tpu.memory_space<hbm>> -> memref<80xi32, #tpu.memory_space<hbm>>
      tpu.wait_dma2 semaphore(%run_scoped3A : memref<!tpu.dma_semaphore, #tpu.memory_space<semaphore_mem>>) src(%dma_wait3A_90 : memref<80xi32, #tpu.memory_space<hbm>>) dst(%arg8 : memref<80xi32, #tpu.memory_space<vmem>>)
      tpu.yield
    }) : () -> ()
    %dma_start3A = arith.constant 0 : i32
    %dma_start3A_21 = arith.constant 0 : i32
    %dma_start3A_22 = tpu.memref_slice %arg2[%dma_start3A, %dma_start3A_21] : memref<10000x128xf32, #tpu.memory_space<hbm>> -> memref<10000x128xf32, #tpu.memory_space<hbm>>
    tpu.enqueue_indirect_dma source(%dma_start3A_22 : memref<10000x128xf32, #tpu.memory_space<hbm>>) target(%arg11 : memref<80x128xf32, #tpu.memory_space<vmem>>) offsets(%arg7 : memref<80xi32, #tpu.memory_space<vmem>>) semaphore(%arg14 : memref<!tpu.dma_semaphore, #tpu.memory_space<semaphore_mem>>)
    %scan3A = arith.constant 0 : i32
    %scan3A_23 = arith.constant 0 : i32
    %scan3A_24 = arith.constant 64 : i32
    %scan3A_25 = arith.addi %scan3A_23, %scan3A_24 : i32
    %scan3A_26 = arith.constant 1 : i32
    scf.for %scan3A_87 = %scan3A_23 to %scan3A_25 step %scan3A_26  : i32 {
      %mul3A_88 = arith.constant 2 : i32
      %mul3A_89 = arith.muli %mul3A_88, %scan3A_87 : i32
      %add3A_90 = arith.constant 1 : i32
      %add3A_91 = arith.addi %mul3A_89, %add3A_90 : i32
      %mul3A_92 = arith.constant 2 : i32
      %mul3A_93 = arith.muli %mul3A_92, %scan3A_87 : i32
      %add3A_94 = arith.constant 2 : i32
      %add3A_95 = arith.addi %mul3A_93, %add3A_94 : i32
      %mul3A_96 = arith.constant 80 : i32
      %mul3A_97 = arith.muli %add3A_91, %mul3A_96 : i32
      %add3A_98 = arith.addi %mul3A_20, %mul3A_97 : i32
      "tpu.region"() ({
        %run_scoped3A = tpu.sem_alloc : memref<!tpu.dma_semaphore, #tpu.memory_space<semaphore_mem>>
        %dma_start3A_120 = tpu.memref_slice %arg3[%add3A_98] : memref<330240xi32, #tpu.memory_space<hbm>> -> memref<80xi32, #tpu.memory_space<hbm>>
        %dma_start3A_121 = tpu.memref_slice %arg3[%add3A_98] : memref<330240xi32, #tpu.memory_space<hbm>> -> memref<80xi32, #tpu.memory_space<hbm>>
        tpu.enqueue_dma source(%dma_start3A_121 : memref<80xi32, #tpu.memory_space<hbm>>) target(%arg9 : memref<80xi32, #tpu.memory_space<vmem>>) target_semaphore(%run_scoped3A : memref<!tpu.dma_semaphore, #tpu.memory_space<semaphore_mem>>)
        %dma_wait3A_122 = tpu.memref_slice %arg3[%add3A_98] : memref<330240xi32, #tpu.memory_space<hbm>> -> memref<80xi32, #tpu.memory_space<hbm>>
        %dma_wait3A_123 = tpu.memref_slice %arg3[%add3A_98] : memref<330240xi32, #tpu.memory_space<hbm>> -> memref<80xi32, #tpu.memory_space<hbm>>
        tpu.wait_dma2 semaphore(%run_scoped3A : memref<!tpu.dma_semaphore, #tpu.memory_space<semaphore_mem>>) src(%dma_wait3A_123 : memref<80xi32, #tpu.memory_space<hbm>>) dst(%arg9 : memref<80xi32, #tpu.memory_space<vmem>>)
        tpu.yield
      }) : () -> ()
      %mul3A_99 = arith.constant 80 : i32
      %mul3A_100 = arith.muli %add3A_91, %mul3A_99 : i32
      %add3A_101 = arith.addi %mul3A_20, %mul3A_100 : i32
      "tpu.region"() ({
        %run_scoped3A = tpu.sem_alloc : memref<!tpu.dma_semaphore, #tpu.memory_space<semaphore_mem>>
        %dma_start3A_120 = tpu.memref_slice %arg4[%add3A_101] : memref<330240xi32, #tpu.memory_space<hbm>> -> memref<80xi32, #tpu.memory_space<hbm>>
        %dma_start3A_121 = tpu.memref_slice %arg4[%add3A_101] : memref<330240xi32, #tpu.memory_space<hbm>> -> memref<80xi32, #tpu.memory_space<hbm>>
        tpu.enqueue_dma source(%dma_start3A_121 : memref<80xi32, #tpu.memory_space<hbm>>) target(%arg10 : memref<80xi32, #tpu.memory_space<vmem>>) target_semaphore(%run_scoped3A : memref<!tpu.dma_semaphore, #tpu.memory_space<semaphore_mem>>)
        %dma_wait3A_122 = tpu.memref_slice %arg4[%add3A_101] : memref<330240xi32, #tpu.memory_space<hbm>> -> memref<80xi32, #tpu.memory_space<hbm>>
        %dma_wait3A_123 = tpu.memref_slice %arg4[%add3A_101] : memref<330240xi32, #tpu.memory_space<hbm>> -> memref<80xi32, #tpu.memory_space<hbm>>
        tpu.wait_dma2 semaphore(%run_scoped3A : memref<!tpu.dma_semaphore, #tpu.memory_space<semaphore_mem>>) src(%dma_wait3A_123 : memref<80xi32, #tpu.memory_space<hbm>>) dst(%arg10 : memref<80xi32, #tpu.memory_space<vmem>>)
        tpu.yield
      }) : () -> ()
      %dma_start3A_102 = arith.constant 0 : i32
      %dma_start3A_103 = arith.constant 0 : i32
      %dma_start3A_104 = tpu.memref_slice %arg2[%dma_start3A_102, %dma_start3A_103] : memref<10000x128xf32, #tpu.memory_space<hbm>> -> memref<10000x128xf32, #tpu.memory_space<hbm>>
      tpu.enqueue_indirect_dma source(%dma_start3A_104 : memref<10000x128xf32, #tpu.memory_space<hbm>>) target(%arg12 : memref<80x128xf32, #tpu.memory_space<vmem>>) offsets(%arg9 : memref<80xi32, #tpu.memory_space<vmem>>) semaphore(%arg15 : memref<!tpu.dma_semaphore, #tpu.memory_space<semaphore_mem>>)
      %dma_wait3A_105 = arith.constant 0 : i32
      %dma_wait3A_106 = arith.constant 0 : i32
      %dma_wait3A_107 = tpu.memref_slice %arg2[%dma_wait3A_105, %dma_wait3A_106] : memref<10000x128xf32, #tpu.memory_space<hbm>> -> memref<10000x128xf32, #tpu.memory_space<hbm>>
      tpu.wait_indirect_dma semaphore(%arg14 : memref<!tpu.dma_semaphore, #tpu.memory_space<semaphore_mem>>) src(%dma_wait3A_107 : memref<10000x128xf32, #tpu.memory_space<hbm>>) dst(%arg11 : memref<80x128xf32, #tpu.memory_space<vmem>>)
      "tpu.region"() ({
        %run_scoped3A = tpu.sem_alloc : memref<!tpu.dma_semaphore, #tpu.memory_space<semaphore_mem>>
        %dma_start3A_120 = arith.constant 0 : i32
        %dma_start3A_121 = arith.constant 0 : i32
        %dma_start3A_122 = tpu.memref_slice %arg13[%dma_start3A_120, %dma_start3A_121] : memref<10240x128xf32, #tpu.memory_space<vmem_shared>> -> memref<10240x128xf32, #tpu.memory_space<vmem_shared>>
        tpu.enqueue_indirect_dma source(%arg11 : memref<80x128xf32, #tpu.memory_space<vmem>>) target(%dma_start3A_122 : memref<10240x128xf32, #tpu.memory_space<vmem_shared>>) offsets(%arg8 : memref<80xi32, #tpu.memory_space<vmem>>) semaphore(%run_scoped3A : memref<!tpu.dma_semaphore, #tpu.memory_space<semaphore_mem>>) {add = true}
        %dma_wait3A_123 = arith.constant 0 : i32
        %dma_wait3A_124 = arith.constant 0 : i32
        %dma_wait3A_125 = tpu.memref_slice %arg13[%dma_wait3A_123, %dma_wait3A_124] : memref<10240x128xf32, #tpu.memory_space<vmem_shared>> -> memref<10240x128xf32, #tpu.memory_space<vmem_shared>>
        tpu.wait_indirect_dma semaphore(%run_scoped3A : memref<!tpu.dma_semaphore, #tpu.memory_space<semaphore_mem>>) src(%arg11 : memref<80x128xf32, #tpu.memory_space<vmem>>) dst(%dma_wait3A_125 : memref<10240x128xf32, #tpu.memory_space<vmem_shared>>)
        tpu.yield
      }) : () -> ()
      %mul3A_108 = arith.constant 80 : i32
      %mul3A_109 = arith.muli %add3A_95, %mul3A_108 : i32
      %add3A_110 = arith.addi %mul3A_20, %mul3A_109 : i32
      "tpu.region"() ({
        %run_scoped3A = tpu.sem_alloc : memref<!tpu.dma_semaphore, #tpu.memory_space<semaphore_mem>>
        %dma_start3A_120 = tpu.memref_slice %arg3[%add3A_110] : memref<330240xi32, #tpu.memory_space<hbm>> -> memref<80xi32, #tpu.memory_space<hbm>>
        %dma_start3A_121 = tpu.memref_slice %arg3[%add3A_110] : memref<330240xi32, #tpu.memory_space<hbm>> -> memref<80xi32, #tpu.memory_space<hbm>>
        tpu.enqueue_dma source(%dma_start3A_121 : memref<80xi32, #tpu.memory_space<hbm>>) target(%arg7 : memref<80xi32, #tpu.memory_space<vmem>>) target_semaphore(%run_scoped3A : memref<!tpu.dma_semaphore, #tpu.memory_space<semaphore_mem>>)
        %dma_wait3A_122 = tpu.memref_slice %arg3[%add3A_110] : memref<330240xi32, #tpu.memory_space<hbm>> -> memref<80xi32, #tpu.memory_space<hbm>>
        %dma_wait3A_123 = tpu.memref_slice %arg3[%add3A_110] : memref<330240xi32, #tpu.memory_space<hbm>> -> memref<80xi32, #tpu.memory_space<hbm>>
        tpu.wait_dma2 semaphore(%run_scoped3A : memref<!tpu.dma_semaphore, #tpu.memory_space<semaphore_mem>>) src(%dma_wait3A_123 : memref<80xi32, #tpu.memory_space<hbm>>) dst(%arg7 : memref<80xi32, #tpu.memory_space<vmem>>)
        tpu.yield
      }) : () -> ()
      %mul3A_111 = arith.constant 80 : i32
      %mul3A_112 = arith.muli %add3A_95, %mul3A_111 : i32
      %add3A_113 = arith.addi %mul3A_20, %mul3A_112 : i32
      "tpu.region"() ({
        %run_scoped3A = tpu.sem_alloc : memref<!tpu.dma_semaphore, #tpu.memory_space<semaphore_mem>>
        %dma_start3A_120 = tpu.memref_slice %arg4[%add3A_113] : memref<330240xi32, #tpu.memory_space<hbm>> -> memref<80xi32, #tpu.memory_space<hbm>>
        %dma_start3A_121 = tpu.memref_slice %arg4[%add3A_113] : memref<330240xi32, #tpu.memory_space<hbm>> -> memref<80xi32, #tpu.memory_space<hbm>>
        tpu.enqueue_dma source(%dma_start3A_121 : memref<80xi32, #tpu.memory_space<hbm>>) target(%arg8 : memref<80xi32, #tpu.memory_space<vmem>>) target_semaphore(%run_scoped3A : memref<!tpu.dma_semaphore, #tpu.memory_space<semaphore_mem>>)
        %dma_wait3A_122 = tpu.memref_slice %arg4[%add3A_113] : memref<330240xi32, #tpu.memory_space<hbm>> -> memref<80xi32, #tpu.memory_space<hbm>>
        %dma_wait3A_123 = tpu.memref_slice %arg4[%add3A_113] : memref<330240xi32, #tpu.memory_space<hbm>> -> memref<80xi32, #tpu.memory_space<hbm>>
        tpu.wait_dma2 semaphore(%run_scoped3A : memref<!tpu.dma_semaphore, #tpu.memory_space<semaphore_mem>>) src(%dma_wait3A_123 : memref<80xi32, #tpu.memory_space<hbm>>) dst(%arg8 : memref<80xi32, #tpu.memory_space<vmem>>)
        tpu.yield
      }) : () -> ()
      %dma_start3A_114 = arith.constant 0 : i32
      %dma_start3A_115 = arith.constant 0 : i32
      %dma_start3A_116 = tpu.memref_slice %arg2[%dma_start3A_114, %dma_start3A_115] : memref<10000x128xf32, #tpu.memory_space<hbm>> -> memref<10000x128xf32, #tpu.memory_space<hbm>>
      tpu.enqueue_indirect_dma source(%dma_start3A_116 : memref<10000x128xf32, #tpu.memory_space<hbm>>) target(%arg11 : memref<80x128xf32, #tpu.memory_space<vmem>>) offsets(%arg7 : memref<80xi32, #tpu.memory_space<vmem>>) semaphore(%arg14 : memref<!tpu.dma_semaphore, #tpu.memory_space<semaphore_mem>>)
      %dma_wait3A_117 = arith.constant 0 : i32
      %dma_wait3A_118 = arith.constant 0 : i32
      %dma_wait3A_119 = tpu.memref_slice %arg2[%dma_wait3A_117, %dma_wait3A_118] : memref<10000x128xf32, #tpu.memory_space<hbm>> -> memref<10000x128xf32, #tpu.memory_space<hbm>>
      tpu.wait_indirect_dma semaphore(%arg15 : memref<!tpu.dma_semaphore, #tpu.memory_space<semaphore_mem>>) src(%dma_wait3A_119 : memref<10000x128xf32, #tpu.memory_space<hbm>>) dst(%arg12 : memref<80x128xf32, #tpu.memory_space<vmem>>)
      "tpu.region"() ({
        %run_scoped3A = tpu.sem_alloc : memref<!tpu.dma_semaphore, #tpu.memory_space<semaphore_mem>>
        %dma_start3A_120 = arith.constant 0 : i32
        %dma_start3A_121 = arith.constant 0 : i32
        %dma_start3A_122 = tpu.memref_slice %arg13[%dma_start3A_120, %dma_start3A_121] : memref<10240x128xf32, #tpu.memory_space<vmem_shared>> -> memref<10240x128xf32, #tpu.memory_space<vmem_shared>>
        tpu.enqueue_indirect_dma source(%arg12 : memref<80x128xf32, #tpu.memory_space<vmem>>) target(%dma_start3A_122 : memref<10240x128xf32, #tpu.memory_space<vmem_shared>>) offsets(%arg10 : memref<80xi32, #tpu.memory_space<vmem>>) semaphore(%run_scoped3A : memref<!tpu.dma_semaphore, #tpu.memory_space<semaphore_mem>>) {add = true}
        %dma_wait3A_123 = arith.constant 0 : i32
        %dma_wait3A_124 = arith.constant 0 : i32
        %dma_wait3A_125 = tpu.memref_slice %arg13[%dma_wait3A_123, %dma_wait3A_124] : memref<10240x128xf32, #tpu.memory_space<vmem_shared>> -> memref<10240x128xf32, #tpu.memory_space<vmem_shared>>
        tpu.wait_indirect_dma semaphore(%run_scoped3A : memref<!tpu.dma_semaphore, #tpu.memory_space<semaphore_mem>>) src(%arg12 : memref<80x128xf32, #tpu.memory_space<vmem>>) dst(%dma_wait3A_125 : memref<10240x128xf32, #tpu.memory_space<vmem_shared>>)
        tpu.yield
      }) : () -> ()
    }
    %scan3A_27 = arith.constant 64 : i32
    %dma_wait3A = arith.constant 0 : i32
    %dma_wait3A_28 = arith.constant 0 : i32
    %dma_wait3A_29 = tpu.memref_slice %arg2[%dma_wait3A, %dma_wait3A_28] : memref<10000x128xf32, #tpu.memory_space<hbm>> -> memref<10000x128xf32, #tpu.memory_space<hbm>>
    tpu.wait_indirect_dma semaphore(%arg14 : memref<!tpu.dma_semaphore, #tpu.memory_space<semaphore_mem>>) src(%dma_wait3A_29 : memref<10000x128xf32, #tpu.memory_space<hbm>>) dst(%arg11 : memref<80x128xf32, #tpu.memory_space<vmem>>)
    %barrier3A_30 = arith.constant 0 : index
    tpu.barrier barrier_id(%barrier3A_30)
    %add3A_31 = arith.constant 0 : i32
    %add3A_32 = arith.addi %mul3A_2, %add3A_31 : i32
    "tpu.region"() ({
      %run_scoped3A = tpu.sem_alloc : memref<!tpu.dma_semaphore, #tpu.memory_space<semaphore_mem>>
      %dma_start3A_87 = arith.constant 0 : i32
      %dma_start3A_88 = tpu.memref_slice %arg13[%add3A_32, %dma_start3A_87] : memref<10240x128xf32, #tpu.memory_space<vmem_shared>> -> memref<80x128xf32, #tpu.memory_space<vmem_shared>>
      %dma_start3A_89 = arith.constant 0 : i32
      %dma_start3A_90 = tpu.memref_slice %arg13[%add3A_32, %dma_start3A_89] : memref<10240x128xf32, #tpu.memory_space<vmem_shared>> -> memref<80x128xf32, #tpu.memory_space<vmem_shared>>
      tpu.enqueue_dma source(%dma_start3A_90 : memref<80x128xf32, #tpu.memory_space<vmem_shared>>) target(%arg11 : memref<80x128xf32, #tpu.memory_space<vmem>>) target_semaphore(%run_scoped3A : memref<!tpu.dma_semaphore, #tpu.memory_space<semaphore_mem>>)
      %dma_wait3A_91 = arith.constant 0 : i32
      %dma_wait3A_92 = tpu.memref_slice %arg13[%add3A_32, %dma_wait3A_91] : memref<10240x128xf32, #tpu.memory_space<vmem_shared>> -> memref<80x128xf32, #tpu.memory_space<vmem_shared>>
      %dma_wait3A_93 = arith.constant 0 : i32
      %dma_wait3A_94 = tpu.memref_slice %arg13[%add3A_32, %dma_wait3A_93] : memref<10240x128xf32, #tpu.memory_space<vmem_shared>> -> memref<80x128xf32, #tpu.memory_space<vmem_shared>>
      tpu.wait_dma2 semaphore(%run_scoped3A : memref<!tpu.dma_semaphore, #tpu.memory_space<semaphore_mem>>) src(%dma_wait3A_94 : memref<80x128xf32, #tpu.memory_space<vmem_shared>>) dst(%arg11 : memref<80x128xf32, #tpu.memory_space<vmem>>)
      tpu.yield
    }) : () -> ()
    %mul3A_33 = arith.constant 10240 : i32
    %mul3A_34 = arith.muli %arg0, %mul3A_33 : i32
    %add3A_35 = arith.addi %mul3A_34, %mul3A_2 : i32
    %add3A_36 = arith.constant 0 : i32
    %add3A_37 = arith.addi %add3A_35, %add3A_36 : i32
    "tpu.region"() ({
      %run_scoped3A = tpu.sem_alloc : memref<!tpu.dma_semaphore, #tpu.memory_space<semaphore_mem>>
      %dma_start3A_87 = arith.constant 0 : i32
      %dma_start3A_88 = tpu.memref_slice %arg6[%add3A_37, %dma_start3A_87] : memref<20480x128xf32, #tpu.memory_space<hbm>> -> memref<80x128xf32, #tpu.memory_space<hbm>>
      %dma_start3A_89 = arith.constant 0 : i32
      %dma_start3A_90 = tpu.memref_slice %arg6[%add3A_37, %dma_start3A_89] : memref<20480x128xf32, #tpu.memory_space<hbm>> -> memref<80x128xf32, #tpu.memory_space<hbm>>
      tpu.enqueue_dma source(%arg11 : memref<80x128xf32, #tpu.memory_space<vmem>>) target(%dma_start3A_90 : memref<80x128xf32, #tpu.memory_space<hbm>>) target_semaphore(%run_scoped3A : memref<!tpu.dma_semaphore, #tpu.memory_space<semaphore_mem>>)
      %dma_wait3A_91 = arith.constant 0 : i32
      %dma_wait3A_92 = tpu.memref_slice %arg6[%add3A_37, %dma_wait3A_91] : memref<20480x128xf32, #tpu.memory_space<hbm>> -> memref<80x128xf32, #tpu.memory_space<hbm>>
      %dma_wait3A_93 = arith.constant 0 : i32
      %dma_wait3A_94 = tpu.memref_slice %arg6[%add3A_37, %dma_wait3A_93] : memref<20480x128xf32, #tpu.memory_space<hbm>> -> memref<80x128xf32, #tpu.memory_space<hbm>>
      tpu.wait_dma2 semaphore(%run_scoped3A : memref<!tpu.dma_semaphore, #tpu.memory_space<semaphore_mem>>) src(%arg11 : memref<80x128xf32, #tpu.memory_space<vmem>>) dst(%dma_wait3A_94 : memref<80x128xf32, #tpu.memory_space<hbm>>)
      tpu.yield
    }) : () -> ()
    %add3A_38 = arith.constant 80 : i32
    %add3A_39 = arith.addi %mul3A_2, %add3A_38 : i32
    "tpu.region"() ({
      %run_scoped3A = tpu.sem_alloc : memref<!tpu.dma_semaphore, #tpu.memory_space<semaphore_mem>>
      %dma_start3A_87 = arith.constant 0 : i32
      %dma_start3A_88 = tpu.memref_slice %arg13[%add3A_39, %dma_start3A_87] : memref<10240x128xf32, #tpu.memory_space<vmem_shared>> -> memref<80x128xf32, #tpu.memory_space<vmem_shared>>
      %dma_start3A_89 = arith.constant 0 : i32
      %dma_start3A_90 = tpu.memref_slice %arg13[%add3A_39, %dma_start3A_89] : memref<10240x128xf32, #tpu.memory_space<vmem_shared>> -> memref<80x128xf32, #tpu.memory_space<vmem_shared>>
      tpu.enqueue_dma source(%dma_start3A_90 : memref<80x128xf32, #tpu.memory_space<vmem_shared>>) target(%arg11 : memref<80x128xf32, #tpu.memory_space<vmem>>) target_semaphore(%run_scoped3A : memref<!tpu.dma_semaphore, #tpu.memory_space<semaphore_mem>>)
      %dma_wait3A_91 = arith.constant 0 : i32
      %dma_wait3A_92 = tpu.memref_slice %arg13[%add3A_39, %dma_wait3A_91] : memref<10240x128xf32, #tpu.memory_space<vmem_shared>> -> memref<80x128xf32, #tpu.memory_space<vmem_shared>>
      %dma_wait3A_93 = arith.constant 0 : i32
      %dma_wait3A_94 = tpu.memref_slice %arg13[%add3A_39, %dma_wait3A_93] : memref<10240x128xf32, #tpu.memory_space<vmem_shared>> -> memref<80x128xf32, #tpu.memory_space<vmem_shared>>
      tpu.wait_dma2 semaphore(%run_scoped3A : memref<!tpu.dma_semaphore, #tpu.memory_space<semaphore_mem>>) src(%dma_wait3A_94 : memref<80x128xf32, #tpu.memory_space<vmem_shared>>) dst(%arg11 : memref<80x128xf32, #tpu.memory_space<vmem>>)
      tpu.yield
    }) : () -> ()
    %mul3A_40 = arith.constant 10240 : i32
    %mul3A_41 = arith.muli %arg0, %mul3A_40 : i32
    %add3A_42 = arith.addi %mul3A_41, %mul3A_2 : i32
    %add3A_43 = arith.constant 80 : i32
    %add3A_44 = arith.addi %add3A_42, %add3A_43 : i32
    "tpu.region"() ({
      %run_scoped3A = tpu.sem_alloc : memref<!tpu.dma_semaphore, #tpu.memory_space<semaphore_mem>>
      %dma_start3A_87 = arith.constant 0 : i32
      %dma_start3A_88 = tpu.memref_slice %arg6[%add3A_44, %dma_start3A_87] : memref<20480x128xf32, #tpu.memory_space<hbm>> -> memref<80x128xf32, #tpu.memory_space<hbm>>
      %dma_start3A_89 = arith.constant 0 : i32
      %dma_start3A_90 = tpu.memref_slice %arg6[%add3A_44, %dma_start3A_89] : memref<20480x128xf32, #tpu.memory_space<hbm>> -> memref<80x128xf32, #tpu.memory_space<hbm>>
      tpu.enqueue_dma source(%arg11 : memref<80x128xf32, #tpu.memory_space<vmem>>) target(%dma_start3A_90 : memref<80x128xf32, #tpu.memory_space<hbm>>) target_semaphore(%run_scoped3A : memref<!tpu.dma_semaphore, #tpu.memory_space<semaphore_mem>>)
      %dma_wait3A_91 = arith.constant 0 : i32
      %dma_wait3A_92 = tpu.memref_slice %arg6[%add3A_44, %dma_wait3A_91] : memref<20480x128xf32, #tpu.memory_space<hbm>> -> memref<80x128xf32, #tpu.memory_space<hbm>>
      %dma_wait3A_93 = arith.constant 0 : i32
      %dma_wait3A_94 = tpu.memref_slice %arg6[%add3A_44, %dma_wait3A_93] : memref<20480x128xf32, #tpu.memory_space<hbm>> -> memref<80x128xf32, #tpu.memory_space<hbm>>
      tpu.wait_dma2 semaphore(%run_scoped3A : memref<!tpu.dma_semaphore, #tpu.memory_space<semaphore_mem>>) src(%arg11 : memref<80x128xf32, #tpu.memory_space<vmem>>) dst(%dma_wait3A_94 : memref<80x128xf32, #tpu.memory_space<hbm>>)
      tpu.yield
    }) : () -> ()
    %add3A_45 = arith.constant 160 : i32
    %add3A_46 = arith.addi %mul3A_2, %add3A_45 : i32
    "tpu.region"() ({
      %run_scoped3A = tpu.sem_alloc : memref<!tpu.dma_semaphore, #tpu.memory_space<semaphore_mem>>
      %dma_start3A_87 = arith.constant 0 : i32
      %dma_start3A_88 = tpu.memref_slice %arg13[%add3A_46, %dma_start3A_87] : memref<10240x128xf32, #tpu.memory_space<vmem_shared>> -> memref<80x128xf32, #tpu.memory_space<vmem_shared>>
      %dma_start3A_89 = arith.constant 0 : i32
      %dma_start3A_90 = tpu.memref_slice %arg13[%add3A_46, %dma_start3A_89] : memref<10240x128xf32, #tpu.memory_space<vmem_shared>> -> memref<80x128xf32, #tpu.memory_space<vmem_shared>>
      tpu.enqueue_dma source(%dma_start3A_90 : memref<80x128xf32, #tpu.memory_space<vmem_shared>>) target(%arg11 : memref<80x128xf32, #tpu.memory_space<vmem>>) target_semaphore(%run_scoped3A : memref<!tpu.dma_semaphore, #tpu.memory_space<semaphore_mem>>)
      %dma_wait3A_91 = arith.constant 0 : i32
      %dma_wait3A_92 = tpu.memref_slice %arg13[%add3A_46, %dma_wait3A_91] : memref<10240x128xf32, #tpu.memory_space<vmem_shared>> -> memref<80x128xf32, #tpu.memory_space<vmem_shared>>
      %dma_wait3A_93 = arith.constant 0 : i32
      %dma_wait3A_94 = tpu.memref_slice %arg13[%add3A_46, %dma_wait3A_93] : memref<10240x128xf32, #tpu.memory_space<vmem_shared>> -> memref<80x128xf32, #tpu.memory_space<vmem_shared>>
      tpu.wait_dma2 semaphore(%run_scoped3A : memref<!tpu.dma_semaphore, #tpu.memory_space<semaphore_mem>>) src(%dma_wait3A_94 : memref<80x128xf32, #tpu.memory_space<vmem_shared>>) dst(%arg11 : memref<80x128xf32, #tpu.memory_space<vmem>>)
      tpu.yield
    }) : () -> ()
    %mul3A_47 = arith.constant 10240 : i32
    %mul3A_48 = arith.muli %arg0, %mul3A_47 : i32
    %add3A_49 = arith.addi %mul3A_48, %mul3A_2 : i32
    %add3A_50 = arith.constant 160 : i32
    %add3A_51 = arith.addi %add3A_49, %add3A_50 : i32
    "tpu.region"() ({
      %run_scoped3A = tpu.sem_alloc : memref<!tpu.dma_semaphore, #tpu.memory_space<semaphore_mem>>
      %dma_start3A_87 = arith.constant 0 : i32
      %dma_start3A_88 = tpu.memref_slice %arg6[%add3A_51, %dma_start3A_87] : memref<20480x128xf32, #tpu.memory_space<hbm>> -> memref<80x128xf32, #tpu.memory_space<hbm>>
      %dma_start3A_89 = arith.constant 0 : i32
      %dma_start3A_90 = tpu.memref_slice %arg6[%add3A_51, %dma_start3A_89] : memref<20480x128xf32, #tpu.memory_space<hbm>> -> memref<80x128xf32, #tpu.memory_space<hbm>>
      tpu.enqueue_dma source(%arg11 : memref<80x128xf32, #tpu.memory_space<vmem>>) target(%dma_start3A_90 : memref<80x128xf32, #tpu.memory_space<hbm>>) target_semaphore(%run_scoped3A : memref<!tpu.dma_semaphore, #tpu.memory_space<semaphore_mem>>)
      %dma_wait3A_91 = arith.constant 0 : i32
      %dma_wait3A_92 = tpu.memref_slice %arg6[%add3A_51, %dma_wait3A_91] : memref<20480x128xf32, #tpu.memory_space<hbm>> -> memref<80x128xf32, #tpu.memory_space<hbm>>
      %dma_wait3A_93 = arith.constant 0 : i32
      %dma_wait3A_94 = tpu.memref_slice %arg6[%add3A_51, %dma_wait3A_93] : memref<20480x128xf32, #tpu.memory_space<hbm>> -> memref<80x128xf32, #tpu.memory_space<hbm>>
      tpu.wait_dma2 semaphore(%run_scoped3A : memref<!tpu.dma_semaphore, #tpu.memory_space<semaphore_mem>>) src(%arg11 : memref<80x128xf32, #tpu.memory_space<vmem>>) dst(%dma_wait3A_94 : memref<80x128xf32, #tpu.memory_space<hbm>>)
      tpu.yield
    }) : () -> ()
    %add3A_52 = arith.constant 240 : i32
    %add3A_53 = arith.addi %mul3A_2, %add3A_52 : i32
    "tpu.region"() ({
      %run_scoped3A = tpu.sem_alloc : memref<!tpu.dma_semaphore, #tpu.memory_space<semaphore_mem>>
      %dma_start3A_87 = arith.constant 0 : i32
      %dma_start3A_88 = tpu.memref_slice %arg13[%add3A_53, %dma_start3A_87] : memref<10240x128xf32, #tpu.memory_space<vmem_shared>> -> memref<80x128xf32, #tpu.memory_space<vmem_shared>>
      %dma_start3A_89 = arith.constant 0 : i32
      %dma_start3A_90 = tpu.memref_slice %arg13[%add3A_53, %dma_start3A_89] : memref<10240x128xf32, #tpu.memory_space<vmem_shared>> -> memref<80x128xf32, #tpu.memory_space<vmem_shared>>
      tpu.enqueue_dma source(%dma_start3A_90 : memref<80x128xf32, #tpu.memory_space<vmem_shared>>) target(%arg11 : memref<80x128xf32, #tpu.memory_space<vmem>>) target_semaphore(%run_scoped3A : memref<!tpu.dma_semaphore, #tpu.memory_space<semaphore_mem>>)
      %dma_wait3A_91 = arith.constant 0 : i32
      %dma_wait3A_92 = tpu.memref_slice %arg13[%add3A_53, %dma_wait3A_91] : memref<10240x128xf32, #tpu.memory_space<vmem_shared>> -> memref<80x128xf32, #tpu.memory_space<vmem_shared>>
      %dma_wait3A_93 = arith.constant 0 : i32
      %dma_wait3A_94 = tpu.memref_slice %arg13[%add3A_53, %dma_wait3A_93] : memref<10240x128xf32, #tpu.memory_space<vmem_shared>> -> memref<80x128xf32, #tpu.memory_space<vmem_shared>>
      tpu.wait_dma2 semaphore(%run_scoped3A : memref<!tpu.dma_semaphore, #tpu.memory_space<semaphore_mem>>) src(%dma_wait3A_94 : memref<80x128xf32, #tpu.memory_space<vmem_shared>>) dst(%arg11 : memref<80x128xf32, #tpu.memory_space<vmem>>)
      tpu.yield
    }) : () -> ()
    %mul3A_54 = arith.constant 10240 : i32
    %mul3A_55 = arith.muli %arg0, %mul3A_54 : i32
    %add3A_56 = arith.addi %mul3A_55, %mul3A_2 : i32
    %add3A_57 = arith.constant 240 : i32
    %add3A_58 = arith.addi %add3A_56, %add3A_57 : i32
    "tpu.region"() ({
      %run_scoped3A = tpu.sem_alloc : memref<!tpu.dma_semaphore, #tpu.memory_space<semaphore_mem>>
      %dma_start3A_87 = arith.constant 0 : i32
      %dma_start3A_88 = tpu.memref_slice %arg6[%add3A_58, %dma_start3A_87] : memref<20480x128xf32, #tpu.memory_space<hbm>> -> memref<80x128xf32, #tpu.memory_space<hbm>>
      %dma_start3A_89 = arith.constant 0 : i32
      %dma_start3A_90 = tpu.memref_slice %arg6[%add3A_58, %dma_start3A_89] : memref<20480x128xf32, #tpu.memory_space<hbm>> -> memref<80x128xf32, #tpu.memory_space<hbm>>
      tpu.enqueue_dma source(%arg11 : memref<80x128xf32, #tpu.memory_space<vmem>>) target(%dma_start3A_90 : memref<80x128xf32, #tpu.memory_space<hbm>>) target_semaphore(%run_scoped3A : memref<!tpu.dma_semaphore, #tpu.memory_space<semaphore_mem>>)
      %dma_wait3A_91 = arith.constant 0 : i32
      %dma_wait3A_92 = tpu.memref_slice %arg6[%add3A_58, %dma_wait3A_91] : memref<20480x128xf32, #tpu.memory_space<hbm>> -> memref<80x128xf32, #tpu.memory_space<hbm>>
      %dma_wait3A_93 = arith.constant 0 : i32
      %dma_wait3A_94 = tpu.memref_slice %arg6[%add3A_58, %dma_wait3A_93] : memref<20480x128xf32, #tpu.memory_space<hbm>> -> memref<80x128xf32, #tpu.memory_space<hbm>>
      tpu.wait_dma2 semaphore(%run_scoped3A : memref<!tpu.dma_semaphore, #tpu.memory_space<semaphore_mem>>) src(%arg11 : memref<80x128xf32, #tpu.memory_space<vmem>>) dst(%dma_wait3A_94 : memref<80x128xf32, #tpu.memory_space<hbm>>)
      tpu.yield
    }) : () -> ()
    %add3A_59 = arith.constant 320 : i32
    %add3A_60 = arith.addi %mul3A_2, %add3A_59 : i32
    "tpu.region"() ({
      %run_scoped3A = tpu.sem_alloc : memref<!tpu.dma_semaphore, #tpu.memory_space<semaphore_mem>>
      %dma_start3A_87 = arith.constant 0 : i32
      %dma_start3A_88 = tpu.memref_slice %arg13[%add3A_60, %dma_start3A_87] : memref<10240x128xf32, #tpu.memory_space<vmem_shared>> -> memref<80x128xf32, #tpu.memory_space<vmem_shared>>
      %dma_start3A_89 = arith.constant 0 : i32
      %dma_start3A_90 = tpu.memref_slice %arg13[%add3A_60, %dma_start3A_89] : memref<10240x128xf32, #tpu.memory_space<vmem_shared>> -> memref<80x128xf32, #tpu.memory_space<vmem_shared>>
      tpu.enqueue_dma source(%dma_start3A_90 : memref<80x128xf32, #tpu.memory_space<vmem_shared>>) target(%arg11 : memref<80x128xf32, #tpu.memory_space<vmem>>) target_semaphore(%run_scoped3A : memref<!tpu.dma_semaphore, #tpu.memory_space<semaphore_mem>>)
      %dma_wait3A_91 = arith.constant 0 : i32
      %dma_wait3A_92 = tpu.memref_slice %arg13[%add3A_60, %dma_wait3A_91] : memref<10240x128xf32, #tpu.memory_space<vmem_shared>> -> memref<80x128xf32, #tpu.memory_space<vmem_shared>>
      %dma_wait3A_93 = arith.constant 0 : i32
      %dma_wait3A_94 = tpu.memref_slice %arg13[%add3A_60, %dma_wait3A_93] : memref<10240x128xf32, #tpu.memory_space<vmem_shared>> -> memref<80x128xf32, #tpu.memory_space<vmem_shared>>
      tpu.wait_dma2 semaphore(%run_scoped3A : memref<!tpu.dma_semaphore, #tpu.memory_space<semaphore_mem>>) src(%dma_wait3A_94 : memref<80x128xf32, #tpu.memory_space<vmem_shared>>) dst(%arg11 : memref<80x128xf32, #tpu.memory_space<vmem>>)
      tpu.yield
    }) : () -> ()
    %mul3A_61 = arith.constant 10240 : i32
    %mul3A_62 = arith.muli %arg0, %mul3A_61 : i32
    %add3A_63 = arith.addi %mul3A_62, %mul3A_2 : i32
    %add3A_64 = arith.constant 320 : i32
    %add3A_65 = arith.addi %add3A_63, %add3A_64 : i32
    "tpu.region"() ({
      %run_scoped3A = tpu.sem_alloc : memref<!tpu.dma_semaphore, #tpu.memory_space<semaphore_mem>>
      %dma_start3A_87 = arith.constant 0 : i32
      %dma_start3A_88 = tpu.memref_slice %arg6[%add3A_65, %dma_start3A_87] : memref<20480x128xf32, #tpu.memory_space<hbm>> -> memref<80x128xf32, #tpu.memory_space<hbm>>
      %dma_start3A_89 = arith.constant 0 : i32
      %dma_start3A_90 = tpu.memref_slice %arg6[%add3A_65, %dma_start3A_89] : memref<20480x128xf32, #tpu.memory_space<hbm>> -> memref<80x128xf32, #tpu.memory_space<hbm>>
      tpu.enqueue_dma source(%arg11 : memref<80x128xf32, #tpu.memory_space<vmem>>) target(%dma_start3A_90 : memref<80x128xf32, #tpu.memory_space<hbm>>) target_semaphore(%run_scoped3A : memref<!tpu.dma_semaphore, #tpu.memory_space<semaphore_mem>>)
      %dma_wait3A_91 = arith.constant 0 : i32
      %dma_wait3A_92 = tpu.memref_slice %arg6[%add3A_65, %dma_wait3A_91] : memref<20480x128xf32, #tpu.memory_space<hbm>> -> memref<80x128xf32, #tpu.memory_space<hbm>>
      %dma_wait3A_93 = arith.constant 0 : i32
      %dma_wait3A_94 = tpu.memref_slice %arg6[%add3A_65, %dma_wait3A_93] : memref<20480x128xf32, #tpu.memory_space<hbm>> -> memref<80x128xf32, #tpu.memory_space<hbm>>
      tpu.wait_dma2 semaphore(%run_scoped3A : memref<!tpu.dma_semaphore, #tpu.memory_space<semaphore_mem>>) src(%arg11 : memref<80x128xf32, #tpu.memory_space<vmem>>) dst(%dma_wait3A_94 : memref<80x128xf32, #tpu.memory_space<hbm>>)
      tpu.yield
    }) : () -> ()
    %add3A_66 = arith.constant 400 : i32
    %add3A_67 = arith.addi %mul3A_2, %add3A_66 : i32
    "tpu.region"() ({
      %run_scoped3A = tpu.sem_alloc : memref<!tpu.dma_semaphore, #tpu.memory_space<semaphore_mem>>
      %dma_start3A_87 = arith.constant 0 : i32
      %dma_start3A_88 = tpu.memref_slice %arg13[%add3A_67, %dma_start3A_87] : memref<10240x128xf32, #tpu.memory_space<vmem_shared>> -> memref<80x128xf32, #tpu.memory_space<vmem_shared>>
      %dma_start3A_89 = arith.constant 0 : i32
      %dma_start3A_90 = tpu.memref_slice %arg13[%add3A_67, %dma_start3A_89] : memref<10240x128xf32, #tpu.memory_space<vmem_shared>> -> memref<80x128xf32, #tpu.memory_space<vmem_shared>>
      tpu.enqueue_dma source(%dma_start3A_90 : memref<80x128xf32, #tpu.memory_space<vmem_shared>>) target(%arg11 : memref<80x128xf32, #tpu.memory_space<vmem>>) target_semaphore(%run_scoped3A : memref<!tpu.dma_semaphore, #tpu.memory_space<semaphore_mem>>)
      %dma_wait3A_91 = arith.constant 0 : i32
      %dma_wait3A_92 = tpu.memref_slice %arg13[%add3A_67, %dma_wait3A_91] : memref<10240x128xf32, #tpu.memory_space<vmem_shared>> -> memref<80x128xf32, #tpu.memory_space<vmem_shared>>
      %dma_wait3A_93 = arith.constant 0 : i32
      %dma_wait3A_94 = tpu.memref_slice %arg13[%add3A_67, %dma_wait3A_93] : memref<10240x128xf32, #tpu.memory_space<vmem_shared>> -> memref<80x128xf32, #tpu.memory_space<vmem_shared>>
      tpu.wait_dma2 semaphore(%run_scoped3A : memref<!tpu.dma_semaphore, #tpu.memory_space<semaphore_mem>>) src(%dma_wait3A_94 : memref<80x128xf32, #tpu.memory_space<vmem_shared>>) dst(%arg11 : memref<80x128xf32, #tpu.memory_space<vmem>>)
      tpu.yield
    }) : () -> ()
    %mul3A_68 = arith.constant 10240 : i32
    %mul3A_69 = arith.muli %arg0, %mul3A_68 : i32
    %add3A_70 = arith.addi %mul3A_69, %mul3A_2 : i32
    %add3A_71 = arith.constant 400 : i32
    %add3A_72 = arith.addi %add3A_70, %add3A_71 : i32
    "tpu.region"() ({
      %run_scoped3A = tpu.sem_alloc : memref<!tpu.dma_semaphore, #tpu.memory_space<semaphore_mem>>
      %dma_start3A_87 = arith.constant 0 : i32
      %dma_start3A_88 = tpu.memref_slice %arg6[%add3A_72, %dma_start3A_87] : memref<20480x128xf32, #tpu.memory_space<hbm>> -> memref<80x128xf32, #tpu.memory_space<hbm>>
      %dma_start3A_89 = arith.constant 0 : i32
      %dma_start3A_90 = tpu.memref_slice %arg6[%add3A_72, %dma_start3A_89] : memref<20480x128xf32, #tpu.memory_space<hbm>> -> memref<80x128xf32, #tpu.memory_space<hbm>>
      tpu.enqueue_dma source(%arg11 : memref<80x128xf32, #tpu.memory_space<vmem>>) target(%dma_start3A_90 : memref<80x128xf32, #tpu.memory_space<hbm>>) target_semaphore(%run_scoped3A : memref<!tpu.dma_semaphore, #tpu.memory_space<semaphore_mem>>)
      %dma_wait3A_91 = arith.constant 0 : i32
      %dma_wait3A_92 = tpu.memref_slice %arg6[%add3A_72, %dma_wait3A_91] : memref<20480x128xf32, #tpu.memory_space<hbm>> -> memref<80x128xf32, #tpu.memory_space<hbm>>
      %dma_wait3A_93 = arith.constant 0 : i32
      %dma_wait3A_94 = tpu.memref_slice %arg6[%add3A_72, %dma_wait3A_93] : memref<20480x128xf32, #tpu.memory_space<hbm>> -> memref<80x128xf32, #tpu.memory_space<hbm>>
      tpu.wait_dma2 semaphore(%run_scoped3A : memref<!tpu.dma_semaphore, #tpu.memory_space<semaphore_mem>>) src(%arg11 : memref<80x128xf32, #tpu.memory_space<vmem>>) dst(%dma_wait3A_94 : memref<80x128xf32, #tpu.memory_space<hbm>>)
      tpu.yield
    }) : () -> ()
    %add3A_73 = arith.constant 480 : i32
    %add3A_74 = arith.addi %mul3A_2, %add3A_73 : i32
    "tpu.region"() ({
      %run_scoped3A = tpu.sem_alloc : memref<!tpu.dma_semaphore, #tpu.memory_space<semaphore_mem>>
      %dma_start3A_87 = arith.constant 0 : i32
      %dma_start3A_88 = tpu.memref_slice %arg13[%add3A_74, %dma_start3A_87] : memref<10240x128xf32, #tpu.memory_space<vmem_shared>> -> memref<80x128xf32, #tpu.memory_space<vmem_shared>>
      %dma_start3A_89 = arith.constant 0 : i32
      %dma_start3A_90 = tpu.memref_slice %arg13[%add3A_74, %dma_start3A_89] : memref<10240x128xf32, #tpu.memory_space<vmem_shared>> -> memref<80x128xf32, #tpu.memory_space<vmem_shared>>
      tpu.enqueue_dma source(%dma_start3A_90 : memref<80x128xf32, #tpu.memory_space<vmem_shared>>) target(%arg11 : memref<80x128xf32, #tpu.memory_space<vmem>>) target_semaphore(%run_scoped3A : memref<!tpu.dma_semaphore, #tpu.memory_space<semaphore_mem>>)
      %dma_wait3A_91 = arith.constant 0 : i32
      %dma_wait3A_92 = tpu.memref_slice %arg13[%add3A_74, %dma_wait3A_91] : memref<10240x128xf32, #tpu.memory_space<vmem_shared>> -> memref<80x128xf32, #tpu.memory_space<vmem_shared>>
      %dma_wait3A_93 = arith.constant 0 : i32
      %dma_wait3A_94 = tpu.memref_slice %arg13[%add3A_74, %dma_wait3A_93] : memref<10240x128xf32, #tpu.memory_space<vmem_shared>> -> memref<80x128xf32, #tpu.memory_space<vmem_shared>>
      tpu.wait_dma2 semaphore(%run_scoped3A : memref<!tpu.dma_semaphore, #tpu.memory_space<semaphore_mem>>) src(%dma_wait3A_94 : memref<80x128xf32, #tpu.memory_space<vmem_shared>>) dst(%arg11 : memref<80x128xf32, #tpu.memory_space<vmem>>)
      tpu.yield
    }) : () -> ()
    %mul3A_75 = arith.constant 10240 : i32
    %mul3A_76 = arith.muli %arg0, %mul3A_75 : i32
    %add3A_77 = arith.addi %mul3A_76, %mul3A_2 : i32
    %add3A_78 = arith.constant 480 : i32
    %add3A_79 = arith.addi %add3A_77, %add3A_78 : i32
    "tpu.region"() ({
      %run_scoped3A = tpu.sem_alloc : memref<!tpu.dma_semaphore, #tpu.memory_space<semaphore_mem>>
      %dma_start3A_87 = arith.constant 0 : i32
      %dma_start3A_88 = tpu.memref_slice %arg6[%add3A_79, %dma_start3A_87] : memref<20480x128xf32, #tpu.memory_space<hbm>> -> memref<80x128xf32, #tpu.memory_space<hbm>>
      %dma_start3A_89 = arith.constant 0 : i32
      %dma_start3A_90 = tpu.memref_slice %arg6[%add3A_79, %dma_start3A_89] : memref<20480x128xf32, #tpu.memory_space<hbm>> -> memref<80x128xf32, #tpu.memory_space<hbm>>
      tpu.enqueue_dma source(%arg11 : memref<80x128xf32, #tpu.memory_space<vmem>>) target(%dma_start3A_90 : memref<80x128xf32, #tpu.memory_space<hbm>>) target_semaphore(%run_scoped3A : memref<!tpu.dma_semaphore, #tpu.memory_space<semaphore_mem>>)
      %dma_wait3A_91 = arith.constant 0 : i32
      %dma_wait3A_92 = tpu.memref_slice %arg6[%add3A_79, %dma_wait3A_91] : memref<20480x128xf32, #tpu.memory_space<hbm>> -> memref<80x128xf32, #tpu.memory_space<hbm>>
      %dma_wait3A_93 = arith.constant 0 : i32
      %dma_wait3A_94 = tpu.memref_slice %arg6[%add3A_79, %dma_wait3A_93] : memref<20480x128xf32, #tpu.memory_space<hbm>> -> memref<80x128xf32, #tpu.memory_space<hbm>>
      tpu.wait_dma2 semaphore(%run_scoped3A : memref<!tpu.dma_semaphore, #tpu.memory_space<semaphore_mem>>) src(%arg11 : memref<80x128xf32, #tpu.memory_space<vmem>>) dst(%dma_wait3A_94 : memref<80x128xf32, #tpu.memory_space<hbm>>)
      tpu.yield
    }) : () -> ()
    %add3A_80 = arith.constant 560 : i32
    %add3A_81 = arith.addi %mul3A_2, %add3A_80 : i32
    "tpu.region"() ({
      %run_scoped3A = tpu.sem_alloc : memref<!tpu.dma_semaphore, #tpu.memory_space<semaphore_mem>>
      %dma_start3A_87 = arith.constant 0 : i32
      %dma_start3A_88 = tpu.memref_slice %arg13[%add3A_81, %dma_start3A_87] : memref<10240x128xf32, #tpu.memory_space<vmem_shared>> -> memref<80x128xf32, #tpu.memory_space<vmem_shared>>
      %dma_start3A_89 = arith.constant 0 : i32
      %dma_start3A_90 = tpu.memref_slice %arg13[%add3A_81, %dma_start3A_89] : memref<10240x128xf32, #tpu.memory_space<vmem_shared>> -> memref<80x128xf32, #tpu.memory_space<vmem_shared>>
      tpu.enqueue_dma source(%dma_start3A_90 : memref<80x128xf32, #tpu.memory_space<vmem_shared>>) target(%arg11 : memref<80x128xf32, #tpu.memory_space<vmem>>) target_semaphore(%run_scoped3A : memref<!tpu.dma_semaphore, #tpu.memory_space<semaphore_mem>>)
      %dma_wait3A_91 = arith.constant 0 : i32
      %dma_wait3A_92 = tpu.memref_slice %arg13[%add3A_81, %dma_wait3A_91] : memref<10240x128xf32, #tpu.memory_space<vmem_shared>> -> memref<80x128xf32, #tpu.memory_space<vmem_shared>>
      %dma_wait3A_93 = arith.constant 0 : i32
      %dma_wait3A_94 = tpu.memref_slice %arg13[%add3A_81, %dma_wait3A_93] : memref<10240x128xf32, #tpu.memory_space<vmem_shared>> -> memref<80x128xf32, #tpu.memory_space<vmem_shared>>
      tpu.wait_dma2 semaphore(%run_scoped3A : memref<!tpu.dma_semaphore, #tpu.memory_space<semaphore_mem>>) src(%dma_wait3A_94 : memref<80x128xf32, #tpu.memory_space<vmem_shared>>) dst(%arg11 : memref<80x128xf32, #tpu.memory_space<vmem>>)
      tpu.yield
    }) : () -> ()
    %mul3A_82 = arith.constant 10240 : i32
    %mul3A_83 = arith.muli %arg0, %mul3A_82 : i32
    %add3A_84 = arith.addi %mul3A_83, %mul3A_2 : i32
    %add3A_85 = arith.constant 560 : i32
    %add3A_86 = arith.addi %add3A_84, %add3A_85 : i32
    "tpu.region"() ({
      %run_scoped3A = tpu.sem_alloc : memref<!tpu.dma_semaphore, #tpu.memory_space<semaphore_mem>>
      %dma_start3A_87 = arith.constant 0 : i32
      %dma_start3A_88 = tpu.memref_slice %arg6[%add3A_86, %dma_start3A_87] : memref<20480x128xf32, #tpu.memory_space<hbm>> -> memref<80x128xf32, #tpu.memory_space<hbm>>
      %dma_start3A_89 = arith.constant 0 : i32
      %dma_start3A_90 = tpu.memref_slice %arg6[%add3A_86, %dma_start3A_89] : memref<20480x128xf32, #tpu.memory_space<hbm>> -> memref<80x128xf32, #tpu.memory_space<hbm>>
      tpu.enqueue_dma source(%arg11 : memref<80x128xf32, #tpu.memory_space<vmem>>) target(%dma_start3A_90 : memref<80x128xf32, #tpu.memory_space<hbm>>) target_semaphore(%run_scoped3A : memref<!tpu.dma_semaphore, #tpu.memory_space<semaphore_mem>>)
      %dma_wait3A_91 = arith.constant 0 : i32
      %dma_wait3A_92 = tpu.memref_slice %arg6[%add3A_86, %dma_wait3A_91] : memref<20480x128xf32, #tpu.memory_space<hbm>> -> memref<80x128xf32, #tpu.memory_space<hbm>>
      %dma_wait3A_93 = arith.constant 0 : i32
      %dma_wait3A_94 = tpu.memref_slice %arg6[%add3A_86, %dma_wait3A_93] : memref<20480x128xf32, #tpu.memory_space<hbm>> -> memref<80x128xf32, #tpu.memory_space<hbm>>
      tpu.wait_dma2 semaphore(%run_scoped3A : memref<!tpu.dma_semaphore, #tpu.memory_space<semaphore_mem>>) src(%arg11 : memref<80x128xf32, #tpu.memory_space<vmem>>) dst(%dma_wait3A_94 : memref<80x128xf32, #tpu.memory_space<hbm>>)
      tpu.yield
    }) : () -> ()
    return
  }
}

module attributes {stable_mosaic.version = 14 : i64} {
  func.func @_lin2_body(%arg0: i32, %arg1: memref<1000x128xf32, #tpu.memory_space<vmem>>, %arg2: memref<128x128xf32, #tpu.memory_space<vmem>>, %arg3: memref<128x128xf32, #tpu.memory_space<vmem>>, %arg4: memref<1x128xf32, #tpu.memory_space<vmem>>, %arg5: memref<1000x128xf32, #tpu.memory_space<vmem>>, %arg6: memref<1000x128xf32, #tpu.memory_space<vmem>>) attributes {dimension_semantics = [#tpu.dimension_semantics<arbitrary>], iteration_bounds = array<i64: 10>, scalar_prefetch = 0 : i64, scratch_operands = 0 : i64, tpu.core_type = #tpu.core_type<tc>, window_params = [{transform_indices = @transform_0, window_bounds = array<i64: 1000, 128>}, {pipeline_mode = #tpu.pipeline_mode<synchronous>, transform_indices = @transform_1, window_bounds = array<i64: 128, 128>}, {pipeline_mode = #tpu.pipeline_mode<synchronous>, transform_indices = @transform_2, window_bounds = array<i64: 128, 128>}, {pipeline_mode = #tpu.pipeline_mode<synchronous>, transform_indices = @transform_3, window_bounds = array<i64: 1, 128>}, {transform_indices = @transform_4, window_bounds = array<i64: 1000, 128>}, {transform_indices = @transform_5, window_bounds = array<i64: 1000, 128>}]} {
    %get3A = arith.constant 0 : index
    %get3A_0 = arith.constant 0 : index
    %get3A_1 = vector.load %arg1[%get3A, %get3A_0] : memref<1000x128xf32, #tpu.memory_space<vmem>>, vector<1000x128xf32>
    %get3A_2 = arith.constant 0 : index
    %get3A_3 = arith.constant 0 : index
    %get3A_4 = vector.load %arg2[%get3A_2, %get3A_3] : memref<128x128xf32, #tpu.memory_space<vmem>>, vector<128x128xf32>
    %dot_general3A = arith.constant dense<0.000000e+00> : vector<1000x128xf32>
    %dot_general3A_5 = tpu.matmul %get3A_1, %get3A_4, %dot_general3A {dimension_numbers = #tpu.dot_dimension_numbers<[1], [1], [0], [0], [0, 0, 1, 0], [], []>, transpose_lhs_hint = false} : vector<1000x128xf32>, vector<128x128xf32>, vector<1000x128xf32> -> vector<1000x128xf32>
    %swap3A = arith.constant 0 : index
    %swap3A_6 = arith.constant 0 : index
    %swap3A_7 = vector.load %arg5[%swap3A, %swap3A_6] : memref<1000x128xf32, #tpu.memory_space<vmem>>, vector<1000x128xf32>
    tpu.vector_store %arg5[%swap3A, %swap3A_6], %dot_general3A_5 {strides = array<i32>} : memref<1000x128xf32, #tpu.memory_space<vmem>>, vector<1000x128xf32>,
    %get3A_8 = arith.constant 0 : index
    %get3A_9 = arith.constant 0 : index
    %get3A_10 = vector.load %arg3[%get3A_8, %get3A_9] : memref<128x128xf32, #tpu.memory_space<vmem>>, vector<128x128xf32>
    %dot_general3A_11 = arith.constant dense<0.000000e+00> : vector<1000x128xf32>
    %dot_general3A_12 = tpu.matmul %get3A_1, %get3A_10, %dot_general3A_11 {dimension_numbers = #tpu.dot_dimension_numbers<[1], [1], [0], [0], [0, 0, 1, 0], [], []>, transpose_lhs_hint = false} : vector<1000x128xf32>, vector<128x128xf32>, vector<1000x128xf32> -> vector<1000x128xf32>
    %get3A_13 = arith.constant 0 : index
    %get3A_14 = arith.constant 0 : index
    %get3A_15 = vector.load %arg4[%get3A_13, %get3A_14] : memref<1x128xf32, #tpu.memory_space<vmem>>, vector<1x128xf32>
    %add3A = vector.broadcast %get3A_15 : vector<1x128xf32> to vector<1000x128xf32>
    %add3A_16 = arith.addf %dot_general3A_12, %add3A : vector<1000x128xf32>
    %swap3A_17 = arith.constant 0 : index
    %swap3A_18 = arith.constant 0 : index
    %swap3A_19 = vector.load %arg6[%swap3A_17, %swap3A_18] : memref<1000x128xf32, #tpu.memory_space<vmem>>, vector<1000x128xf32>
    tpu.vector_store %arg6[%swap3A_17, %swap3A_18], %add3A_16 {strides = array<i32>} : memref<1000x128xf32, #tpu.memory_space<vmem>>, vector<1000x128xf32>,
    return
  }
  func.func @transform_0(%arg0: i32) -> (i32, i32) {
    %c0_i32 = arith.constant 0 : i32
    %c0_i32_0 = arith.constant 0 : i32
    return %arg0, %c0_i32 : i32, i32
  }
  func.func @transform_1(%arg0: i32) -> (i32, i32) {
    %c0_i32 = arith.constant 0 : i32
    %c0_i32_0 = arith.constant 0 : i32
    %c0_i32_1 = arith.constant 0 : i32
    return %c0_i32, %c0_i32_0 : i32, i32
  }
  func.func @transform_2(%arg0: i32) -> (i32, i32) {
    %c0_i32 = arith.constant 0 : i32
    %c0_i32_0 = arith.constant 0 : i32
    %c0_i32_1 = arith.constant 0 : i32
    return %c0_i32, %c0_i32_0 : i32, i32
  }
  func.func @transform_3(%arg0: i32) -> (i32, i32) {
    %c0_i32 = arith.constant 0 : i32
    %c0_i32_0 = arith.constant 0 : i32
    %c0_i32_1 = arith.constant 0 : i32
    return %c0_i32, %c0_i32_0 : i32, i32
  }
  func.func @transform_4(%arg0: i32) -> (i32, i32) {
    %c0_i32 = arith.constant 0 : i32
    %c0_i32_0 = arith.constant 0 : i32
    return %arg0, %c0_i32 : i32, i32
  }
  func.func @transform_5(%arg0: i32) -> (i32, i32) {
    %c0_i32 = arith.constant 0 : i32
    %c0_i32_0 = arith.constant 0 : i32
    return %arg0, %c0_i32 : i32, i32
  }
}

module attributes {stable_mosaic.version = 14 : i64} {
  func.func @_mid_body(%arg0: i32, %arg1: memref<2x1000x128xf32, #tpu.memory_space<vmem>>, %arg2: memref<2x1000x128xf32, #tpu.memory_space<vmem>>, %arg3: memref<1000x128xf32, #tpu.memory_space<vmem>>, %arg4: memref<128x128xf32, #tpu.memory_space<vmem>>, %arg5: memref<128x128xf32, #tpu.memory_space<vmem>>, %arg6: memref<1x128xf32, #tpu.memory_space<vmem>>, %arg7: memref<1000x128xf32, #tpu.memory_space<vmem>>, %arg8: memref<1000x128xf32, #tpu.memory_space<vmem>>) attributes {dimension_semantics = [#tpu.dimension_semantics<arbitrary>], iteration_bounds = array<i64: 10>, scalar_prefetch = 0 : i64, scratch_operands = 0 : i64, tpu.core_type = #tpu.core_type<tc>, window_params = [{transform_indices = @transform_0, window_bounds = array<i64: 2, 1000, 128>}, {transform_indices = @transform_1, window_bounds = array<i64: 2, 1000, 128>}, {transform_indices = @transform_2, window_bounds = array<i64: 1000, 128>}, {pipeline_mode = #tpu.pipeline_mode<synchronous>, transform_indices = @transform_3, window_bounds = array<i64: 128, 128>}, {pipeline_mode = #tpu.pipeline_mode<synchronous>, transform_indices = @transform_4, window_bounds = array<i64: 128, 128>}, {pipeline_mode = #tpu.pipeline_mode<synchronous>, transform_indices = @transform_5, window_bounds = array<i64: 1, 128>}, {transform_indices = @transform_6, window_bounds = array<i64: 1000, 128>}, {transform_indices = @transform_7, window_bounds = array<i64: 1000, 128>}]} {
    %get3A = arith.constant 0 : index
    %get3A_0 = arith.constant 0 : index
    %get3A_1 = arith.constant 0 : index
    %get3A_2 = vector.load %arg1[%get3A, %get3A_0, %get3A_1] : memref<2x1000x128xf32, #tpu.memory_space<vmem>>, vector<2x1000x128xf32>
    %get3A_3 = arith.constant 0 : index
    %get3A_4 = arith.constant 0 : index
    %get3A_5 = arith.constant 0 : index
    %get3A_6 = vector.load %arg2[%get3A_3, %get3A_4, %get3A_5] : memref<2x1000x128xf32, #tpu.memory_space<vmem>>, vector<2x1000x128xf32>
    %get3A_7 = arith.constant 0 : index
    %get3A_8 = arith.constant 0 : index
    %get3A_9 = vector.load %arg3[%get3A_7, %get3A_8] : memref<1000x128xf32, #tpu.memory_space<vmem>>, vector<1000x128xf32>
    %slice3A = vector.extract_strided_slice %get3A_2 {offsets = [0, 0, 0], sizes = [1, 1000, 128], strides = [1, 1, 1]} : vector<2x1000x128xf32> to vector<1x1000x128xf32>
    %squeeze3A = vector.shape_cast %slice3A : vector<1x1000x128xf32> to vector<1000x128xf32>
    %slice3A_10 = vector.extract_strided_slice %get3A_2 {offsets = [1, 0, 0], sizes = [1, 1000, 128], strides = [1, 1, 1]} : vector<2x1000x128xf32> to vector<1x1000x128xf32>
    %squeeze3A_11 = vector.shape_cast %slice3A_10 : vector<1x1000x128xf32> to vector<1000x128xf32>
    %add3A = arith.addf %squeeze3A, %squeeze3A_11 : vector<1000x128xf32>
    %slice3A_12 = vector.extract_strided_slice %get3A_6 {offsets = [0, 0, 0], sizes = [1, 1000, 1], strides = [1, 1, 1]} : vector<2x1000x128xf32> to vector<1x1000x1xf32>
    %squeeze3A_13 = vector.shape_cast %slice3A_12 : vector<1x1000x1xf32> to vector<1000x1xf32>
    %slice3A_14 = vector.extract_strided_slice %get3A_6 {offsets = [1, 0, 0], sizes = [1, 1000, 1], strides = [1, 1, 1]} : vector<2x1000x128xf32> to vector<1x1000x1xf32>
    %squeeze3A_15 = vector.shape_cast %slice3A_14 : vector<1x1000x1xf32> to vector<1000x1xf32>
    %add3A_16 = arith.addf %squeeze3A_13, %squeeze3A_15 : vector<1000x1xf32>
    %jit3A = arith.constant 1.000000e+00 : f32
    %max3A = vector.broadcast %jit3A : f32 to vector<1000x1xf32>
    %max3A_17 = arith.maximumf %max3A, %add3A_16 : vector<1000x1xf32>
    %div3A = vector.broadcast %max3A_17 : vector<1000x1xf32> to vector<1000x128xf32>
    %div3A_18 = arith.divf %add3A, %div3A : vector<1000x128xf32>
    %add3A_19 = arith.addf %div3A_18, %get3A_9 : vector<1000x128xf32>
    %max3A_20 = arith.constant 0.000000e+00 : f32
    %max3A_21 = vector.broadcast %max3A_20 : f32 to vector<1000x128xf32>
    %max3A_22 = arith.maximumf %add3A_19, %max3A_21 : vector<1000x128xf32>
    %get3A_23 = arith.constant 0 : index
    %get3A_24 = arith.constant 0 : index
    %get3A_25 = vector.load %arg4[%get3A_23, %get3A_24] : memref<128x128xf32, #tpu.memory_space<vmem>>, vector<128x128xf32>
    %dot_general3A = arith.constant dense<0.000000e+00> : vector<1000x128xf32>
    %dot_general3A_26 = tpu.matmul %max3A_22, %get3A_25, %dot_general3A {dimension_numbers = #tpu.dot_dimension_numbers<[1], [1], [0], [0], [0, 0, 1, 0], [], []>, transpose_lhs_hint = false} : vector<1000x128xf32>, vector<128x128xf32>, vector<1000x128xf32> -> vector<1000x128xf32>
    %swap3A = arith.constant 0 : index
    %swap3A_27 = arith.constant 0 : index
    %swap3A_28 = vector.load %arg7[%swap3A, %swap3A_27] : memref<1000x128xf32, #tpu.memory_space<vmem>>, vector<1000x128xf32>
    tpu.vector_store %arg7[%swap3A, %swap3A_27], %dot_general3A_26 {strides = array<i32>} : memref<1000x128xf32, #tpu.memory_space<vmem>>, vector<1000x128xf32>,
    %get3A_29 = arith.constant 0 : index
    %get3A_30 = arith.constant 0 : index
    %get3A_31 = vector.load %arg5[%get3A_29, %get3A_30] : memref<128x128xf32, #tpu.memory_space<vmem>>, vector<128x128xf32>
    %dot_general3A_32 = arith.constant dense<0.000000e+00> : vector<1000x128xf32>
    %dot_general3A_33 = tpu.matmul %max3A_22, %get3A_31, %dot_general3A_32 {dimension_numbers = #tpu.dot_dimension_numbers<[1], [1], [0], [0], [0, 0, 1, 0], [], []>, transpose_lhs_hint = false} : vector<1000x128xf32>, vector<128x128xf32>, vector<1000x128xf32> -> vector<1000x128xf32>
    %get3A_34 = arith.constant 0 : index
    %get3A_35 = arith.constant 0 : index
    %get3A_36 = vector.load %arg6[%get3A_34, %get3A_35] : memref<1x128xf32, #tpu.memory_space<vmem>>, vector<1x128xf32>
    %add3A_37 = vector.broadcast %get3A_36 : vector<1x128xf32> to vector<1000x128xf32>
    %add3A_38 = arith.addf %dot_general3A_33, %add3A_37 : vector<1000x128xf32>
    %swap3A_39 = arith.constant 0 : index
    %swap3A_40 = arith.constant 0 : index
    %swap3A_41 = vector.load %arg8[%swap3A_39, %swap3A_40] : memref<1000x128xf32, #tpu.memory_space<vmem>>, vector<1000x128xf32>
    tpu.vector_store %arg8[%swap3A_39, %swap3A_40], %add3A_38 {strides = array<i32>} : memref<1000x128xf32, #tpu.memory_space<vmem>>, vector<1000x128xf32>,
    return
  }
  func.func @transform_0(%arg0: i32) -> (i32, i32, i32) {
    %c0_i32 = arith.constant 0 : i32
    %c0_i32_0 = arith.constant 0 : i32
    %c0_i32_1 = arith.constant 0 : i32
    return %c0_i32, %arg0, %c0_i32_0 : i32, i32, i32
  }
  func.func @transform_1(%arg0: i32) -> (i32, i32, i32) {
    %c0_i32 = arith.constant 0 : i32
    %c0_i32_0 = arith.constant 0 : i32
    %c0_i32_1 = arith.constant 0 : i32
    return %c0_i32, %arg0, %c0_i32_0 : i32, i32, i32
  }
  func.func @transform_2(%arg0: i32) -> (i32, i32) {
    %c0_i32 = arith.constant 0 : i32
    %c0_i32_0 = arith.constant 0 : i32
    return %arg0, %c0_i32 : i32, i32
  }
  func.func @transform_3(%arg0: i32) -> (i32, i32) {
    %c0_i32 = arith.constant 0 : i32
    %c0_i32_0 = arith.constant 0 : i32
    %c0_i32_1 = arith.constant 0 : i32
    return %c0_i32, %c0_i32_0 : i32, i32
  }
  func.func @transform_4(%arg0: i32) -> (i32, i32) {
    %c0_i32 = arith.constant 0 : i32
    %c0_i32_0 = arith.constant 0 : i32
    %c0_i32_1 = arith.constant 0 : i32
    return %c0_i32, %c0_i32_0 : i32, i32
  }
  func.func @transform_5(%arg0: i32) -> (i32, i32) {
    %c0_i32 = arith.constant 0 : i32
    %c0_i32_0 = arith.constant 0 : i32
    %c0_i32_1 = arith.constant 0 : i32
    return %c0_i32, %c0_i32_0 : i32, i32
  }
  func.func @transform_6(%arg0: i32) -> (i32, i32) {
    %c0_i32 = arith.constant 0 : i32
    %c0_i32_0 = arith.constant 0 : i32
    return %arg0, %c0_i32 : i32, i32
  }
  func.func @transform_7(%arg0: i32) -> (i32, i32) {
    %c0_i32 = arith.constant 0 : i32
    %c0_i32_0 = arith.constant 0 : i32
    return %arg0, %c0_i32 : i32, i32
  }
}

module attributes {stable_mosaic.version = 14 : i64} {
  func.func @_fin_body(%arg0: i32, %arg1: memref<2x1000x128xf32, #tpu.memory_space<vmem>>, %arg2: memref<2x1000x128xf32, #tpu.memory_space<vmem>>, %arg3: memref<1000x128xf32, #tpu.memory_space<vmem>>, %arg4: memref<1000x128xf32, #tpu.memory_space<vmem>>) attributes {dimension_semantics = [#tpu.dimension_semantics<arbitrary>], iteration_bounds = array<i64: 10>, scalar_prefetch = 0 : i64, scratch_operands = 0 : i64, tpu.core_type = #tpu.core_type<tc>, window_params = [{transform_indices = @transform_0, window_bounds = array<i64: 2, 1000, 128>}, {transform_indices = @transform_1, window_bounds = array<i64: 2, 1000, 128>}, {transform_indices = @transform_2, window_bounds = array<i64: 1000, 128>}, {transform_indices = @transform_3, window_bounds = array<i64: 1000, 128>}]} {
    %get3A = arith.constant 0 : index
    %get3A_0 = arith.constant 0 : index
    %get3A_1 = arith.constant 0 : index
    %get3A_2 = vector.load %arg1[%get3A, %get3A_0, %get3A_1] : memref<2x1000x128xf32, #tpu.memory_space<vmem>>, vector<2x1000x128xf32>
    %get3A_3 = arith.constant 0 : index
    %get3A_4 = arith.constant 0 : index
    %get3A_5 = arith.constant 0 : index
    %get3A_6 = vector.load %arg2[%get3A_3, %get3A_4, %get3A_5] : memref<2x1000x128xf32, #tpu.memory_space<vmem>>, vector<2x1000x128xf32>
    %get3A_7 = arith.constant 0 : index
    %get3A_8 = arith.constant 0 : index
    %get3A_9 = vector.load %arg3[%get3A_7, %get3A_8] : memref<1000x128xf32, #tpu.memory_space<vmem>>, vector<1000x128xf32>
    %slice3A = vector.extract_strided_slice %get3A_2 {offsets = [0, 0, 0], sizes = [1, 1000, 128], strides = [1, 1, 1]} : vector<2x1000x128xf32> to vector<1x1000x128xf32>
    %squeeze3A = vector.shape_cast %slice3A : vector<1x1000x128xf32> to vector<1000x128xf32>
    %slice3A_10 = vector.extract_strided_slice %get3A_2 {offsets = [1, 0, 0], sizes = [1, 1000, 128], strides = [1, 1, 1]} : vector<2x1000x128xf32> to vector<1x1000x128xf32>
    %squeeze3A_11 = vector.shape_cast %slice3A_10 : vector<1x1000x128xf32> to vector<1000x128xf32>
    %add3A = arith.addf %squeeze3A, %squeeze3A_11 : vector<1000x128xf32>
    %slice3A_12 = vector.extract_strided_slice %get3A_6 {offsets = [0, 0, 0], sizes = [1, 1000, 1], strides = [1, 1, 1]} : vector<2x1000x128xf32> to vector<1x1000x1xf32>
    %squeeze3A_13 = vector.shape_cast %slice3A_12 : vector<1x1000x1xf32> to vector<1000x1xf32>
    %slice3A_14 = vector.extract_strided_slice %get3A_6 {offsets = [1, 0, 0], sizes = [1, 1000, 1], strides = [1, 1, 1]} : vector<2x1000x128xf32> to vector<1x1000x1xf32>
    %squeeze3A_15 = vector.shape_cast %slice3A_14 : vector<1x1000x1xf32> to vector<1000x1xf32>
    %add3A_16 = arith.addf %squeeze3A_13, %squeeze3A_15 : vector<1000x1xf32>
    %jit3A = arith.constant 1.000000e+00 : f32
    %max3A = vector.broadcast %jit3A : f32 to vector<1000x1xf32>
    %max3A_17 = arith.maximumf %max3A, %add3A_16 : vector<1000x1xf32>
    %div3A = vector.broadcast %max3A_17 : vector<1000x1xf32> to vector<1000x128xf32>
    %div3A_18 = arith.divf %add3A, %div3A : vector<1000x128xf32>
    %add3A_19 = arith.addf %div3A_18, %get3A_9 : vector<1000x128xf32>
    %reduce_max3A = arith.constant dense<0xFF800000> : vector<1000xf32>
    %reduce_max3A_20 = vector.multi_reduction <maximumf>, %add3A_19, %reduce_max3A [1] : vector<1000x128xf32> to vector<1000xf32>
    %broadcast_in_dim3A = vector.shape_cast %reduce_max3A_20 : vector<1000xf32> to vector<1000x1xf32>
    %sub3A = vector.broadcast %broadcast_in_dim3A : vector<1000x1xf32> to vector<1000x128xf32>
    %sub3A_21 = arith.subf %add3A_19, %sub3A : vector<1000x128xf32>
    %exp3A = math.exp %sub3A_21 : vector<1000x128xf32>
    %reduce_sum3A = arith.constant dense<0.000000e+00> : vector<1000xf32>
    %reduce_sum3A_22 = vector.multi_reduction <add>, %exp3A, %reduce_sum3A [1] : vector<1000x128xf32> to vector<1000xf32>
    %broadcast_in_dim3A_23 = vector.shape_cast %reduce_sum3A_22 : vector<1000xf32> to vector<1000x1xf32>
    %log3A = math.log %broadcast_in_dim3A_23 : vector<1000x1xf32>
    %add3A_24 = arith.addf %log3A, %broadcast_in_dim3A : vector<1000x1xf32>
    %sub3A_25 = vector.broadcast %add3A_24 : vector<1000x1xf32> to vector<1000x128xf32>
    %sub3A_26 = arith.subf %add3A_19, %sub3A_25 : vector<1000x128xf32>
    %swap3A = arith.constant 0 : index
    %swap3A_27 = arith.constant 0 : index
    %swap3A_28 = vector.load %arg4[%swap3A, %swap3A_27] : memref<1000x128xf32, #tpu.memory_space<vmem>>, vector<1000x128xf32>
    tpu.vector_store %arg4[%swap3A, %swap3A_27], %sub3A_26 {strides = array<i32>} : memref<1000x128xf32, #tpu.memory_space<vmem>>, vector<1000x128xf32>,
    return
  }
  func.func @transform_0(%arg0: i32) -> (i32, i32, i32) {
    %c0_i32 = arith.constant 0 : i32
    %c0_i32_0 = arith.constant 0 : i32
    %c0_i32_1 = arith.constant 0 : i32
    return %c0_i32, %arg0, %c0_i32_0 : i32, i32, i32
  }
  func.func @transform_1(%arg0: i32) -> (i32, i32, i32) {
    %c0_i32 = arith.constant 0 : i32
    %c0_i32_0 = arith.constant 0 : i32
    %c0_i32_1 = arith.constant 0 : i32
    return %c0_i32, %arg0, %c0_i32_0 : i32, i32, i32
  }
  func.func @transform_2(%arg0: i32) -> (i32, i32) {
    %c0_i32 = arith.constant 0 : i32
    %c0_i32_0 = arith.constant 0 : i32
    return %arg0, %c0_i32 : i32, i32
  }
  func.func @transform_3(%arg0: i32) -> (i32, i32) {
    %c0_i32 = arith.constant 0 : i32
    %c0_i32_0 = arith.constant 0 : i32
    return %arg0, %c0_i32 : i32, i32
  }
}

</mosaic_0001>

<sc_bundles>
// kernel: kernel.11.cloned.1.call-start
scs
__scs_entry_jumppad:
0x0: {  	(pc) =	sbr.rel $0x88, $3  }
0x1: {  	(tag) =	ssettag $0x0;
	lr =	simm.s32 $0x1  }
0x2: {  	[smem:$0x3F99] =	sst lr;
	_ =	strace $0xD0000000  }
0x3: {  	_ = 	snop  }
0x4: {  	_ = 	snop  }
0x5: {  	_ = 	snop  }
0x6: {  	_ = 	snop  }
0x7: {  	_ = 	snop  }
__scs_overlays_trampoline_lowered:
0x8: {  	[smem:$0x3FA8] =	sst s0  }
0x9: {  	[smem:$0x3FA9] =	sst s1  }
0xa: {  	[smem:$0x3FAA] =	sst s2  }
0xb: {  	[smem:$0x3FAB] =	sst s3  }
0xc: {  	[smem:$0x3FAC] =	sst s4  }
0xd: {  	[smem:$0x3FAD] =	sst s5  }
0xe: {  	[smem:$0x3FAE] =	sst s6  }
0xf: {  	[smem:$0x3FAF] =	sst s7  }
0x10: {  	[smem:$0x3FB0] =	sst s8  }
0x11: {  	[smem:$0x3FB1] =	sst s9;
	s0 =	simm.s32 @!p0 $0x0  }
0x12: {  	s1 =	sld [smem:$0x3F97];
	s0 =	simm.s32 @p0 $0x1  }
0x13: {  	[smem:$0x3FB2] =	sst s0;
	s0 =	simm.s32 @!p1 $0x0  }
0x14: {  	s2 =	sld [smem:$0x3F96];
	s0 =	simm.s32 @p1 $0x1  }
0x15: {  	[smem:$0x3FB3] =	sst s0;
	s0 =	simm.s32 @!p2 $0x0  }
0x16: {  	s3 =	sld [smem:$0x3FDB];
	s0 =	simm.s32 @p2 $0x1  }
0x17: {  	s4 =	simm.s32 $0x1BF5;
	[smem:$0x3FB5] =	sst s0  }
0x18: {  	s0 =	sld [smem:$0x3F98];
	_ =	swait.ge [sflag:s4], $0x0  }
0x19: {  	s7 =	sld [smem:$0x3F99]  }
0x1a: {  	s8 =	sadd.s32 $0xFFFFE003, lr  }
0x1b: {  	s9 =	sadd.s32 $0xFFFFFEF7, lr;
	s5 =	simm.s32 $0xFFFFFFFF;
	p2 =	slt.u32 s8, $0xFFFFF086  }
0x1c: {  	p1 =	slt.u32 s9, $0xF7A;
	s5 =	simm.s32 @!p2 $0x0  }
0x1d: {  	s5 =	simm.s32 @p1 $0x1;
	p0 =	seq.s32 s7, s2  }
0x1e: {  	s7 =	smul.u32 @!p0 $0xF7A, s2;
	p2 =	seq.s32 @!p0 s5, $0x0  }
0x1f: {  	s9 =	smul.u32 $0xF7A, s1;
	s8 =	simm.s32 @!p0 $0x1BF5;
	p2 =	por !p2, p0  }
0x20: {  	[sflag:s8] =	ssyncset.s32 @!p0 $0xFFFFF086;
	s6 =	sadd.s32 @!p0 s3, s7;
	s7 =	simm.s32 @!p0 $0x108  }
0x21: {  	s3 =	sadd.s32 s3, s9;
	s6 =	sadd.s32 @!p0 $0x88, s6;
	s7 =	simm.s32 @p2 $0x1082  }
0x22: {  	[simem:s7], [sflag:s8] =	dma.local @!p0 [hbm:s6], $0xF7A  }
0x23: {  	s9 =	sor.u32 $0xD0000000, s2;
	s6 =	simm.s32 $0x108;
	_ =	swait.ge @!p0 [sflag:s8], $0x0  }
0x24: {  	s3 =	sadd.s32 $0x88, s3;
	s6 =	simm.s32 @!p1 $0x1082;
	[sflag:s4] =	ssyncset.s32 $0xFFFFF086  }
0x25: {  	[simem:s6], [sflag:s4] =	dma.local [hbm:s3], $0xF7A  }
0x26: {  	[smem:$0x3F99] =	sst s1;
	(tag) =	ssettag s2;
	_ =	strace s9  }
0x27: {  	s1 =	sld [smem:$0x3FA9]  }
0x28: {  	s2 =	sld [smem:$0x3FAA]  }
0x29: {  	s4 =	sld [smem:$0x3FAC]  }
0x2a: {  	p0 =	seq.s32 s5, $0x0;
	s5 =	sld [smem:$0x3FAD]  }
0x2b: {  	s6 =	sld [smem:$0x3FAE]  }
0x2c: {  	s7 =	sld [smem:$0x3FAF]  }
0x2d: {  	s3 =	simm.s32 $0x108;
	s8 =	sld [smem:$0x3FB0]  }
0x2e: {  	s3 =	simm.s32 @!p0 $0x1082;
	s9 =	sld [smem:$0x3FB1]  }
0x2f: {  	lr =	sadd.s32 s0, s3;
	s0 =	sld [smem:$0x3FA8]  }
0x30: {  	s3 =	sld [smem:$0x3FAB]  }
0x31: {  	[smem:$0x3FB4] =	sst s10  }
0x32: {  	s10 =	sld [smem:$0x3FB2];
	_ =	sdelay $0x3  }
0x33: {  	p0 =	seq.s32 s10, $0x1;
	s10 =	sld [smem:$0x3FB4];
	_ =	sdelay $0x3  }
0x34: {  	[smem:$0x3FB4] =	sst s10  }
0x35: {  	s10 =	sld [smem:$0x3FB3];
	_ =	sdelay $0x3  }
0x36: {  	p1 =	seq.s32 s10, $0x1;
	s10 =	sld [smem:$0x3FB4];
	_ =	sdelay $0x3  }
0x37: {  	[smem:$0x3FB4] =	sst s10  }
0x38: {  	s10 =	sld [smem:$0x3FB5]  }
0x39: {  	_ = 	snop;
	(pc) =	sbr.ind lr, $3  }
0x3a: {  	_ = 	snop  }
0x3b: {  	_ = 	snop  }
0x3c: {  	p2 =	seq.s32 s10, $0x1;
	s10 =	sld [smem:$0x3FB4]  }
0x3d: {  	_ =	shalt  }
0x3e: {  	_ =	shalt  }
0x3f: {  	_ =	shalt  }
0x40: {  	_ =	shalt  }
0x41: {  	_ =	shalt  }
0x42: {  	_ =	shalt  }
0x43: {  	_ =	shalt  }
0x44: {  	_ =	shalt  }
0x45: {  	_ =	shalt  }
0x46: {  	_ =	shalt  }
0x47: {  	_ =	shalt  }
0x48: {  	_ =	shalt  }
0x49: {  	_ =	shalt  }
0x4a: {  	_ =	shalt  }
0x4b: {  	_ =	shalt  }
0x4c: {  	_ =	shalt  }
0x4d: {  	_ =	shalt  }
0x4e: {  	_ =	shalt  }
0x4f: {  	_ =	shalt  }
0x50: {  	_ =	shalt  }
0x51: {  	_ =	shalt  }
0x52: {  	_ =	shalt  }
0x53: {  	_ =	shalt  }
0x54: {  	_ =	shalt  }
0x55: {  	_ =	shalt  }
0x56: {  	_ =	shalt  }
0x57: {  	_ =	shalt  }
0x58: {  	_ =	shalt  }
0x59: {  	_ =	shalt  }
0x5a: {  	_ =	shalt  }
0x5b: {  	_ =	shalt  }
0x5c: {  	_ =	shalt  }
0x5d: {  	_ =	shalt  }
0x5e: {  	_ =	shalt  }
0x5f: {  	_ =	shalt  }
0x60: {  	_ =	shalt  }
0x61: {  	_ =	shalt  }
0x62: {  	_ =	shalt  }
0x63: {  	_ =	shalt  }
0x64: {  	_ =	shalt  }
0x65: {  	_ =	shalt  }
0x66: {  	_ =	shalt  }
0x67: {  	_ =	shalt  }
0x68: {  	_ =	shalt  }
0x69: {  	_ =	shalt  }
0x6a: {  	_ =	shalt  }
0x6b: {  	_ =	shalt  }
0x6c: {  	_ =	shalt  }
0x6d: {  	_ =	shalt  }
0x6e: {  	_ =	shalt  }
0x6f: {  	_ =	shalt  }
0x70: {  	_ =	shalt  }
0x71: {  	_ =	shalt  }
0x72: {  	_ =	shalt  }
0x73: {  	_ =	shalt  }
0x74: {  	_ =	shalt  }
0x75: {  	_ =	shalt  }
0x76: {  	_ =	shalt  }
0x77: {  	_ =	shalt  }
0x78: {  	_ =	shalt  }
0x79: {  	_ =	shalt  }
0x7a: {  	_ =	shalt  }
0x7b: {  	_ =	shalt  }
0x7c: {  	_ =	shalt  }
0x7d: {  	_ =	shalt  }
0x7e: {  	_ =	shalt  }
0x7f: {  	_ =	shalt  }
0x80: {  	_ =	shalt  }
0x81: {  	_ =	shalt  }
0x82: {  	_ =	shalt  }
0x83: {  	_ =	shalt  }
0x84: {  	_ =	shalt  }
0x85: {  	_ =	shalt  }
0x86: {  	_ =	shalt  }
0x87: {  	_ =	shalt  }
.Lfunc_end0:
.L_simem_size_0:
called_computation.1_lowered:
.L_overlay_start_0:
0x88: {  	s2 =	sld [smem:$0x3FD9]  }
0x89: {  	s3 =	sld [smem:$0x3FFE];
	_ =	sdelay $0x1  }
0x8a: {  	s1 =	srdreg.scid  }
0x8b: {  	s0 =	sand.u32 $0x1, s1  }
0x8c: {  	s17 =	sshll.u32 s0, $0xA;
	s2 =	sadd.s32 s3, s2  }
0x8d: {  	s2 =	sadd.s32 s2, s17  }
0x8e: {  	[smem:$0x3FC0] =	sst s2  }
0x8f: {  	_ = 	snop  }
0x90: {  	s2 =	sld [smem:$0x3FD0];
	(tm) =	ssettm $0x1  }
0x91: {  	s18 =	sld [smem:$0x3FFB];
	_ =	sdelay $0x3  }
0x92: {  	_ =	strace s18  }
0x93: {  	s3 =	sld [smem:$0x3FFC];
	_ =	sdelay $0x3  }
0x94: {  	_ =	strace s3  }
0x95: {  	s3 =	sld [smem:$0x3FFD];
	_ =	sdelay $0x3  }
0x96: {  	_ =	strace s3  }
0x97: {  	_ =	strace $0x8FFFFFFF  }
0x98: {  	s19 =	sld [smem:$0x3FDB];
	_ =	sdelay $0x1  }
0x99: {  	s4 =	simm.s32 $_scs_section_size  }
0x9a: {  	s5 =	simm.s32 $_size__tile_overlayer_lowered;
	s6 =	simm.s32 $_tile_overlayer_lowered  }
0x9b: {  	s22 =	simm.s32 $0x1BFF;
	s21 =	sshll.u32 s6, $0x1;
	s3 =	sadd.s32 s4, s19  }
0x9c: {  	s7 =	simm.s32 $0x0;
	s20 =	sshll.u32 s5, $0x1;
	s5 =	sadd.s32 s21, s3  }
0x9d: {  	[timem:s7], [sflag:s22] =	dma.local [hbm:s5], s20  }
0x9e: {  	_ =	swait.ge [sflag:s22], s20  }
0x9f: {  	s4 =	ssub.s32 $0x0, s20;
	[sflag:s22] =	ssyncset.done $0x0  }
0xa0: {  	[sflag:s22] =	ssyncadd.s32 s4;
	_ =	sdelay $0x1  }
0xa1: {  	s23 =	simm.s32 $0x1B8B  }
0xa2: {  	_ =	swait.ge [sflag:s23], $0x1  }
0xa3: {  	[sflag:s23] =	ssyncset.done $0x0  }
0xa4: {  	s25 =	simm.s32 $0x1B8E;
	s24 =	sld [smem:$0x3FFE];
	[sflag:s23] =	ssyncadd.s32 $0xFFFFFFFF  }
0xa5: {  	s26 =	simm.s32 $execute0_lowered;
	[smem:$0x3FD2] =	sst s25  }
0xa6: {  	s5 =	sshll.u32 s26, $0x1;
	_ =	strace $0x80000046;
	[dreg:$0x1] =	wrdreg $0xFFFFFFFF  }
0xa7: {  	s28 =	simm.s32 $_size_execute0_lowered;
	s3 =	sadd.s32 s3, s5;
	[dreg:$0x0] =	wrdreg $0x0  }
0xa8: {  	s5 =	sshll.u32 s28, $0x1;
	[dreg:$0x2] =	wrdreg s3  }
0xa9: {  	[dreg:$0x3] =	wrdreg s5  }
0xaa: {  	[dreg:$0x4] =	wrdreg $0xC0  }
0xab: {  	_ =	task [dreg:s7], $0x5FFFF  }
0xac: {  	[dreg:$0x1] =	wrdreg $0xFFFFFFFF  }
0xad: {  	[dreg:$0x0] =	wrdreg $0x60  }
0xae: {  	[dreg:$0x2] =	wrdreg s2  }
0xaf: {  	[dreg:$0x3] =	wrdreg s24  }
0xb0: {  	[dreg:$0x4] =	wrdreg $0x52000  }
0xb1: {  	[dreg:$0x5] =	wrdreg $0xA  }
0xb2: {  	_ =	task.clear_ibuf [dreg:s7], $0x6FFFF;
	_ =	strace $0x90000046  }
0xb3: {  	s29 =	simm.s32 $0xA;
	_ =	strace $0x80000048  }
0xb4: {  	_ =	swait.ge [sflag:s29], $0x1  }
0xb5: {  	[sflag:s29] =	ssyncadd.s32 $0xFFFFFFFF  }
0xb6: {  	_ =	strace $0x90000048  }
0xb7: {  	_ =	sfence  }
0xb8: {  	s30 =	sld [smem:$0x0];
	_ =	sdelay $0x2  }
0xb9: {  	s31 =	sshll.u32 s1, $0xD;
	s1 =	sshrl.u32 s1, $0x2  }
0xba: {  	s3 =	sand.u32 $0x4000, s31;
	s1 =	sadd.s32 s1, s30  }
0xbb: {  	s0 =	sor.u32 s3, s0;
	s1 =	sshll.u32 s1, $0x11  }
0xbc: {  	s0 =	sor.u32 s1, s0  }
0xbd: {  	s0 =	sadd.s32 $0x8F2B, s0  }
0xbe: {  	[sflag:s0] =	ssyncadd.remote.s32 $0x1  }
0xbf: {  	_ =	sfence.sel $0xFFFF  }
0xc0: {  	[dreg:$0x0] =	wrdreg $0xFFFFFFFF;
	(pc) =	sbr.abs _section_cstart, $3  }
0xc1: {  	[dreg:$0x1] =	wrdreg $0xFFFFFFFF  }
0xc2: {  	_ =	task.clear_ibuf [dreg:s7], $0x2FFFF;
	_ =	strace $0x9FFFFFFF  }
0xc3: {  	(tm) =	ssettm $0x7FFFFFFF  }
tec
execute0_lowered:
.L_overlay_start_1:
0x0: {  	(tag) =	ssettag $0x1  }
0x1: {  	s1 =	rddreg [dreg:$0x0]  }
0x2: {  	s0 =	rddreg [dreg:$0x1]  }
0x3: {  	s3 =	rddreg [dreg:$0x2];
	s2 =	srdreg.scid  }
0x4: {  	s13 =	stileid.u32;
	s4 =	simm.s32 $0x0;
	s31 =	simm.s32 $0x200  }
0x5: {  	s2 =	sand.u32 $0x1, s2;
	s7 =	smul.u32 $0x280, s13;
	[smem:$0x7FF] =	sst s4  }
0x6: {  	s5 =	sadd.s32 $0xC400, s0;
	s6 =	sadd.s32 $0x2200, s0;
	s25 =	smul.u32 $0x50000, s13  }
0x7: {  	s9 =	sadd.s32 $0x16600, s0;
	s26 =	sshll.u32 s13, $0x1;
	s13 =	smul.u32 $0x50A0, s13  }
0x8: {  	s8 =	smul.u32 $0x2800, s2;
	_ =	strace $0x80000047;
	[dreg:$0x4] =	wrdreg s9  }
0x9: {  	s10 =	ssub.s32 $0x2, s2;
	s9 =	sor.u32 s2, s26;
	s2 =	smul.u32 $0x2850, s2  }
0xa: {  	s11 =	sshrl.u32 s10, $0x1;
	s12 =	smul.u32 $0x2850, s9;
	s7 =	sadd.s32 s7, s8  }
0xb: {  	s8 =	sshrl.u32 s25, $0x2;
	s10 =	ssub.s32 s10, s11;
	s2 =	sadd.s32 s2, s13  }
0xc: {  	s13 =	simm.s32 $0x180;
	s7 =	sshll.u32 s7, $0x4;
	s8 =	sadd.s32 s8, s3  }
0xd: {  	s12 =	sshrl.u32 s12, $0x3;
	s24 =	sadd.s32 $0x50, s2;
	s2 =	sadd.s32 $0xA0, s2  }
0xe: {  	s0 =	sadd.s32 s7, s0;
	s11 =	sadd.s32 s5, s12;
	[dreg:$0x10] =	wrdreg s2  }
0xf: {  	s18 =	sadd.s32 $0x2800, s8;
	s14 =	sadd.s32 s6, s12;
	[dreg:$0x5] =	wrdreg s11  }
0x10: {  	s19 =	sadd.s32 $0x5000, s8;
	s7 =	smax.u32 s10, $0x1;
	[dreg:$0x6] =	wrdreg s14  }
0x11: {  	s20 =	sadd.s32 $0x7800, s8;
	s15 =	sadd.s32 $0x16C00, s0;
	[dreg:$0xf] =	wrdreg s7  }
0x12: {  	s26 =	sshrl.u32 s24, $0x3;
	s16 =	sadd.s32 $0x17100, s0;
	[dreg:$0x7] =	wrdreg s15  }
0x13: {  	s28 =	sadd.s32 $0xC800, s8;
	s17 =	sadd.s32 $0x17600, s0;
	[dreg:$0x8] =	wrdreg s16  }
0x14: {  	s29 =	sadd.s32 $0xF000, s8;
	s21 =	sadd.s32 $0x17B00, s0;
	[dreg:$0x9] =	wrdreg s17  }
0x15: {  	s30 =	sadd.s32 $0x11800, s8;
	s22 =	sadd.s32 $0x18000, s0;
	[dreg:$0xa] =	wrdreg s21  }
0x16: {  	s2 =	simm.s32 $0x80;
	s23 =	sadd.s32 $0x18500, s0;
	[dreg:$0xb] =	wrdreg s22  }
0x17: {  	s12 =	simm.s32 $0x100;
	s25 =	sadd.s32 $0x18A00, s0;
	[dreg:$0xc] =	wrdreg s23  }
0x18: {  	s0 =	sadd.s32 $0x18F00, s0;
	s24 =	sadd.s32 s26, s6;
	[dreg:$0xd] =	wrdreg s25  }
0x19: {  	s7 =	simm.s32 $0x50;
	s14 =	simm.s32 $0x2A00;
	[dreg:$0xe] =	wrdreg s0  }
0x1a: {  	s25 =	sadd.s32 s26, s5;
	s26 =	sadd.s32 $0xA000, s8;
	s0 =	simm.s32 $0x3  }
0x1b: {  	s15 =	simm.s32 $0x1;
	s16 =	simm.s32 $0x2;
	s17 =	simm.s32 $0x0  }
.LBB2_1:
0x1c: {  	s9 =	rddreg [dreg:$0x4]  }
0x1d: {  	[tilespmem:s31], [sflag:$0x3] =	stream.linear.gather [hbm4b:s9+s4], $0x2800, $0x38;
	[tilespmem:$0x19200] =	vst v63  }
0x1e: {  	_ =	swait.ge [sflag:s0], $0x2800  }
0x1f: {  	[sflag:s0] =	ssyncset.done $0x0  }
0x20: {  	[sflag:s0] =	ssyncadd.s32 $0xFFFFD800  }
0x21: {  	[spmem:s8] =	stream.linear.scatter [tilespmem:s31], [sflag:$0x3], $0x2800, $0x38;
	[tilespmem:$0x19200] =	vst v63  }
0x22: {  	_ =	swait.ge [sflag:s0], $0x2800  }
0x23: {  	[sflag:s0] =	ssyncset.done $0x0  }
0x24: {  	[sflag:s0] =	ssyncadd.s32 $0xFFFFD800  }
0x25: {  	[spmem:s18] =	stream.linear.scatter [tilespmem:s31], [sflag:$0x3], $0x2800, $0x38;
	[tilespmem:$0x19200] =	vst v63  }
0x26: {  	_ =	swait.ge [sflag:s0], $0x2800  }
0x27: {  	[sflag:s0] =	ssyncset.done $0x0  }
0x28: {  	[sflag:s0] =	ssyncadd.s32 $0xFFFFD800  }
0x29: {  	[spmem:s19] =	stream.linear.scatter [tilespmem:s31], [sflag:$0x3], $0x2800, $0x38;
	[tilespmem:$0x19200] =	vst v63  }
0x2a: {  	_ =	swait.ge [sflag:s0], $0x2800  }
0x2b: {  	[sflag:s0] =	ssyncset.done $0x0  }
0x2c: {  	[sflag:s0] =	ssyncadd.s32 $0xFFFFD800  }
0x2d: {  	[spmem:s20] =	stream.linear.scatter [tilespmem:s31], [sflag:$0x3], $0x2800, $0x38;
	[tilespmem:$0x19200] =	vst v63  }
0x2e: {  	_ =	swait.ge [sflag:s0], $0x2800  }
0x2f: {  	[sflag:s0] =	ssyncset.done $0x0  }
0x30: {  	[sflag:s0] =	ssyncadd.s32 $0xFFFFD800  }
0x31: {  	[spmem:s26] =	stream.linear.scatter [tilespmem:s31], [sflag:$0x3], $0x2800, $0x38;
	[tilespmem:$0x19200] =	vst v63  }
0x32: {  	_ =	swait.ge [sflag:s0], $0x2800  }
0x33: {  	[sflag:s0] =	ssyncset.done $0x0  }
0x34: {  	[sflag:s0] =	ssyncadd.s32 $0xFFFFD800  }
0x35: {  	[spmem:s28] =	stream.linear.scatter [tilespmem:s31], [sflag:$0x3], $0x2800, $0x38;
	[tilespmem:$0x19200] =	vst v63  }
0x36: {  	_ =	swait.ge [sflag:s0], $0x2800  }
0x37: {  	[sflag:s0] =	ssyncset.done $0x0  }
0x38: {  	[sflag:s0] =	ssyncadd.s32 $0xFFFFD800  }
0x39: {  	[spmem:s29] =	stream.linear.scatter [tilespmem:s31], [sflag:$0x3], $0x2800, $0x38;
	[tilespmem:$0x19200] =	vst v63  }
0x3a: {  	_ =	swait.ge [sflag:s0], $0x2800  }
0x3b: {  	[sflag:s0] =	ssyncset.done $0x0  }
0x3c: {  	[sflag:s0] =	ssyncadd.s32 $0xFFFFD800  }
0x3d: {  	[spmem:s30] =	stream.linear.scatter [tilespmem:s31], [sflag:$0x3], $0x2800, $0x38;
	[tilespmem:$0x19200] =	vst v63  }
0x3e: {  	_ =	swait.ge [sflag:s0], $0x2800  }
0x3f: {  	[sflag:s0] =	ssyncset.done $0x0  }
0x40: {  	[sflag:s0] =	ssyncadd.s32 $0xFFFFD800  }
0x41: {  	[bflag:$0x0] =	sbarrier.arrive $0xFFFF  }
0x42: {  	s22 =	rddreg [dreg:$0x5]  }
0x43: {  	[tilespmem:s4], [sflag:$0x3] =	stream.linear.gather [hbm4b:s22+s4], $0x50, $0x38;
	[tilespmem:$0x19200] =	vst v63  }
0x44: {  	_ =	swait.ge [sflag:s0], $0x50  }
0x45: {  	[sflag:s0] =	ssyncset.done $0x0  }
0x46: {  	s10 =	smov.u32 s18;
	s18 =	rddreg [dreg:$0x6];
	[sflag:s0] =	ssyncadd.s32 $0xFFFFFFB0  }
0x47: {  	[tilespmem:s2], [sflag:$0x3] =	stream.linear.gather [hbm4b:s18+s4], $0x50, $0x38;
	[tilespmem:$0x19200] =	vst v63  }
0x48: {  	_ =	swait.ge [sflag:s0], $0x50  }
0x49: {  	[sflag:s0] =	ssyncset.done $0x0  }
0x4a: {  	[sflag:s0] =	ssyncadd.s32 $0xFFFFFFB0  }
0x4b: {  	[tilespmem:s31], [sflag:$0x1] =	stream.indirect.gather [hbm4b:s1+s7], $0x80, s4, s7, $0xb8;
	[tilespmem:$0x19200] =	vst v63  }
0x4c: {  	s11 =	smov.u32 s19;
	s19 =	sadd.s32 $0x0, s25  }
0x4d: {  	[tilespmem:s12], [sflag:$0x3] =	stream.linear.gather [hbm4b:s19+s4], $0x50, $0x38;
	[tilespmem:$0x19200] =	vst v63  }
0x4e: {  	_ =	swait.ge [sflag:s0], $0x50  }
0x4f: {  	[sflag:s0] =	ssyncset.done $0x0  }
0x50: {  	s23 =	smov.u32 s20;
	s20 =	sadd.s32 $0x0, s24;
	[sflag:s0] =	ssyncadd.s32 $0xFFFFFFB0  }
0x51: {  	[tilespmem:s13], [sflag:$0x3] =	stream.linear.gather [hbm4b:s20+s4], $0x50, $0x38;
	[tilespmem:$0x19200] =	vst v63  }
0x52: {  	_ =	swait.ge [sflag:s0], $0x50  }
0x53: {  	[sflag:s0] =	ssyncset.done $0x0  }
0x54: {  	[sflag:s0] =	ssyncadd.s32 $0xFFFFFFB0  }
0x55: {  	[tilespmem:s14], [sflag:$0x2] =	stream.indirect.gather [hbm4b:s1+s7], $0x80, s12, s7, $0xb8;
	[tilespmem:$0x19200] =	vst v63  }
0x56: {  	_ =	swait.ge [sflag:s15], $0x2800  }
0x57: {  	[sflag:s15] =	ssyncset.done $0x0  }
0x58: {  	[sflag:s15] =	ssyncadd.s32 $0xFFFFD800  }
0x59: {  	[spmem:s3] =	stream.indirect.scatter.add.f32 [tilespmem:s31], [sflag:$0x3], $0x80, s2, s7, $0xb8;
	[tilespmem:$0x19200] =	vst v63  }
0x5a: {  	_ =	swait.ge [sflag:s0], $0x2800  }
0x5b: {  	s9 =	rddreg [dreg:$0x10]  }
0x5c: {  	[sflag:s0] =	ssyncset.done $0x0;
	s21 =	sshrl.u32 s9, $0x3  }
0x5d: {  	[sflag:s0] =	ssyncadd.s32 $0xFFFFD800;
	s22 =	sadd.s32 s5, s21  }
0x5e: {  	[tilespmem:s4], [sflag:$0x3] =	stream.linear.gather [hbm4b:s22+s4], $0x50, $0x38;
	[tilespmem:$0x19200] =	vst v63  }
0x5f: {  	_ =	swait.ge [sflag:s0], $0x50  }
0x60: {  	[sflag:s0] =	ssyncset.done $0x0  }
0x61: {  	s18 =	sadd.s32 s6, s21;
	[sflag:s0] =	ssyncadd.s32 $0xFFFFFFB0  }
0x62: {  	[tilespmem:s2], [sflag:$0x3] =	stream.linear.gather [hbm4b:s18+s4], $0x50, $0x38;
	[tilespmem:$0x19200] =	vst v63  }
0x63: {  	_ =	swait.ge [sflag:s0], $0x50  }
0x64: {  	[sflag:s0] =	ssyncset.done $0x0  }
0x65: {  	[sflag:s0] =	ssyncadd.s32 $0xFFFFFFB0  }
0x66: {  	[tilespmem:s31], [sflag:$0x1] =	stream.indirect.gather [hbm4b:s1+s7], $0x80, s4, s7, $0xb8;
	[tilespmem:$0x19200] =	vst v63  }
0x67: {  	_ =	swait.ge [sflag:s16], $0x2800  }
0x68: {  	[sflag:s16] =	ssyncset.done $0x0  }
0x69: {  	[sflag:s16] =	ssyncadd.s32 $0xFFFFD800  }
0x6a: {  	[spmem:s3] =	stream.indirect.scatter.add.f32 [tilespmem:s14], [sflag:$0x3], $0x80, s13, s7, $0xb8;
	[tilespmem:$0x19200] =	vst v63  }
0x6b: {  	s19 =	simm.s32 $0x14;
	_ =	swait.ge [sflag:s0], $0x2800  }
0x6c: {  	s20 =	simm.s32 $0x28;
	s18 =	sadd.s32 $0xA0, s9;
	[sflag:s0] =	ssyncset.done $0x0  }
.LBB2_2:
0x6d: {  	s22 =	sadd.s32 s19, s25  }
0x6e: {  	[sflag:s0] =	ssyncadd.s32 $0xFFFFD800;
	s9 =	smov.u32 s20;
	s21 =	sadd.s32 $0x14, s20  }
0x6f: {  	[tilespmem:s12], [sflag:$0x3] =	stream.linear.gather [hbm4b:s22+s4], $0x50, $0x38;
	[tilespmem:$0x19200] =	vst v63  }
0x70: {  	p0 =	sne.s32 s20, $0x4EC;
	_ =	swait.ge [sflag:s0], $0x50  }
0x71: {  	[sflag:s0] =	ssyncset.done $0x0  }
0x72: {  	s20 =	sadd.s32 s19, s24;
	s19 =	smov.u32 s9;
	[sflag:s0] =	ssyncadd.s32 $0xFFFFFFB0  }
0x73: {  	[tilespmem:s13], [sflag:$0x3] =	stream.linear.gather [hbm4b:s20+s4], $0x50, $0x38;
	[tilespmem:$0x19200] =	vst v63  }
0x74: {  	_ =	swait.ge [sflag:s0], $0x50  }
0x75: {  	[sflag:s0] =	ssyncset.done $0x0  }
0x76: {  	[sflag:s0] =	ssyncadd.s32 $0xFFFFFFB0  }
0x77: {  	[tilespmem:s14], [sflag:$0x2] =	stream.indirect.gather [hbm4b:s1+s7], $0x80, s12, s7, $0xb8;
	[tilespmem:$0x19200] =	vst v63  }
0x78: {  	_ =	swait.ge [sflag:s15], $0x2800  }
0x79: {  	[sflag:s15] =	ssyncset.done $0x0  }
0x7a: {  	[sflag:s15] =	ssyncadd.s32 $0xFFFFD800  }
0x7b: {  	[spmem:s3] =	stream.indirect.scatter.add.f32 [tilespmem:s31], [sflag:$0x3], $0x80, s2, s7, $0xb8;
	[tilespmem:$0x19200] =	vst v63  }
0x7c: {  	_ =	swait.ge [sflag:s0], $0x2800  }
0x7d: {  	s9 =	sshrl.u32 s18, $0x3;
	[sflag:s0] =	ssyncset.done $0x0  }
0x7e: {  	s20 =	sadd.s32 s5, s9;
	[sflag:s0] =	ssyncadd.s32 $0xFFFFD800  }
0x7f: {  	[tilespmem:s4], [sflag:$0x3] =	stream.linear.gather [hbm4b:s20+s4], $0x50, $0x38;
	[tilespmem:$0x19200] =	vst v63  }
0x80: {  	_ =	swait.ge [sflag:s0], $0x50  }
0x81: {  	[sflag:s0] =	ssyncset.done $0x0  }
0x82: {  	s9 =	sadd.s32 s6, s9;
	[sflag:s0] =	ssyncadd.s32 $0xFFFFFFB0  }
0x83: {  	[tilespmem:s2], [sflag:$0x3] =	stream.linear.gather [hbm4b:s9+s4], $0x50, $0x38;
	[tilespmem:$0x19200] =	vst v63  }
0x84: {  	_ =	swait.ge [sflag:s0], $0x50  }
0x85: {  	[sflag:s0] =	ssyncset.done $0x0  }
0x86: {  	[sflag:s0] =	ssyncadd.s32 $0xFFFFFFB0  }
0x87: {  	[tilespmem:s31], [sflag:$0x1] =	stream.indirect.gather [hbm4b:s1+s7], $0x80, s4, s7, $0xb8;
	[tilespmem:$0x19200] =	vst v63  }
0x88: {  	_ =	swait.ge [sflag:s16], $0x2800  }
.Ltmp0:
0x89: {  	[sflag:s16] =	ssyncset.done $0x0;
	(pc) =	sbr.rel @p0 .LBB2_2-.Ltmp0, $4  }
0x8a: {  	[sflag:s16] =	ssyncadd.s32 $0xFFFFD800  }
0x8b: {  	[spmem:s3] =	stream.indirect.scatter.add.f32 [tilespmem:s14], [sflag:$0x3], $0x80, s13, s7, $0xb8;
	[tilespmem:$0x19200] =	vst v63  }
0x8c: {  	_ =	swait.ge [sflag:s0], $0x2800  }
0x8d: {  	s18 =	sadd.s32 $0xA0, s18;
	s20 =	smov.u32 s21;
	[sflag:s0] =	ssyncset.done $0x0  }
0x8e: {  	s9 =	sadd.s32 s19, s25;
	[sflag:s0] =	ssyncadd.s32 $0xFFFFD800  }
0x8f: {  	[tilespmem:s12], [sflag:$0x3] =	stream.linear.gather [hbm4b:s9+s4], $0x50, $0x38;
	[tilespmem:$0x19200] =	vst v63  }
0x90: {  	_ =	swait.ge [sflag:s0], $0x50  }
0x91: {  	[sflag:s0] =	ssyncset.done $0x0  }
0x92: {  	s22 =	sadd.s32 s19, s24;
	[sflag:s0] =	ssyncadd.s32 $0xFFFFFFB0  }
0x93: {  	[tilespmem:s13], [sflag:$0x3] =	stream.linear.gather [hbm4b:s22+s4], $0x50, $0x38;
	[tilespmem:$0x19200] =	vst v63  }
0x94: {  	_ =	swait.ge [sflag:s0], $0x50  }
0x95: {  	[sflag:s0] =	ssyncset.done $0x0  }
0x96: {  	[sflag:s0] =	ssyncadd.s32 $0xFFFFFFB0  }
0x97: {  	[tilespmem:s14], [sflag:$0x2] =	stream.indirect.gather [hbm4b:s1+s7], $0x80, s12, s7, $0xb8;
	[tilespmem:$0x19200] =	vst v63  }
0x98: {  	_ =	swait.ge [sflag:s15], $0x2800  }
0x99: {  	[sflag:s15] =	ssyncset.done $0x0  }
0x9a: {  	[sflag:s15] =	ssyncadd.s32 $0xFFFFD800  }
0x9b: {  	[spmem:s3] =	stream.indirect.scatter.add.f32 [tilespmem:s31], [sflag:$0x3], $0x80, s2, s7, $0xb8;
	[tilespmem:$0x19200] =	vst v63  }
0x9c: {  	_ =	swait.ge [sflag:s0], $0x2800  }
0x9d: {  	s19 =	sshrl.u32 s18, $0x3;
	[sflag:s0] =	ssyncset.done $0x0  }
0x9e: {  	s18 =	sadd.s32 s5, s19;
	[sflag:s0] =	ssyncadd.s32 $0xFFFFD800  }
0x9f: {  	[tilespmem:s4], [sflag:$0x3] =	stream.linear.gather [hbm4b:s18+s4], $0x50, $0x38;
	[tilespmem:$0x19200] =	vst v63  }
0xa0: {  	_ =	swait.ge [sflag:s0], $0x50  }
0xa1: {  	[sflag:s0] =	ssyncset.done $0x0  }
0xa2: {  	s9 =	sadd.s32 s6, s19;
	[sflag:s0] =	ssyncadd.s32 $0xFFFFFFB0  }
0xa3: {  	[tilespmem:s2], [sflag:$0x3] =	stream.linear.gather [hbm4b:s9+s4], $0x50, $0x38;
	[tilespmem:$0x19200] =	vst v63  }
0xa4: {  	_ =	swait.ge [sflag:s0], $0x50  }
0xa5: {  	[sflag:s0] =	ssyncset.done $0x0  }
0xa6: {  	[sflag:s0] =	ssyncadd.s32 $0xFFFFFFB0  }
0xa7: {  	[tilespmem:s31], [sflag:$0x1] =	stream.indirect.gather [hbm4b:s1+s7], $0x80, s4, s7, $0xb8;
	[tilespmem:$0x19200] =	vst v63  }
0xa8: {  	_ =	swait.ge [sflag:s16], $0x2800  }
0xa9: {  	[sflag:s16] =	ssyncset.done $0x0  }
0xaa: {  	[sflag:s16] =	ssyncadd.s32 $0xFFFFD800  }
0xab: {  	[spmem:s3] =	stream.indirect.scatter.add.f32 [tilespmem:s14], [sflag:$0x3], $0x80, s13, s7, $0xb8;
	[tilespmem:$0x19200] =	vst v63  }
0xac: {  	_ =	swait.ge [sflag:s0], $0x2800  }
0xad: {  	[sflag:s0] =	ssyncset.done $0x0  }
0xae: {  	[sflag:s0] =	ssyncadd.s32 $0xFFFFD800  }
0xaf: {  	_ =	swait.ge [sflag:s15], $0x2800  }
0xb0: {  	[sflag:s15] =	ssyncset.done $0x0  }
0xb1: {  	[sflag:s15] =	ssyncadd.s32 $0xFFFFD800  }
0xb2: {  	[bflag:$0x0] =	sbarrier.arrive $0xFFFF  }
0xb3: {  	[tilespmem:s31], [sflag:$0x3] =	stream.linear.gather [spmem:s8], $0x2800, $0x38;
	[tilespmem:$0x19200] =	vst v63  }
0xb4: {  	_ =	swait.ge [sflag:s0], $0x2800  }
0xb5: {  	[sflag:s0] =	ssyncset.done $0x0  }
0xb6: {  	s20 =	rddreg [dreg:$0x7];
	[sflag:s0] =	ssyncadd.s32 $0xFFFFD800  }
0xb7: {  	[hbm4b:s20+s4] =	stream.linear.scatter [tilespmem:s31], [sflag:$0x3], $0x2800, $0x38;
	[tilespmem:$0x19200] =	vst v63  }
0xb8: {  	_ =	swait.ge [sflag:s0], $0x2800  }
0xb9: {  	[sflag:s0] =	ssyncset.done $0x0  }
0xba: {  	[sflag:s0] =	ssyncadd.s32 $0xFFFFD800  }
0xbb: {  	[tilespmem:s31], [sflag:$0x3] =	stream.linear.gather [spmem:s10], $0x2800, $0x38;
	[tilespmem:$0x19200] =	vst v63  }
0xbc: {  	_ =	swait.ge [sflag:s0], $0x2800  }
0xbd: {  	[sflag:s0] =	ssyncset.done $0x0  }
0xbe: {  	s21 =	rddreg [dreg:$0x8];
	[sflag:s0] =	ssyncadd.s32 $0xFFFFD800  }
0xbf: {  	[hbm4b:s21+s4] =	stream.linear.scatter [tilespmem:s31], [sflag:$0x3], $0x2800, $0x38;
	[tilespmem:$0x19200] =	vst v63  }
0xc0: {  	_ =	swait.ge [sflag:s0], $0x2800  }
0xc1: {  	[sflag:s0] =	ssyncset.done $0x0  }
0xc2: {  	[sflag:s0] =	ssyncadd.s32 $0xFFFFD800  }
0xc3: {  	[tilespmem:s31], [sflag:$0x3] =	stream.linear.gather [spmem:s11], $0x2800, $0x38;
	[tilespmem:$0x19200] =	vst v63  }
0xc4: {  	_ =	swait.ge [sflag:s0], $0x2800  }
0xc5: {  	[sflag:s0] =	ssyncset.done $0x0  }
0xc6: {  	s22 =	rddreg [dreg:$0x9];
	[sflag:s0] =	ssyncadd.s32 $0xFFFFD800  }
0xc7: {  	[hbm4b:s22+s4] =	stream.linear.scatter [tilespmem:s31], [sflag:$0x3], $0x2800, $0x38;
	[tilespmem:$0x19200] =	vst v63  }
0xc8: {  	_ =	swait.ge [sflag:s0], $0x2800  }
0xc9: {  	[sflag:s0] =	ssyncset.done $0x0  }
0xca: {  	[sflag:s0] =	ssyncadd.s32 $0xFFFFD800  }
0xcb: {  	[tilespmem:s31], [sflag:$0x3] =	stream.linear.gather [spmem:s23], $0x2800, $0x38;
	[tilespmem:$0x19200] =	vst v63  }
0xcc: {  	_ =	swait.ge [sflag:s0], $0x2800  }
0xcd: {  	[sflag:s0] =	ssyncset.done $0x0  }
0xce: {  	s20 =	smov.u32 s23;
	s23 =	rddreg [dreg:$0xa];
	[sflag:s0] =	ssyncadd.s32 $0xFFFFD800  }
0xcf: {  	[hbm4b:s23+s4] =	stream.linear.scatter [tilespmem:s31], [sflag:$0x3], $0x2800, $0x38;
	[tilespmem:$0x19200] =	vst v63  }
0xd0: {  	_ =	swait.ge [sflag:s0], $0x2800  }
0xd1: {  	[sflag:s0] =	ssyncset.done $0x0  }
0xd2: {  	[sflag:s0] =	ssyncadd.s32 $0xFFFFD800  }
0xd3: {  	[tilespmem:s31], [sflag:$0x3] =	stream.linear.gather [spmem:s26], $0x2800, $0x38;
	[tilespmem:$0x19200] =	vst v63  }
0xd4: {  	_ =	swait.ge [sflag:s0], $0x2800  }
0xd5: {  	[sflag:s0] =	ssyncset.done $0x0  }
0xd6: {  	s18 =	smov.u32 s10;
	s10 =	rddreg [dreg:$0xb];
	[sflag:s0] =	ssyncadd.s32 $0xFFFFD800  }
0xd7: {  	[hbm4b:s10+s4] =	stream.linear.scatter [tilespmem:s31], [sflag:$0x3], $0x2800, $0x38;
	[tilespmem:$0x19200] =	vst v63  }
0xd8: {  	_ =	swait.ge [sflag:s0], $0x2800  }
0xd9: {  	[sflag:s0] =	ssyncset.done $0x0  }
0xda: {  	[sflag:s0] =	ssyncadd.s32 $0xFFFFD800  }
0xdb: {  	[tilespmem:s31], [sflag:$0x3] =	stream.linear.gather [spmem:s28], $0x2800, $0x38;
	[tilespmem:$0x19200] =	vst v63  }
0xdc: {  	_ =	swait.ge [sflag:s0], $0x2800  }
0xdd: {  	[sflag:s0] =	ssyncset.done $0x0  }
0xde: {  	s19 =	smov.u32 s11;
	s11 =	rddreg [dreg:$0xc];
	[sflag:s0] =	ssyncadd.s32 $0xFFFFD800  }
0xdf: {  	[hbm4b:s11+s4] =	stream.linear.scatter [tilespmem:s31], [sflag:$0x3], $0x2800, $0x38;
	[tilespmem:$0x19200] =	vst v63  }
0xe0: {  	_ =	swait.ge [sflag:s0], $0x2800  }
0xe1: {  	[sflag:s0] =	ssyncset.done $0x0  }
0xe2: {  	[sflag:s0] =	ssyncadd.s32 $0xFFFFD800  }
0xe3: {  	[tilespmem:s31], [sflag:$0x3] =	stream.linear.gather [spmem:s29], $0x2800, $0x38;
	[tilespmem:$0x19200] =	vst v63  }
0xe4: {  	_ =	swait.ge [sflag:s0], $0x2800  }
0xe5: {  	[sflag:s0] =	ssyncset.done $0x0  }
0xe6: {  	s21 =	rddreg [dreg:$0xd];
	[sflag:s0] =	ssyncadd.s32 $0xFFFFD800  }
0xe7: {  	[hbm4b:s21+s4] =	stream.linear.scatter [tilespmem:s31], [sflag:$0x3], $0x2800, $0x38;
	[tilespmem:$0x19200] =	vst v63  }
0xe8: {  	_ =	swait.ge [sflag:s0], $0x2800  }
0xe9: {  	[sflag:s0] =	ssyncset.done $0x0  }
0xea: {  	[sflag:s0] =	ssyncadd.s32 $0xFFFFD800  }
0xeb: {  	[tilespmem:s31], [sflag:$0x3] =	stream.linear.gather [spmem:s30], $0x2800, $0x38;
	[tilespmem:$0x19200] =	vst v63  }
0xec: {  	_ =	swait.ge [sflag:s0], $0x2800  }
0xed: {  	[sflag:s0] =	ssyncset.done $0x0  }
0xee: {  	s22 =	rddreg [dreg:$0xe];
	[sflag:s0] =	ssyncadd.s32 $0xFFFFD800  }
0xef: {  	[hbm4b:s22+s4] =	stream.linear.scatter [tilespmem:s31], [sflag:$0x3], $0x2800, $0x38;
	[tilespmem:$0x19200] =	vst v63  }
0xf0: {  	_ =	swait.ge [sflag:s0], $0x2800  }
0xf1: {  	s17 =	sadd.s32 $0x1, s17;
	s23 =	rddreg [dreg:$0xf]  }
0xf2: {  	p0 =	sne.s32 s17, s23  }
.Ltmp1:
0xf3: {  	_ = 	snop;
	(pc) =	sbr.rel @p0 .LBB2_1-.Ltmp1, $3  }
0xf4: {  	_ =	sdelay $0x1  }
0xf5: {  	[sflag:s0] =	ssyncset.done $0x0  }
0xf6: {  	[sflag:s0] =	ssyncadd.s32 $0xFFFFD800  }
0xf7: {  	_ =	sfence.sel $0x180000  }
0xf8: {  	[bflag:$0x0] =	sbarrier.arrive $0xFFFF  }
0xf9: {  	_ =	strace $0x90000047  }
0xfa: {  	s0 =	stileid.u32;
	[bflag:$0x2] =	sbarrier.arrive $0xFFFF  }
0xfb: {  	p0 =	sne.s32 s0, $0x0;
	s0 =	rddreg [dreg:$0x3]  }
0xfc: {  	s0 =	sadd.s32 @!p0 $0x100000, s0  }
0xfd: {  	[sflag:s0] =	ssyncadd.tile.s32 @!p0 $0x1;
	_ =	shalt  }
.Lfunc_end2:
_tile_overlayer_lowered:
.L_overlay_start_2:
0xfe: {  	(tag) =	ssettag $0x2  }
0xff: {  	s0 =	rddreg [dreg:$0x0];
	s2 =	stileid.u32  }
0x100: {  	s1 =	rddreg [dreg:$0x1];
	p0 =	sne.s32 s2, $0x0  }
0x101: {  	s3 =	rddreg [dreg:$0x2];
	[bflag:$0x3] =	sbarrier.arrive $0xFFFF;
	s2 =	simm.s32 @!p0 $0x1C03  }
0x102: {  	[timem:s3], [sflag:s2] =	dma.local @!p0 [hbm:s0], s1  }
0x103: {  	s0 =	simm.s32 @!p0 $0x3  }
0x104: {  	_ =	swait.ge @!p0 [sflag:s0], s1  }
0x105: {  	s1 =	ssub.s32 @!p0 $0x0, s1;
	[sflag:s0] =	ssyncset.done @!p0 $0x0  }
0x106: {  	[sflag:s0] =	ssyncadd.s32 @!p0 s1  }
0x107: {  	[bflag:$0x3] =	sbarrier.arrive $0xFFFF  }
0x108: {  	_ =	shalt  }

// kernel: kernel.14.cloned.1.call-start
scs
__scs_entry_jumppad:
0x0: {  	(pc) =	sbr.rel $0x88, $3  }
0x1: {  	(tag) =	ssettag $0x0;
	lr =	simm.s32 $0x1  }
0x2: {  	[smem:$0x3F99] =	sst lr;
	_ =	strace $0xD0000000  }
0x3: {  	_ = 	snop  }
0x4: {  	_ = 	snop  }
0x5: {  	_ = 	snop  }
0x6: {  	_ = 	snop  }
0x7: {  	_ = 	snop  }
__scs_overlays_trampoline_lowered:
0x8: {  	[smem:$0x3FA8] =	sst s0  }
0x9: {  	[smem:$0x3FA9] =	sst s1  }
0xa: {  	[smem:$0x3FAA] =	sst s2  }
0xb: {  	[smem:$0x3FAB] =	sst s3  }
0xc: {  	[smem:$0x3FAC] =	sst s4  }
0xd: {  	[smem:$0x3FAD] =	sst s5  }
0xe: {  	[smem:$0x3FAE] =	sst s6  }
0xf: {  	[smem:$0x3FAF] =	sst s7  }
0x10: {  	[smem:$0x3FB0] =	sst s8  }
0x11: {  	[smem:$0x3FB1] =	sst s9;
	s0 =	simm.s32 @!p0 $0x0  }
0x12: {  	s1 =	sld [smem:$0x3F97];
	s0 =	simm.s32 @p0 $0x1  }
0x13: {  	[smem:$0x3FB2] =	sst s0;
	s0 =	simm.s32 @!p1 $0x0  }
0x14: {  	s2 =	sld [smem:$0x3F96];
	s0 =	simm.s32 @p1 $0x1  }
0x15: {  	[smem:$0x3FB3] =	sst s0;
	s0 =	simm.s32 @!p2 $0x0  }
0x16: {  	s3 =	sld [smem:$0x3FDB];
	s0 =	simm.s32 @p2 $0x1  }
0x17: {  	s4 =	simm.s32 $0x1BF5;
	[smem:$0x3FB5] =	sst s0  }
0x18: {  	s0 =	sld [smem:$0x3F98];
	_ =	swait.ge [sflag:s4], $0x0  }
0x19: {  	s7 =	sld [smem:$0x3F99]  }
0x1a: {  	s8 =	sadd.s32 $0xFFFFE003, lr  }
0x1b: {  	s9 =	sadd.s32 $0xFFFFFEF7, lr;
	s5 =	simm.s32 $0xFFFFFFFF;
	p2 =	slt.u32 s8, $0xFFFFF086  }
0x1c: {  	p1 =	slt.u32 s9, $0xF7A;
	s5 =	simm.s32 @!p2 $0x0  }
0x1d: {  	s5 =	simm.s32 @p1 $0x1;
	p0 =	seq.s32 s7, s2  }
0x1e: {  	s7 =	smul.u32 @!p0 $0xF7A, s2;
	p2 =	seq.s32 @!p0 s5, $0x0  }
0x1f: {  	s9 =	smul.u32 $0xF7A, s1;
	s8 =	simm.s32 @!p0 $0x1BF5;
	p2 =	por !p2, p0  }
0x20: {  	[sflag:s8] =	ssyncset.s32 @!p0 $0xFFFFF086;
	s6 =	sadd.s32 @!p0 s3, s7;
	s7 =	simm.s32 @!p0 $0x108  }
0x21: {  	s3 =	sadd.s32 s3, s9;
	s6 =	sadd.s32 @!p0 $0x88, s6;
	s7 =	simm.s32 @p2 $0x1082  }
0x22: {  	[simem:s7], [sflag:s8] =	dma.local @!p0 [hbm:s6], $0xF7A  }
0x23: {  	s9 =	sor.u32 $0xD0000000, s2;
	s6 =	simm.s32 $0x108;
	_ =	swait.ge @!p0 [sflag:s8], $0x0  }
0x24: {  	s3 =	sadd.s32 $0x88, s3;
	s6 =	simm.s32 @!p1 $0x1082;
	[sflag:s4] =	ssyncset.s32 $0xFFFFF086  }
0x25: {  	[simem:s6], [sflag:s4] =	dma.local [hbm:s3], $0xF7A  }
0x26: {  	[smem:$0x3F99] =	sst s1;
	(tag) =	ssettag s2;
	_ =	strace s9  }
0x27: {  	s1 =	sld [smem:$0x3FA9]  }
0x28: {  	s2 =	sld [smem:$0x3FAA]  }
0x29: {  	s4 =	sld [smem:$0x3FAC]  }
0x2a: {  	p0 =	seq.s32 s5, $0x0;
	s5 =	sld [smem:$0x3FAD]  }
0x2b: {  	s6 =	sld [smem:$0x3FAE]  }
0x2c: {  	s7 =	sld [smem:$0x3FAF]  }
0x2d: {  	s3 =	simm.s32 $0x108;
	s8 =	sld [smem:$0x3FB0]  }
0x2e: {  	s3 =	simm.s32 @!p0 $0x1082;
	s9 =	sld [smem:$0x3FB1]  }
0x2f: {  	lr =	sadd.s32 s0, s3;
	s0 =	sld [smem:$0x3FA8]  }
0x30: {  	s3 =	sld [smem:$0x3FAB]  }
0x31: {  	[smem:$0x3FB4] =	sst s10  }
0x32: {  	s10 =	sld [smem:$0x3FB2];
	_ =	sdelay $0x3  }
0x33: {  	p0 =	seq.s32 s10, $0x1;
	s10 =	sld [smem:$0x3FB4];
	_ =	sdelay $0x3  }
0x34: {  	[smem:$0x3FB4] =	sst s10  }
0x35: {  	s10 =	sld [smem:$0x3FB3];
	_ =	sdelay $0x3  }
0x36: {  	p1 =	seq.s32 s10, $0x1;
	s10 =	sld [smem:$0x3FB4];
	_ =	sdelay $0x3  }
0x37: {  	[smem:$0x3FB4] =	sst s10  }
0x38: {  	s10 =	sld [smem:$0x3FB5]  }
0x39: {  	_ = 	snop;
	(pc) =	sbr.ind lr, $3  }
0x3a: {  	_ = 	snop  }
0x3b: {  	_ = 	snop  }
0x3c: {  	p2 =	seq.s32 s10, $0x1;
	s10 =	sld [smem:$0x3FB4]  }
0x3d: {  	_ =	shalt  }
0x3e: {  	_ =	shalt  }
0x3f: {  	_ =	shalt  }
0x40: {  	_ =	shalt  }
0x41: {  	_ =	shalt  }
0x42: {  	_ =	shalt  }
0x43: {  	_ =	shalt  }
0x44: {  	_ =	shalt  }
0x45: {  	_ =	shalt  }
0x46: {  	_ =	shalt  }
0x47: {  	_ =	shalt  }
0x48: {  	_ =	shalt  }
0x49: {  	_ =	shalt  }
0x4a: {  	_ =	shalt  }
0x4b: {  	_ =	shalt  }
0x4c: {  	_ =	shalt  }
0x4d: {  	_ =	shalt  }
0x4e: {  	_ =	shalt  }
0x4f: {  	_ =	shalt  }
0x50: {  	_ =	shalt  }
0x51: {  	_ =	shalt  }
0x52: {  	_ =	shalt  }
0x53: {  	_ =	shalt  }
0x54: {  	_ =	shalt  }
0x55: {  	_ =	shalt  }
0x56: {  	_ =	shalt  }
0x57: {  	_ =	shalt  }
0x58: {  	_ =	shalt  }
0x59: {  	_ =	shalt  }
0x5a: {  	_ =	shalt  }
0x5b: {  	_ =	shalt  }
0x5c: {  	_ =	shalt  }
0x5d: {  	_ =	shalt  }
0x5e: {  	_ =	shalt  }
0x5f: {  	_ =	shalt  }
0x60: {  	_ =	shalt  }
0x61: {  	_ =	shalt  }
0x62: {  	_ =	shalt  }
0x63: {  	_ =	shalt  }
0x64: {  	_ =	shalt  }
0x65: {  	_ =	shalt  }
0x66: {  	_ =	shalt  }
0x67: {  	_ =	shalt  }
0x68: {  	_ =	shalt  }
0x69: {  	_ =	shalt  }
0x6a: {  	_ =	shalt  }
0x6b: {  	_ =	shalt  }
0x6c: {  	_ =	shalt  }
0x6d: {  	_ =	shalt  }
0x6e: {  	_ =	shalt  }
0x6f: {  	_ =	shalt  }
0x70: {  	_ =	shalt  }
0x71: {  	_ =	shalt  }
0x72: {  	_ =	shalt  }
0x73: {  	_ =	shalt  }
0x74: {  	_ =	shalt  }
0x75: {  	_ =	shalt  }
0x76: {  	_ =	shalt  }
0x77: {  	_ =	shalt  }
0x78: {  	_ =	shalt  }
0x79: {  	_ =	shalt  }
0x7a: {  	_ =	shalt  }
0x7b: {  	_ =	shalt  }
0x7c: {  	_ =	shalt  }
0x7d: {  	_ =	shalt  }
0x7e: {  	_ =	shalt  }
0x7f: {  	_ =	shalt  }
0x80: {  	_ =	shalt  }
0x81: {  	_ =	shalt  }
0x82: {  	_ =	shalt  }
0x83: {  	_ =	shalt  }
0x84: {  	_ =	shalt  }
0x85: {  	_ =	shalt  }
0x86: {  	_ =	shalt  }
0x87: {  	_ =	shalt  }
.Lfunc_end0:
.L_simem_size_0:
called_computation.2_lowered:
.L_overlay_start_0:
0x88: {  	s2 =	sld [smem:$0x3FD9]  }
0x89: {  	s3 =	sld [smem:$0x3FFE];
	_ =	sdelay $0x1  }
0x8a: {  	s1 =	srdreg.scid  }
0x8b: {  	s0 =	sand.u32 $0x1, s1  }
0x8c: {  	s17 =	sshll.u32 s0, $0xA;
	s2 =	sadd.s32 s3, s2  }
0x8d: {  	s2 =	sadd.s32 s2, s17  }
0x8e: {  	[smem:$0x3FC0] =	sst s2  }
0x8f: {  	_ = 	snop  }
0x90: {  	s2 =	sld [smem:$0x3FD0];
	(tm) =	ssettm $0x1  }
0x91: {  	s18 =	sld [smem:$0x3FFB];
	_ =	sdelay $0x3  }
0x92: {  	_ =	strace s18  }
0x93: {  	s3 =	sld [smem:$0x3FFC];
	_ =	sdelay $0x3  }
0x94: {  	_ =	strace s3  }
0x95: {  	s3 =	sld [smem:$0x3FFD];
	_ =	sdelay $0x3  }
0x96: {  	_ =	strace s3  }
0x97: {  	_ =	strace $0x8FFFFFFF  }
0x98: {  	s19 =	sld [smem:$0x3FDB];
	_ =	sdelay $0x1  }
0x99: {  	s4 =	simm.s32 $_scs_section_size  }
0x9a: {  	s5 =	simm.s32 $_size__tile_overlayer_lowered;
	s6 =	simm.s32 $_tile_overlayer_lowered  }
0x9b: {  	s22 =	simm.s32 $0x1BFF;
	s21 =	sshll.u32 s6, $0x1;
	s3 =	sadd.s32 s4, s19  }
0x9c: {  	s7 =	simm.s32 $0x0;
	s20 =	sshll.u32 s5, $0x1;
	s5 =	sadd.s32 s21, s3  }
0x9d: {  	[timem:s7], [sflag:s22] =	dma.local [hbm:s5], s20  }
0x9e: {  	_ =	swait.ge [sflag:s22], s20  }
0x9f: {  	s4 =	ssub.s32 $0x0, s20;
	[sflag:s22] =	ssyncset.done $0x0  }
0xa0: {  	[sflag:s22] =	ssyncadd.s32 s4;
	_ =	sdelay $0x1  }
0xa1: {  	s23 =	simm.s32 $0x1B8B  }
0xa2: {  	_ =	swait.ge [sflag:s23], $0x1  }
0xa3: {  	[sflag:s23] =	ssyncset.done $0x0  }
0xa4: {  	s25 =	simm.s32 $0x1B8E;
	s24 =	sld [smem:$0x3FFE];
	[sflag:s23] =	ssyncadd.s32 $0xFFFFFFFF  }
0xa5: {  	s26 =	simm.s32 $execute0_lowered;
	[smem:$0x3FD2] =	sst s25  }
0xa6: {  	s5 =	sshll.u32 s26, $0x1;
	_ =	strace $0x8000004C;
	[dreg:$0x1] =	wrdreg $0xFFFFFFFF  }
0xa7: {  	s28 =	simm.s32 $_size_execute0_lowered;
	s3 =	sadd.s32 s3, s5;
	[dreg:$0x0] =	wrdreg $0x0  }
0xa8: {  	s5 =	sshll.u32 s28, $0x1;
	[dreg:$0x2] =	wrdreg s3  }
0xa9: {  	[dreg:$0x3] =	wrdreg s5  }
0xaa: {  	[dreg:$0x4] =	wrdreg $0xC0  }
0xab: {  	_ =	task [dreg:s7], $0x5FFFF  }
0xac: {  	[dreg:$0x1] =	wrdreg $0xFFFFFFFF  }
0xad: {  	[dreg:$0x0] =	wrdreg $0x60  }
0xae: {  	[dreg:$0x2] =	wrdreg s2  }
0xaf: {  	[dreg:$0x3] =	wrdreg s24  }
0xb0: {  	[dreg:$0x4] =	wrdreg $0x52000  }
0xb1: {  	[dreg:$0x5] =	wrdreg $0x9  }
0xb2: {  	_ =	task.clear_ibuf [dreg:s7], $0x6FFFF;
	_ =	strace $0x9000004C  }
0xb3: {  	s29 =	simm.s32 $0x9;
	_ =	strace $0x8000004E  }
0xb4: {  	_ =	swait.ge [sflag:s29], $0x1  }
0xb5: {  	[sflag:s29] =	ssyncadd.s32 $0xFFFFFFFF  }
0xb6: {  	_ =	strace $0x9000004E  }
0xb7: {  	_ =	sfence  }
0xb8: {  	s30 =	sld [smem:$0x0];
	_ =	sdelay $0x2  }
0xb9: {  	s31 =	sshll.u32 s1, $0xD;
	s1 =	sshrl.u32 s1, $0x2  }
0xba: {  	s3 =	sand.u32 $0x4000, s31;
	s1 =	sadd.s32 s1, s30  }
0xbb: {  	s0 =	sor.u32 s3, s0;
	s1 =	sshll.u32 s1, $0x11  }
0xbc: {  	s0 =	sor.u32 s1, s0  }
0xbd: {  	s0 =	sadd.s32 $0x8F2B, s0  }
0xbe: {  	[sflag:s0] =	ssyncadd.remote.s32 $0x1  }
0xbf: {  	_ =	sfence.sel $0xFFFF  }
0xc0: {  	[dreg:$0x0] =	wrdreg $0xFFFFFFFF;
	(pc) =	sbr.abs _section_cstart, $3  }
0xc1: {  	[dreg:$0x1] =	wrdreg $0xFFFFFFFF  }
0xc2: {  	_ =	task.clear_ibuf [dreg:s7], $0x2FFFF;
	_ =	strace $0x9FFFFFFF  }
0xc3: {  	(tm) =	ssettm $0x7FFFFFFF  }
tec
execute0_lowered:
.L_overlay_start_1:
0x0: {  	(tag) =	ssettag $0x1  }
0x1: {  	s1 =	rddreg [dreg:$0x0]  }
0x2: {  	s0 =	rddreg [dreg:$0x1]  }
0x3: {  	s3 =	rddreg [dreg:$0x2];
	s2 =	srdreg.scid  }
0x4: {  	s13 =	stileid.u32;
	s4 =	simm.s32 $0x0;
	s31 =	simm.s32 $0x200  }
0x5: {  	s2 =	sand.u32 $0x1, s2;
	s7 =	smul.u32 $0x280, s13;
	[smem:$0x7FF] =	sst s4  }
0x6: {  	s5 =	sadd.s32 $0xC400, s0;
	s6 =	sadd.s32 $0x2200, s0;
	s25 =	smul.u32 $0x50000, s13  }
0x7: {  	s9 =	sadd.s32 $0x16600, s0;
	s26 =	sshll.u32 s13, $0x1;
	s13 =	smul.u32 $0x50A0, s13  }
0x8: {  	s8 =	smul.u32 $0x2800, s2;
	_ =	strace $0x8000004D;
	[dreg:$0x4] =	wrdreg s9  }
0x9: {  	s10 =	ssub.s32 $0x2, s2;
	s9 =	sor.u32 s2, s26;
	s2 =	smul.u32 $0x2850, s2  }
0xa: {  	s11 =	sshrl.u32 s10, $0x1;
	s12 =	smul.u32 $0x2850, s9;
	s7 =	sadd.s32 s7, s8  }
0xb: {  	s8 =	sshrl.u32 s25, $0x2;
	s10 =	ssub.s32 s10, s11;
	s2 =	sadd.s32 s2, s13  }
0xc: {  	s13 =	simm.s32 $0x180;
	s7 =	sshll.u32 s7, $0x4;
	s8 =	sadd.s32 s8, s3  }
0xd: {  	s12 =	sshrl.u32 s12, $0x3;
	s24 =	sadd.s32 $0x50, s2;
	s2 =	sadd.s32 $0xA0, s2  }
0xe: {  	s0 =	sadd.s32 s7, s0;
	s11 =	sadd.s32 s5, s12;
	[dreg:$0x10] =	wrdreg s2  }
0xf: {  	s18 =	sadd.s32 $0x2800, s8;
	s14 =	sadd.s32 s6, s12;
	[dreg:$0x5] =	wrdreg s11  }
0x10: {  	s19 =	sadd.s32 $0x5000, s8;
	s7 =	smax.u32 s10, $0x1;
	[dreg:$0x6] =	wrdreg s14  }
0x11: {  	s20 =	sadd.s32 $0x7800, s8;
	s15 =	sadd.s32 $0x16C00, s0;
	[dreg:$0xf] =	wrdreg s7  }
0x12: {  	s26 =	sshrl.u32 s24, $0x3;
	s16 =	sadd.s32 $0x17100, s0;
	[dreg:$0x7] =	wrdreg s15  }
0x13: {  	s28 =	sadd.s32 $0xC800, s8;
	s17 =	sadd.s32 $0x17600, s0;
	[dreg:$0x8] =	wrdreg s16  }
0x14: {  	s29 =	sadd.s32 $0xF000, s8;
	s21 =	sadd.s32 $0x17B00, s0;
	[dreg:$0x9] =	wrdreg s17  }
0x15: {  	s30 =	sadd.s32 $0x11800, s8;
	s22 =	sadd.s32 $0x18000, s0;
	[dreg:$0xa] =	wrdreg s21  }
0x16: {  	s2 =	simm.s32 $0x80;
	s23 =	sadd.s32 $0x18500, s0;
	[dreg:$0xb] =	wrdreg s22  }
0x17: {  	s12 =	simm.s32 $0x100;
	s25 =	sadd.s32 $0x18A00, s0;
	[dreg:$0xc] =	wrdreg s23  }
0x18: {  	s0 =	sadd.s32 $0x18F00, s0;
	s24 =	sadd.s32 s26, s6;
	[dreg:$0xd] =	wrdreg s25  }
0x19: {  	s7 =	simm.s32 $0x50;
	s14 =	simm.s32 $0x2A00;
	[dreg:$0xe] =	wrdreg s0  }
0x1a: {  	s25 =	sadd.s32 s26, s5;
	s26 =	sadd.s32 $0xA000, s8;
	s0 =	simm.s32 $0x3  }
0x1b: {  	s15 =	simm.s32 $0x1;
	s16 =	simm.s32 $0x2;
	s17 =	simm.s32 $0x0  }
.LBB2_1:
0x1c: {  	s9 =	rddreg [dreg:$0x4]  }
0x1d: {  	[tilespmem:s31], [sflag:$0x3] =	stream.linear.gather [hbm4b:s9+s4], $0x2800, $0x38;
	[tilespmem:$0x19200] =	vst v63  }
0x1e: {  	_ =	swait.ge [sflag:s0], $0x2800  }
0x1f: {  	[sflag:s0] =	ssyncset.done $0x0  }
0x20: {  	[sflag:s0] =	ssyncadd.s32 $0xFFFFD800  }
0x21: {  	[spmem:s8] =	stream.linear.scatter [tilespmem:s31], [sflag:$0x3], $0x2800, $0x38;
	[tilespmem:$0x19200] =	vst v63  }
0x22: {  	_ =	swait.ge [sflag:s0], $0x2800  }
0x23: {  	[sflag:s0] =	ssyncset.done $0x0  }
0x24: {  	[sflag:s0] =	ssyncadd.s32 $0xFFFFD800  }
0x25: {  	[spmem:s18] =	stream.linear.scatter [tilespmem:s31], [sflag:$0x3], $0x2800, $0x38;
	[tilespmem:$0x19200] =	vst v63  }
0x26: {  	_ =	swait.ge [sflag:s0], $0x2800  }
0x27: {  	[sflag:s0] =	ssyncset.done $0x0  }
0x28: {  	[sflag:s0] =	ssyncadd.s32 $0xFFFFD800  }
0x29: {  	[spmem:s19] =	stream.linear.scatter [tilespmem:s31], [sflag:$0x3], $0x2800, $0x38;
	[tilespmem:$0x19200] =	vst v63  }
0x2a: {  	_ =	swait.ge [sflag:s0], $0x2800  }
0x2b: {  	[sflag:s0] =	ssyncset.done $0x0  }
0x2c: {  	[sflag:s0] =	ssyncadd.s32 $0xFFFFD800  }
0x2d: {  	[spmem:s20] =	stream.linear.scatter [tilespmem:s31], [sflag:$0x3], $0x2800, $0x38;
	[tilespmem:$0x19200] =	vst v63  }
0x2e: {  	_ =	swait.ge [sflag:s0], $0x2800  }
0x2f: {  	[sflag:s0] =	ssyncset.done $0x0  }
0x30: {  	[sflag:s0] =	ssyncadd.s32 $0xFFFFD800  }
0x31: {  	[spmem:s26] =	stream.linear.scatter [tilespmem:s31], [sflag:$0x3], $0x2800, $0x38;
	[tilespmem:$0x19200] =	vst v63  }
0x32: {  	_ =	swait.ge [sflag:s0], $0x2800  }
0x33: {  	[sflag:s0] =	ssyncset.done $0x0  }
0x34: {  	[sflag:s0] =	ssyncadd.s32 $0xFFFFD800  }
0x35: {  	[spmem:s28] =	stream.linear.scatter [tilespmem:s31], [sflag:$0x3], $0x2800, $0x38;
	[tilespmem:$0x19200] =	vst v63  }
0x36: {  	_ =	swait.ge [sflag:s0], $0x2800  }
0x37: {  	[sflag:s0] =	ssyncset.done $0x0  }
0x38: {  	[sflag:s0] =	ssyncadd.s32 $0xFFFFD800  }
0x39: {  	[spmem:s29] =	stream.linear.scatter [tilespmem:s31], [sflag:$0x3], $0x2800, $0x38;
	[tilespmem:$0x19200] =	vst v63  }
0x3a: {  	_ =	swait.ge [sflag:s0], $0x2800  }
0x3b: {  	[sflag:s0] =	ssyncset.done $0x0  }
0x3c: {  	[sflag:s0] =	ssyncadd.s32 $0xFFFFD800  }
0x3d: {  	[spmem:s30] =	stream.linear.scatter [tilespmem:s31], [sflag:$0x3], $0x2800, $0x38;
	[tilespmem:$0x19200] =	vst v63  }
0x3e: {  	_ =	swait.ge [sflag:s0], $0x2800  }
0x3f: {  	[sflag:s0] =	ssyncset.done $0x0  }
0x40: {  	[sflag:s0] =	ssyncadd.s32 $0xFFFFD800  }
0x41: {  	[bflag:$0x0] =	sbarrier.arrive $0xFFFF  }
0x42: {  	s22 =	rddreg [dreg:$0x5]  }
0x43: {  	[tilespmem:s4], [sflag:$0x3] =	stream.linear.gather [hbm4b:s22+s4], $0x50, $0x38;
	[tilespmem:$0x19200] =	vst v63  }
0x44: {  	_ =	swait.ge [sflag:s0], $0x50  }
0x45: {  	[sflag:s0] =	ssyncset.done $0x0  }
0x46: {  	s10 =	smov.u32 s18;
	s18 =	rddreg [dreg:$0x6];
	[sflag:s0] =	ssyncadd.s32 $0xFFFFFFB0  }
0x47: {  	[tilespmem:s2], [sflag:$0x3] =	stream.linear.gather [hbm4b:s18+s4], $0x50, $0x38;
	[tilespmem:$0x19200] =	vst v63  }
0x48: {  	_ =	swait.ge [sflag:s0], $0x50  }
0x49: {  	[sflag:s0] =	ssyncset.done $0x0  }
0x4a: {  	[sflag:s0] =	ssyncadd.s32 $0xFFFFFFB0  }
0x4b: {  	[tilespmem:s31], [sflag:$0x1] =	stream.indirect.gather [hbm4b:s1+s7], $0x80, s4, s7, $0xb8;
	[tilespmem:$0x19200] =	vst v63  }
0x4c: {  	s11 =	smov.u32 s19;
	s19 =	sadd.s32 $0x0, s25  }
0x4d: {  	[tilespmem:s12], [sflag:$0x3] =	stream.linear.gather [hbm4b:s19+s4], $0x50, $0x38;
	[tilespmem:$0x19200] =	vst v63  }
0x4e: {  	_ =	swait.ge [sflag:s0], $0x50  }
0x4f: {  	[sflag:s0] =	ssyncset.done $0x0  }
0x50: {  	s23 =	smov.u32 s20;
	s20 =	sadd.s32 $0x0, s24;
	[sflag:s0] =	ssyncadd.s32 $0xFFFFFFB0  }
0x51: {  	[tilespmem:s13], [sflag:$0x3] =	stream.linear.gather [hbm4b:s20+s4], $0x50, $0x38;
	[tilespmem:$0x19200] =	vst v63  }
0x52: {  	_ =	swait.ge [sflag:s0], $0x50  }
0x53: {  	[sflag:s0] =	ssyncset.done $0x0  }
0x54: {  	[sflag:s0] =	ssyncadd.s32 $0xFFFFFFB0  }
0x55: {  	[tilespmem:s14], [sflag:$0x2] =	stream.indirect.gather [hbm4b:s1+s7], $0x80, s12, s7, $0xb8;
	[tilespmem:$0x19200] =	vst v63  }
0x56: {  	_ =	swait.ge [sflag:s15], $0x2800  }
0x57: {  	[sflag:s15] =	ssyncset.done $0x0  }
0x58: {  	[sflag:s15] =	ssyncadd.s32 $0xFFFFD800  }
0x59: {  	[spmem:s3] =	stream.indirect.scatter.add.f32 [tilespmem:s31], [sflag:$0x3], $0x80, s2, s7, $0xb8;
	[tilespmem:$0x19200] =	vst v63  }
0x5a: {  	_ =	swait.ge [sflag:s0], $0x2800  }
0x5b: {  	s9 =	rddreg [dreg:$0x10]  }
0x5c: {  	[sflag:s0] =	ssyncset.done $0x0;
	s21 =	sshrl.u32 s9, $0x3  }
0x5d: {  	[sflag:s0] =	ssyncadd.s32 $0xFFFFD800;
	s22 =	sadd.s32 s5, s21  }
0x5e: {  	[tilespmem:s4], [sflag:$0x3] =	stream.linear.gather [hbm4b:s22+s4], $0x50, $0x38;
	[tilespmem:$0x19200] =	vst v63  }
0x5f: {  	_ =	swait.ge [sflag:s0], $0x50  }
0x60: {  	[sflag:s0] =	ssyncset.done $0x0  }
0x61: {  	s18 =	sadd.s32 s6, s21;
	[sflag:s0] =	ssyncadd.s32 $0xFFFFFFB0  }
0x62: {  	[tilespmem:s2], [sflag:$0x3] =	stream.linear.gather [hbm4b:s18+s4], $0x50, $0x38;
	[tilespmem:$0x19200] =	vst v63  }
0x63: {  	_ =	swait.ge [sflag:s0], $0x50  }
0x64: {  	[sflag:s0] =	ssyncset.done $0x0  }
0x65: {  	[sflag:s0] =	ssyncadd.s32 $0xFFFFFFB0  }
0x66: {  	[tilespmem:s31], [sflag:$0x1] =	stream.indirect.gather [hbm4b:s1+s7], $0x80, s4, s7, $0xb8;
	[tilespmem:$0x19200] =	vst v63  }
0x67: {  	_ =	swait.ge [sflag:s16], $0x2800  }
0x68: {  	[sflag:s16] =	ssyncset.done $0x0  }
0x69: {  	[sflag:s16] =	ssyncadd.s32 $0xFFFFD800  }
0x6a: {  	[spmem:s3] =	stream.indirect.scatter.add.f32 [tilespmem:s14], [sflag:$0x3], $0x80, s13, s7, $0xb8;
	[tilespmem:$0x19200] =	vst v63  }
0x6b: {  	s19 =	simm.s32 $0x14;
	_ =	swait.ge [sflag:s0], $0x2800  }
0x6c: {  	s20 =	simm.s32 $0x28;
	s18 =	sadd.s32 $0xA0, s9;
	[sflag:s0] =	ssyncset.done $0x0  }
.LBB2_2:
0x6d: {  	s22 =	sadd.s32 s19, s25  }
0x6e: {  	[sflag:s0] =	ssyncadd.s32 $0xFFFFD800;
	s9 =	smov.u32 s20;
	s21 =	sadd.s32 $0x14, s20  }
0x6f: {  	[tilespmem:s12], [sflag:$0x3] =	stream.linear.gather [hbm4b:s22+s4], $0x50, $0x38;
	[tilespmem:$0x19200] =	vst v63  }
0x70: {  	p0 =	sne.s32 s20, $0x4EC;
	_ =	swait.ge [sflag:s0], $0x50  }
0x71: {  	[sflag:s0] =	ssyncset.done $0x0  }
0x72: {  	s20 =	sadd.s32 s19, s24;
	s19 =	smov.u32 s9;
	[sflag:s0] =	ssyncadd.s32 $0xFFFFFFB0  }
0x73: {  	[tilespmem:s13], [sflag:$0x3] =	stream.linear.gather [hbm4b:s20+s4], $0x50, $0x38;
	[tilespmem:$0x19200] =	vst v63  }
0x74: {  	_ =	swait.ge [sflag:s0], $0x50  }
0x75: {  	[sflag:s0] =	ssyncset.done $0x0  }
0x76: {  	[sflag:s0] =	ssyncadd.s32 $0xFFFFFFB0  }
0x77: {  	[tilespmem:s14], [sflag:$0x2] =	stream.indirect.gather [hbm4b:s1+s7], $0x80, s12, s7, $0xb8;
	[tilespmem:$0x19200] =	vst v63  }
0x78: {  	_ =	swait.ge [sflag:s15], $0x2800  }
0x79: {  	[sflag:s15] =	ssyncset.done $0x0  }
0x7a: {  	[sflag:s15] =	ssyncadd.s32 $0xFFFFD800  }
0x7b: {  	[spmem:s3] =	stream.indirect.scatter.add.f32 [tilespmem:s31], [sflag:$0x3], $0x80, s2, s7, $0xb8;
	[tilespmem:$0x19200] =	vst v63  }
0x7c: {  	_ =	swait.ge [sflag:s0], $0x2800  }
0x7d: {  	s9 =	sshrl.u32 s18, $0x3;
	[sflag:s0] =	ssyncset.done $0x0  }
0x7e: {  	s20 =	sadd.s32 s5, s9;
	[sflag:s0] =	ssyncadd.s32 $0xFFFFD800  }
0x7f: {  	[tilespmem:s4], [sflag:$0x3] =	stream.linear.gather [hbm4b:s20+s4], $0x50, $0x38;
	[tilespmem:$0x19200] =	vst v63  }
0x80: {  	_ =	swait.ge [sflag:s0], $0x50  }
0x81: {  	[sflag:s0] =	ssyncset.done $0x0  }
0x82: {  	s9 =	sadd.s32 s6, s9;
	[sflag:s0] =	ssyncadd.s32 $0xFFFFFFB0  }
0x83: {  	[tilespmem:s2], [sflag:$0x3] =	stream.linear.gather [hbm4b:s9+s4], $0x50, $0x38;
	[tilespmem:$0x19200] =	vst v63  }
0x84: {  	_ =	swait.ge [sflag:s0], $0x50  }
0x85: {  	[sflag:s0] =	ssyncset.done $0x0  }
0x86: {  	[sflag:s0] =	ssyncadd.s32 $0xFFFFFFB0  }
0x87: {  	[tilespmem:s31], [sflag:$0x1] =	stream.indirect.gather [hbm4b:s1+s7], $0x80, s4, s7, $0xb8;
	[tilespmem:$0x19200] =	vst v63  }
0x88: {  	_ =	swait.ge [sflag:s16], $0x2800  }
.Ltmp0:
0x89: {  	[sflag:s16] =	ssyncset.done $0x0;
	(pc) =	sbr.rel @p0 .LBB2_2-.Ltmp0, $4  }
0x8a: {  	[sflag:s16] =	ssyncadd.s32 $0xFFFFD800  }
0x8b: {  	[spmem:s3] =	stream.indirect.scatter.add.f32 [tilespmem:s14], [sflag:$0x3], $0x80, s13, s7, $0xb8;
	[tilespmem:$0x19200] =	vst v63  }
0x8c: {  	_ =	swait.ge [sflag:s0], $0x2800  }
0x8d: {  	s18 =	sadd.s32 $0xA0, s18;
	s20 =	smov.u32 s21;
	[sflag:s0] =	ssyncset.done $0x0  }
0x8e: {  	s9 =	sadd.s32 s19, s25;
	[sflag:s0] =	ssyncadd.s32 $0xFFFFD800  }
0x8f: {  	[tilespmem:s12], [sflag:$0x3] =	stream.linear.gather [hbm4b:s9+s4], $0x50, $0x38;
	[tilespmem:$0x19200] =	vst v63  }
0x90: {  	_ =	swait.ge [sflag:s0], $0x50  }
0x91: {  	[sflag:s0] =	ssyncset.done $0x0  }
0x92: {  	s22 =	sadd.s32 s19, s24;
	[sflag:s0] =	ssyncadd.s32 $0xFFFFFFB0  }
0x93: {  	[tilespmem:s13], [sflag:$0x3] =	stream.linear.gather [hbm4b:s22+s4], $0x50, $0x38;
	[tilespmem:$0x19200] =	vst v63  }
0x94: {  	_ =	swait.ge [sflag:s0], $0x50  }
0x95: {  	[sflag:s0] =	ssyncset.done $0x0  }
0x96: {  	[sflag:s0] =	ssyncadd.s32 $0xFFFFFFB0  }
0x97: {  	[tilespmem:s14], [sflag:$0x2] =	stream.indirect.gather [hbm4b:s1+s7], $0x80, s12, s7, $0xb8;
	[tilespmem:$0x19200] =	vst v63  }
0x98: {  	_ =	swait.ge [sflag:s15], $0x2800  }
0x99: {  	[sflag:s15] =	ssyncset.done $0x0  }
0x9a: {  	[sflag:s15] =	ssyncadd.s32 $0xFFFFD800  }
0x9b: {  	[spmem:s3] =	stream.indirect.scatter.add.f32 [tilespmem:s31], [sflag:$0x3], $0x80, s2, s7, $0xb8;
	[tilespmem:$0x19200] =	vst v63  }
0x9c: {  	_ =	swait.ge [sflag:s0], $0x2800  }
0x9d: {  	s19 =	sshrl.u32 s18, $0x3;
	[sflag:s0] =	ssyncset.done $0x0  }
0x9e: {  	s18 =	sadd.s32 s5, s19;
	[sflag:s0] =	ssyncadd.s32 $0xFFFFD800  }
0x9f: {  	[tilespmem:s4], [sflag:$0x3] =	stream.linear.gather [hbm4b:s18+s4], $0x50, $0x38;
	[tilespmem:$0x19200] =	vst v63  }
0xa0: {  	_ =	swait.ge [sflag:s0], $0x50  }
0xa1: {  	[sflag:s0] =	ssyncset.done $0x0  }
0xa2: {  	s9 =	sadd.s32 s6, s19;
	[sflag:s0] =	ssyncadd.s32 $0xFFFFFFB0  }
0xa3: {  	[tilespmem:s2], [sflag:$0x3] =	stream.linear.gather [hbm4b:s9+s4], $0x50, $0x38;
	[tilespmem:$0x19200] =	vst v63  }
0xa4: {  	_ =	swait.ge [sflag:s0], $0x50  }
0xa5: {  	[sflag:s0] =	ssyncset.done $0x0  }
0xa6: {  	[sflag:s0] =	ssyncadd.s32 $0xFFFFFFB0  }
0xa7: {  	[tilespmem:s31], [sflag:$0x1] =	stream.indirect.gather [hbm4b:s1+s7], $0x80, s4, s7, $0xb8;
	[tilespmem:$0x19200] =	vst v63  }
0xa8: {  	_ =	swait.ge [sflag:s16], $0x2800  }
0xa9: {  	[sflag:s16] =	ssyncset.done $0x0  }
0xaa: {  	[sflag:s16] =	ssyncadd.s32 $0xFFFFD800  }
0xab: {  	[spmem:s3] =	stream.indirect.scatter.add.f32 [tilespmem:s14], [sflag:$0x3], $0x80, s13, s7, $0xb8;
	[tilespmem:$0x19200] =	vst v63  }
0xac: {  	_ =	swait.ge [sflag:s0], $0x2800  }
0xad: {  	[sflag:s0] =	ssyncset.done $0x0  }
0xae: {  	[sflag:s0] =	ssyncadd.s32 $0xFFFFD800  }
0xaf: {  	_ =	swait.ge [sflag:s15], $0x2800  }
0xb0: {  	[sflag:s15] =	ssyncset.done $0x0  }
0xb1: {  	[sflag:s15] =	ssyncadd.s32 $0xFFFFD800  }
0xb2: {  	[bflag:$0x0] =	sbarrier.arrive $0xFFFF  }
0xb3: {  	[tilespmem:s31], [sflag:$0x3] =	stream.linear.gather [spmem:s8], $0x2800, $0x38;
	[tilespmem:$0x19200] =	vst v63  }
0xb4: {  	_ =	swait.ge [sflag:s0], $0x2800  }
0xb5: {  	[sflag:s0] =	ssyncset.done $0x0  }
0xb6: {  	s20 =	rddreg [dreg:$0x7];
	[sflag:s0] =	ssyncadd.s32 $0xFFFFD800  }
0xb7: {  	[hbm4b:s20+s4] =	stream.linear.scatter [tilespmem:s31], [sflag:$0x3], $0x2800, $0x38;
	[tilespmem:$0x19200] =	vst v63  }
0xb8: {  	_ =	swait.ge [sflag:s0], $0x2800  }
0xb9: {  	[sflag:s0] =	ssyncset.done $0x0  }
0xba: {  	[sflag:s0] =	ssyncadd.s32 $0xFFFFD800  }
0xbb: {  	[tilespmem:s31], [sflag:$0x3] =	stream.linear.gather [spmem:s10], $0x2800, $0x38;
	[tilespmem:$0x19200] =	vst v63  }
0xbc: {  	_ =	swait.ge [sflag:s0], $0x2800  }
0xbd: {  	[sflag:s0] =	ssyncset.done $0x0  }
0xbe: {  	s21 =	rddreg [dreg:$0x8];
	[sflag:s0] =	ssyncadd.s32 $0xFFFFD800  }
0xbf: {  	[hbm4b:s21+s4] =	stream.linear.scatter [tilespmem:s31], [sflag:$0x3], $0x2800, $0x38;
	[tilespmem:$0x19200] =	vst v63  }
0xc0: {  	_ =	swait.ge [sflag:s0], $0x2800  }
0xc1: {  	[sflag:s0] =	ssyncset.done $0x0  }
0xc2: {  	[sflag:s0] =	ssyncadd.s32 $0xFFFFD800  }
0xc3: {  	[tilespmem:s31], [sflag:$0x3] =	stream.linear.gather [spmem:s11], $0x2800, $0x38;
	[tilespmem:$0x19200] =	vst v63  }
0xc4: {  	_ =	swait.ge [sflag:s0], $0x2800  }
0xc5: {  	[sflag:s0] =	ssyncset.done $0x0  }
0xc6: {  	s22 =	rddreg [dreg:$0x9];
	[sflag:s0] =	ssyncadd.s32 $0xFFFFD800  }
0xc7: {  	[hbm4b:s22+s4] =	stream.linear.scatter [tilespmem:s31], [sflag:$0x3], $0x2800, $0x38;
	[tilespmem:$0x19200] =	vst v63  }
0xc8: {  	_ =	swait.ge [sflag:s0], $0x2800  }
0xc9: {  	[sflag:s0] =	ssyncset.done $0x0  }
0xca: {  	[sflag:s0] =	ssyncadd.s32 $0xFFFFD800  }
0xcb: {  	[tilespmem:s31], [sflag:$0x3] =	stream.linear.gather [spmem:s23], $0x2800, $0x38;
	[tilespmem:$0x19200] =	vst v63  }
0xcc: {  	_ =	swait.ge [sflag:s0], $0x2800  }
0xcd: {  	[sflag:s0] =	ssyncset.done $0x0  }
0xce: {  	s20 =	smov.u32 s23;
	s23 =	rddreg [dreg:$0xa];
	[sflag:s0] =	ssyncadd.s32 $0xFFFFD800  }
0xcf: {  	[hbm4b:s23+s4] =	stream.linear.scatter [tilespmem:s31], [sflag:$0x3], $0x2800, $0x38;
	[tilespmem:$0x19200] =	vst v63  }
0xd0: {  	_ =	swait.ge [sflag:s0], $0x2800  }
0xd1: {  	[sflag:s0] =	ssyncset.done $0x0  }
0xd2: {  	[sflag:s0] =	ssyncadd.s32 $0xFFFFD800  }
0xd3: {  	[tilespmem:s31], [sflag:$0x3] =	stream.linear.gather [spmem:s26], $0x2800, $0x38;
	[tilespmem:$0x19200] =	vst v63  }
0xd4: {  	_ =	swait.ge [sflag:s0], $0x2800  }
0xd5: {  	[sflag:s0] =	ssyncset.done $0x0  }
0xd6: {  	s18 =	smov.u32 s10;
	s10 =	rddreg [dreg:$0xb];
	[sflag:s0] =	ssyncadd.s32 $0xFFFFD800  }
0xd7: {  	[hbm4b:s10+s4] =	stream.linear.scatter [tilespmem:s31], [sflag:$0x3], $0x2800, $0x38;
	[tilespmem:$0x19200] =	vst v63  }
0xd8: {  	_ =	swait.ge [sflag:s0], $0x2800  }
0xd9: {  	[sflag:s0] =	ssyncset.done $0x0  }
0xda: {  	[sflag:s0] =	ssyncadd.s32 $0xFFFFD800  }
0xdb: {  	[tilespmem:s31], [sflag:$0x3] =	stream.linear.gather [spmem:s28], $0x2800, $0x38;
	[tilespmem:$0x19200] =	vst v63  }
0xdc: {  	_ =	swait.ge [sflag:s0], $0x2800  }
0xdd: {  	[sflag:s0] =	ssyncset.done $0x0  }
0xde: {  	s19 =	smov.u32 s11;
	s11 =	rddreg [dreg:$0xc];
	[sflag:s0] =	ssyncadd.s32 $0xFFFFD800  }
0xdf: {  	[hbm4b:s11+s4] =	stream.linear.scatter [tilespmem:s31], [sflag:$0x3], $0x2800, $0x38;
	[tilespmem:$0x19200] =	vst v63  }
0xe0: {  	_ =	swait.ge [sflag:s0], $0x2800  }
0xe1: {  	[sflag:s0] =	ssyncset.done $0x0  }
0xe2: {  	[sflag:s0] =	ssyncadd.s32 $0xFFFFD800  }
0xe3: {  	[tilespmem:s31], [sflag:$0x3] =	stream.linear.gather [spmem:s29], $0x2800, $0x38;
	[tilespmem:$0x19200] =	vst v63  }
0xe4: {  	_ =	swait.ge [sflag:s0], $0x2800  }
0xe5: {  	[sflag:s0] =	ssyncset.done $0x0  }
0xe6: {  	s21 =	rddreg [dreg:$0xd];
	[sflag:s0] =	ssyncadd.s32 $0xFFFFD800  }
0xe7: {  	[hbm4b:s21+s4] =	stream.linear.scatter [tilespmem:s31], [sflag:$0x3], $0x2800, $0x38;
	[tilespmem:$0x19200] =	vst v63  }
0xe8: {  	_ =	swait.ge [sflag:s0], $0x2800  }
0xe9: {  	[sflag:s0] =	ssyncset.done $0x0  }
0xea: {  	[sflag:s0] =	ssyncadd.s32 $0xFFFFD800  }
0xeb: {  	[tilespmem:s31], [sflag:$0x3] =	stream.linear.gather [spmem:s30], $0x2800, $0x38;
	[tilespmem:$0x19200] =	vst v63  }
0xec: {  	_ =	swait.ge [sflag:s0], $0x2800  }
0xed: {  	[sflag:s0] =	ssyncset.done $0x0  }
0xee: {  	s22 =	rddreg [dreg:$0xe];
	[sflag:s0] =	ssyncadd.s32 $0xFFFFD800  }
0xef: {  	[hbm4b:s22+s4] =	stream.linear.scatter [tilespmem:s31], [sflag:$0x3], $0x2800, $0x38;
	[tilespmem:$0x19200] =	vst v63  }
0xf0: {  	_ =	swait.ge [sflag:s0], $0x2800  }
0xf1: {  	s17 =	sadd.s32 $0x1, s17;
	s23 =	rddreg [dreg:$0xf]  }
0xf2: {  	p0 =	sne.s32 s17, s23  }
.Ltmp1:
0xf3: {  	_ = 	snop;
	(pc) =	sbr.rel @p0 .LBB2_1-.Ltmp1, $3  }
0xf4: {  	_ =	sdelay $0x1  }
0xf5: {  	[sflag:s0] =	ssyncset.done $0x0  }
0xf6: {  	[sflag:s0] =	ssyncadd.s32 $0xFFFFD800  }
0xf7: {  	_ =	sfence.sel $0x180000  }
0xf8: {  	[bflag:$0x0] =	sbarrier.arrive $0xFFFF  }
0xf9: {  	_ =	strace $0x9000004D  }
0xfa: {  	s0 =	stileid.u32;
	[bflag:$0x2] =	sbarrier.arrive $0xFFFF  }
0xfb: {  	p0 =	sne.s32 s0, $0x0;
	s0 =	rddreg [dreg:$0x3]  }
0xfc: {  	s0 =	sadd.s32 @!p0 $0x100000, s0  }
0xfd: {  	[sflag:s0] =	ssyncadd.tile.s32 @!p0 $0x1;
	_ =	shalt  }
.Lfunc_end2:
_tile_overlayer_lowered:
.L_overlay_start_2:
0xfe: {  	(tag) =	ssettag $0x2  }
0xff: {  	s0 =	rddreg [dreg:$0x0];
	s2 =	stileid.u32  }
0x100: {  	s1 =	rddreg [dreg:$0x1];
	p0 =	sne.s32 s2, $0x0  }
0x101: {  	s3 =	rddreg [dreg:$0x2];
	[bflag:$0x3] =	sbarrier.arrive $0xFFFF;
	s2 =	simm.s32 @!p0 $0x1C03  }
0x102: {  	[timem:s3], [sflag:s2] =	dma.local @!p0 [hbm:s0], s1  }
0x103: {  	s0 =	simm.s32 @!p0 $0x3  }
0x104: {  	_ =	swait.ge @!p0 [sflag:s0], s1  }
0x105: {  	s1 =	ssub.s32 @!p0 $0x0, s1;
	[sflag:s0] =	ssyncset.done @!p0 $0x0  }
0x106: {  	[sflag:s0] =	ssyncadd.s32 @!p0 s1  }
0x107: {  	[bflag:$0x3] =	sbarrier.arrive $0xFFFF  }
0x108: {  	_ =	shalt  }

// kernel: kernel.8.cloned.1.call-start
scs
__scs_entry_jumppad:
0x0: {  	(pc) =	sbr.rel $0x88, $3  }
0x1: {  	(tag) =	ssettag $0x0;
	lr =	simm.s32 $0x1  }
0x2: {  	[smem:$0x3F99] =	sst lr;
	_ =	strace $0xD0000000  }
0x3: {  	_ = 	snop  }
0x4: {  	_ = 	snop  }
0x5: {  	_ = 	snop  }
0x6: {  	_ = 	snop  }
0x7: {  	_ = 	snop  }
__scs_overlays_trampoline_lowered:
0x8: {  	[smem:$0x3FA8] =	sst s0  }
0x9: {  	[smem:$0x3FA9] =	sst s1  }
0xa: {  	[smem:$0x3FAA] =	sst s2  }
0xb: {  	[smem:$0x3FAB] =	sst s3  }
0xc: {  	[smem:$0x3FAC] =	sst s4  }
0xd: {  	[smem:$0x3FAD] =	sst s5  }
0xe: {  	[smem:$0x3FAE] =	sst s6  }
0xf: {  	[smem:$0x3FAF] =	sst s7  }
0x10: {  	[smem:$0x3FB0] =	sst s8  }
0x11: {  	[smem:$0x3FB1] =	sst s9;
	s0 =	simm.s32 @!p0 $0x0  }
0x12: {  	s1 =	sld [smem:$0x3F97];
	s0 =	simm.s32 @p0 $0x1  }
0x13: {  	[smem:$0x3FB2] =	sst s0;
	s0 =	simm.s32 @!p1 $0x0  }
0x14: {  	s2 =	sld [smem:$0x3F96];
	s0 =	simm.s32 @p1 $0x1  }
0x15: {  	[smem:$0x3FB3] =	sst s0;
	s0 =	simm.s32 @!p2 $0x0  }
0x16: {  	s3 =	sld [smem:$0x3FDB];
	s0 =	simm.s32 @p2 $0x1  }
0x17: {  	s4 =	simm.s32 $0x1BF5;
	[smem:$0x3FB5] =	sst s0  }
0x18: {  	s0 =	sld [smem:$0x3F98];
	_ =	swait.ge [sflag:s4], $0x0  }
0x19: {  	s7 =	sld [smem:$0x3F99]  }
0x1a: {  	s8 =	sadd.s32 $0xFFFFE003, lr  }
0x1b: {  	s9 =	sadd.s32 $0xFFFFFEF7, lr;
	s5 =	simm.s32 $0xFFFFFFFF;
	p2 =	slt.u32 s8, $0xFFFFF086  }
0x1c: {  	p1 =	slt.u32 s9, $0xF7A;
	s5 =	simm.s32 @!p2 $0x0  }
0x1d: {  	s5 =	simm.s32 @p1 $0x1;
	p0 =	seq.s32 s7, s2  }
0x1e: {  	s7 =	smul.u32 @!p0 $0xF7A, s2;
	p2 =	seq.s32 @!p0 s5, $0x0  }
0x1f: {  	s9 =	smul.u32 $0xF7A, s1;
	s8 =	simm.s32 @!p0 $0x1BF5;
	p2 =	por !p2, p0  }
0x20: {  	[sflag:s8] =	ssyncset.s32 @!p0 $0xFFFFF086;
	s6 =	sadd.s32 @!p0 s3, s7;
	s7 =	simm.s32 @!p0 $0x108  }
0x21: {  	s3 =	sadd.s32 s3, s9;
	s6 =	sadd.s32 @!p0 $0x88, s6;
	s7 =	simm.s32 @p2 $0x1082  }
0x22: {  	[simem:s7], [sflag:s8] =	dma.local @!p0 [hbm:s6], $0xF7A  }
0x23: {  	s9 =	sor.u32 $0xD0000000, s2;
	s6 =	simm.s32 $0x108;
	_ =	swait.ge @!p0 [sflag:s8], $0x0  }
0x24: {  	s3 =	sadd.s32 $0x88, s3;
	s6 =	simm.s32 @!p1 $0x1082;
	[sflag:s4] =	ssyncset.s32 $0xFFFFF086  }
0x25: {  	[simem:s6], [sflag:s4] =	dma.local [hbm:s3], $0xF7A  }
0x26: {  	[smem:$0x3F99] =	sst s1;
	(tag) =	ssettag s2;
	_ =	strace s9  }
0x27: {  	s1 =	sld [smem:$0x3FA9]  }
0x28: {  	s2 =	sld [smem:$0x3FAA]  }
0x29: {  	s4 =	sld [smem:$0x3FAC]  }
0x2a: {  	p0 =	seq.s32 s5, $0x0;
	s5 =	sld [smem:$0x3FAD]  }
0x2b: {  	s6 =	sld [smem:$0x3FAE]  }
0x2c: {  	s7 =	sld [smem:$0x3FAF]  }
0x2d: {  	s3 =	simm.s32 $0x108;
	s8 =	sld [smem:$0x3FB0]  }
0x2e: {  	s3 =	simm.s32 @!p0 $0x1082;
	s9 =	sld [smem:$0x3FB1]  }
0x2f: {  	lr =	sadd.s32 s0, s3;
	s0 =	sld [smem:$0x3FA8]  }
0x30: {  	s3 =	sld [smem:$0x3FAB]  }
0x31: {  	[smem:$0x3FB4] =	sst s10  }
0x32: {  	s10 =	sld [smem:$0x3FB2];
	_ =	sdelay $0x3  }
0x33: {  	p0 =	seq.s32 s10, $0x1;
	s10 =	sld [smem:$0x3FB4];
	_ =	sdelay $0x3  }
0x34: {  	[smem:$0x3FB4] =	sst s10  }
0x35: {  	s10 =	sld [smem:$0x3FB3];
	_ =	sdelay $0x3  }
0x36: {  	p1 =	seq.s32 s10, $0x1;
	s10 =	sld [smem:$0x3FB4];
	_ =	sdelay $0x3  }
0x37: {  	[smem:$0x3FB4] =	sst s10  }
0x38: {  	s10 =	sld [smem:$0x3FB5]  }
0x39: {  	_ = 	snop;
	(pc) =	sbr.ind lr, $3  }
0x3a: {  	_ = 	snop  }
0x3b: {  	_ = 	snop  }
0x3c: {  	p2 =	seq.s32 s10, $0x1;
	s10 =	sld [smem:$0x3FB4]  }
0x3d: {  	_ =	shalt  }
0x3e: {  	_ =	shalt  }
0x3f: {  	_ =	shalt  }
0x40: {  	_ =	shalt  }
0x41: {  	_ =	shalt  }
0x42: {  	_ =	shalt  }
0x43: {  	_ =	shalt  }
0x44: {  	_ =	shalt  }
0x45: {  	_ =	shalt  }
0x46: {  	_ =	shalt  }
0x47: {  	_ =	shalt  }
0x48: {  	_ =	shalt  }
0x49: {  	_ =	shalt  }
0x4a: {  	_ =	shalt  }
0x4b: {  	_ =	shalt  }
0x4c: {  	_ =	shalt  }
0x4d: {  	_ =	shalt  }
0x4e: {  	_ =	shalt  }
0x4f: {  	_ =	shalt  }
0x50: {  	_ =	shalt  }
0x51: {  	_ =	shalt  }
0x52: {  	_ =	shalt  }
0x53: {  	_ =	shalt  }
0x54: {  	_ =	shalt  }
0x55: {  	_ =	shalt  }
0x56: {  	_ =	shalt  }
0x57: {  	_ =	shalt  }
0x58: {  	_ =	shalt  }
0x59: {  	_ =	shalt  }
0x5a: {  	_ =	shalt  }
0x5b: {  	_ =	shalt  }
0x5c: {  	_ =	shalt  }
0x5d: {  	_ =	shalt  }
0x5e: {  	_ =	shalt  }
0x5f: {  	_ =	shalt  }
0x60: {  	_ =	shalt  }
0x61: {  	_ =	shalt  }
0x62: {  	_ =	shalt  }
0x63: {  	_ =	shalt  }
0x64: {  	_ =	shalt  }
0x65: {  	_ =	shalt  }
0x66: {  	_ =	shalt  }
0x67: {  	_ =	shalt  }
0x68: {  	_ =	shalt  }
0x69: {  	_ =	shalt  }
0x6a: {  	_ =	shalt  }
0x6b: {  	_ =	shalt  }
0x6c: {  	_ =	shalt  }
0x6d: {  	_ =	shalt  }
0x6e: {  	_ =	shalt  }
0x6f: {  	_ =	shalt  }
0x70: {  	_ =	shalt  }
0x71: {  	_ =	shalt  }
0x72: {  	_ =	shalt  }
0x73: {  	_ =	shalt  }
0x74: {  	_ =	shalt  }
0x75: {  	_ =	shalt  }
0x76: {  	_ =	shalt  }
0x77: {  	_ =	shalt  }
0x78: {  	_ =	shalt  }
0x79: {  	_ =	shalt  }
0x7a: {  	_ =	shalt  }
0x7b: {  	_ =	shalt  }
0x7c: {  	_ =	shalt  }
0x7d: {  	_ =	shalt  }
0x7e: {  	_ =	shalt  }
0x7f: {  	_ =	shalt  }
0x80: {  	_ =	shalt  }
0x81: {  	_ =	shalt  }
0x82: {  	_ =	shalt  }
0x83: {  	_ =	shalt  }
0x84: {  	_ =	shalt  }
0x85: {  	_ =	shalt  }
0x86: {  	_ =	shalt  }
0x87: {  	_ =	shalt  }
.Lfunc_end0:
.L_simem_size_0:
called_computation_lowered:
.L_overlay_start_0:
0x88: {  	s2 =	sld [smem:$0x3FD9]  }
0x89: {  	s3 =	sld [smem:$0x3FFE];
	_ =	sdelay $0x1  }
0x8a: {  	s1 =	srdreg.scid  }
0x8b: {  	s0 =	sand.u32 $0x1, s1  }
0x8c: {  	s17 =	sshll.u32 s0, $0xA;
	s2 =	sadd.s32 s3, s2  }
0x8d: {  	s2 =	sadd.s32 s2, s17  }
0x8e: {  	[smem:$0x3FC0] =	sst s2  }
0x8f: {  	_ = 	snop  }
0x90: {  	(tm) =	ssettm $0x1  }
0x91: {  	s18 =	sld [smem:$0x3FFB];
	_ =	sdelay $0x3  }
0x92: {  	_ =	strace s18  }
0x93: {  	s2 =	sld [smem:$0x3FFC];
	_ =	sdelay $0x3  }
0x94: {  	_ =	strace s2  }
0x95: {  	s2 =	sld [smem:$0x3FFD];
	_ =	sdelay $0x3  }
0x96: {  	_ =	strace s2  }
0x97: {  	_ =	strace $0x8FFFFFFF  }
0x98: {  	s19 =	sld [smem:$0x3FDB];
	_ =	sdelay $0x1  }
0x99: {  	s20 =	simm.s32 $_scs_section_size  }
0x9a: {  	s4 =	simm.s32 $_size__tile_overlayer_lowered;
	s5 =	simm.s32 $_tile_overlayer_lowered  }
0x9b: {  	s6 =	simm.s32 $0x1BFF;
	s21 =	sshll.u32 s5, $0x1;
	s3 =	sadd.s32 s20, s19  }
0x9c: {  	s22 =	simm.s32 $0x0;
	s4 =	sshll.u32 s4, $0x1;
	s5 =	sadd.s32 s21, s3  }
0x9d: {  	[timem:s22], [sflag:s6] =	dma.local [hbm:s5], s4  }
0x9e: {  	_ =	swait.ge [sflag:s6], s4  }
0x9f: {  	s4 =	ssub.s32 $0x0, s4;
	[sflag:s6] =	ssyncset.done $0x0  }
0xa0: {  	[sflag:s6] =	ssyncadd.s32 s4;
	_ =	sdelay $0x1  }
0xa1: {  	s23 =	simm.s32 $0x1B8B  }
0xa2: {  	_ =	swait.ge [sflag:s23], $0x1  }
0xa3: {  	[sflag:s23] =	ssyncset.done $0x0  }
0xa4: {  	[sflag:s23] =	ssyncadd.s32 $0xFFFFFFFF  }
0xa5: {  	s4 =	sld [smem:$0x0]  }
0xa6: {  	s5 =	sand.u32 $0xFFFFFFFE, s1  }
0xa7: {  	p0 =	sne.s32 s1, s5  }
0xa8: {  	s5 =	sshll.u32 @p0 s5, $0xE  }
0xa9: {  	s5 =	sadd.s32 @p0 $0x11B8D, s5;
	s6 =	sshll.u32 @p0 s4, $0x11  }
0xaa: {  	s5 =	sor.u32 @p0 s6, s5  }
0xab: {  	[sflag:s5] =	ssyncadd.remote.s32 @p0 $0x1;
	_ =	sdelay $0x1  }
0xac: {  	s5 =	simm.s32 @p0 $0x1B8D  }
0xad: {  	_ =	swait.eq @p0 [sflag:s5], $0x1  }
0xae: {  	[sflag:s5] =	ssyncadd.s32 @p0 $0xFFFFFFFF  }
0xaf: {  	s6 =	sshll.u32 @!p0 s1, $0xE  }
0xb0: {  	s6 =	sor.u32 @!p0 $0x4000, s6;
	s5 =	simm.s32 @!p0 $0x1B8D  }
0xb1: {  	s4 =	sshll.u32 @!p0 s4, $0x11;
	s6 =	sadd.s32 @!p0 $0x11B8D, s6;
	_ =	swait.eq @!p0 [sflag:s5], $0x1  }
0xb2: {  	s4 =	sor.u32 @!p0 s4, s6;
	[sflag:s5] =	ssyncadd.s32 @!p0 $0xFFFFFFFF  }
0xb3: {  	s25 =	simm.s32 $0x1B8E;
	s24 =	sld [smem:$0x3FFE];
	[sflag:s4] =	ssyncadd.remote.s32 @!p0 $0x1  }
0xb4: {  	s26 =	simm.s32 $execute0_lowered;
	[smem:$0x3FD2] =	sst s25  }
0xb5: {  	s5 =	sshll.u32 s26, $0x1;
	_ =	strace $0x80000049;
	[dreg:$0x1] =	wrdreg $0xFFFFFFFF  }
0xb6: {  	s28 =	simm.s32 $_size_execute0_lowered;
	s3 =	sadd.s32 s3, s5;
	[dreg:$0x0] =	wrdreg $0x0  }
0xb7: {  	s5 =	sshll.u32 s28, $0x1;
	[dreg:$0x2] =	wrdreg s3  }
0xb8: {  	[dreg:$0x3] =	wrdreg s5  }
0xb9: {  	[dreg:$0x4] =	wrdreg $0xC0  }
0xba: {  	_ =	task [dreg:s22], $0x5FFFF  }
0xbb: {  	[dreg:$0x1] =	wrdreg $0xFFFFFFFF  }
0xbc: {  	[dreg:$0x0] =	wrdreg $0x60  }
0xbd: {  	[dreg:$0x2] =	wrdreg s24  }
0xbe: {  	[dreg:$0x3] =	wrdreg $0x29000  }
0xbf: {  	[dreg:$0x4] =	wrdreg $0x9  }
0xc0: {  	_ =	task.clear_ibuf [dreg:s22], $0x5FFFF;
	_ =	strace $0x90000049  }
0xc1: {  	s29 =	simm.s32 $0x9;
	_ =	strace $0x8000004B  }
0xc2: {  	_ =	swait.ge [sflag:s29], $0x1  }
0xc3: {  	[sflag:s29] =	ssyncadd.s32 $0xFFFFFFFF  }
0xc4: {  	_ =	strace $0x9000004B  }
0xc5: {  	_ =	sfence  }
0xc6: {  	s30 =	sld [smem:$0x0];
	_ =	sdelay $0x2  }
0xc7: {  	s31 =	sshll.u32 s1, $0xD;
	s1 =	sshrl.u32 s1, $0x2  }
0xc8: {  	s4 =	sand.u32 $0x4000, s31;
	s1 =	sadd.s32 s1, s30  }
0xc9: {  	s0 =	sor.u32 s4, s0;
	s1 =	sshll.u32 s1, $0x11  }
0xca: {  	s0 =	sor.u32 s1, s0  }
0xcb: {  	s0 =	sadd.s32 $0x8F2B, s0  }
0xcc: {  	[sflag:s0] =	ssyncadd.remote.s32 $0x1  }
0xcd: {  	_ =	sfence.sel $0xFFFF  }
0xce: {  	[dreg:$0x0] =	wrdreg $0xFFFFFFFF;
	(pc) =	sbr.abs _section_cstart, $3  }
0xcf: {  	[dreg:$0x1] =	wrdreg $0xFFFFFFFF  }
0xd0: {  	_ =	task.clear_ibuf [dreg:s22], $0x2FFFF;
	_ =	strace $0x9FFFFFFF  }
0xd1: {  	(tm) =	ssettm $0x7FFFFFFF  }
tec
execute0_lowered:
.L_overlay_start_1:
0x0: {  	(tag) =	ssettag $0x1  }
0x1: {  	s0 =	rddreg [dreg:$0x0]  }
0x2: {  	s2 =	rddreg [dreg:$0x1]  }
0x3: {  	s1 =	srdreg.scid;
	s13 =	stileid.u32;
	s3 =	simm.s32 $0x0  }
0x4: {  	s28 =	simm.s32 $0x100;
	s29 =	simm.s32 $0x1;
	s30 =	simm.s32 $0x80  }
0x5: {  	s31 =	simm.s32 $0x50;
	s1 =	sand.u32 $0x1, s1;
	s4 =	smul.u32 $0x280, s13  }
0x6: {  	[smem:$0x7FF] =	sst s3;
	s6 =	sadd.s32 $0x66C00, s0;
	s21 =	smul.u32 $0x50000, s13  }
0x7: {  	s7 =	sadd.s32 $0x16600, s0;
	s9 =	sshll.u32 s13, $0x1;
	s19 =	smul.u32 $0x50A0, s13  }
0x8: {  	s5 =	smul.u32 $0x2800, s1;
	_ =	strace $0x8000004A;
	[dreg:$0x3] =	wrdreg s6  }
0x9: {  	[dreg:$0x4] =	wrdreg s7;
	s22 =	ssub.s32 $0x2, s1;
	s23 =	sor.u32 s1, s9  }
0xa: {  	s1 =	smul.u32 $0x2850, s1;
	s6 =	sshrl.u32 s21, $0x2;
	s8 =	sshrl.u32 s22, $0x1  }
0xb: {  	s4 =	sadd.s32 s4, s5;
	s5 =	sadd.s32 $0x2200, s0;
	s7 =	sadd.s32 s6, s2  }
0xc: {  	s6 =	smul.u32 $0x2850, s23;
	s1 =	sadd.s32 s1, s19;
	s4 =	sshll.u32 s4, $0x4  }
0xd: {  	s9 =	sadd.s32 $0x5000, s7;
	s10 =	sadd.s32 $0x7800, s7;
	s11 =	sadd.s32 $0xA000, s7  }
0xe: {  	s12 =	sadd.s32 $0xC800, s7;
	s13 =	sadd.s32 $0xF000, s7;
	s25 =	sadd.s32 $0x50, s1  }
0xf: {  	s0 =	sadd.s32 s4, s0;
	s4 =	ssub.s32 s22, s8;
	s6 =	sshrl.u32 s6, $0x3  }
0x10: {  	s8 =	sadd.s32 $0x2800, s7;
	s26 =	sshrl.u32 s25, $0x3;
	s6 =	sadd.s32 s5, s6  }
0x11: {  	s24 =	sadd.s32 $0x67200, s0;
	s16 =	sadd.s32 $0x67700, s0;
	s17 =	sadd.s32 $0x67C00, s0  }
0x12: {  	s18 =	sadd.s32 $0x68100, s0;
	s19 =	sadd.s32 $0x68600, s0;
	s20 =	sadd.s32 $0x68B00, s0  }
0x13: {  	s21 =	sadd.s32 $0x69000, s0;
	s22 =	sadd.s32 $0x69500, s0;
	s23 =	smax.u32 s4, $0x1  }
0x14: {  	s25 =	sadd.s32 s26, s5;
	s26 =	sadd.s32 $0x11800, s7;
	[dreg:$0x5] =	wrdreg s6  }
0x15: {  	s0 =	simm.s32 $0x0;
	[dreg:$0x6] =	wrdreg s24;
	s24 =	sadd.s32 $0xA0, s1  }
.LBB2_1:
0x16: {  	s1 =	rddreg [dreg:$0x4]  }
0x17: {  	[tilespmem:s28], [sflag:$0x1] =	stream.linear.gather [hbm4b:s1+s3], $0x2800, $0x38;
	[tilespmem:$0x16900] =	vst v63  }
0x18: {  	_ =	swait.ge [sflag:s29], $0x2800  }
0x19: {  	[sflag:s29] =	ssyncset.done $0x0  }
0x1a: {  	[sflag:s29] =	ssyncadd.s32 $0xFFFFD800  }
0x1b: {  	[spmem:s7] =	stream.linear.scatter [tilespmem:s28], [sflag:$0x1], $0x2800, $0x38;
	[tilespmem:$0x16900] =	vst v63  }
0x1c: {  	_ =	swait.ge [sflag:s29], $0x2800  }
0x1d: {  	[sflag:s29] =	ssyncset.done $0x0  }
0x1e: {  	[sflag:s29] =	ssyncadd.s32 $0xFFFFD800  }
0x1f: {  	[spmem:s8] =	stream.linear.scatter [tilespmem:s28], [sflag:$0x1], $0x2800, $0x38;
	[tilespmem:$0x16900] =	vst v63  }
0x20: {  	_ =	swait.ge [sflag:s29], $0x2800  }
0x21: {  	[sflag:s29] =	ssyncset.done $0x0  }
0x22: {  	[sflag:s29] =	ssyncadd.s32 $0xFFFFD800  }
0x23: {  	[spmem:s9] =	stream.linear.scatter [tilespmem:s28], [sflag:$0x1], $0x2800, $0x38;
	[tilespmem:$0x16900] =	vst v63  }
0x24: {  	_ =	swait.ge [sflag:s29], $0x2800  }
0x25: {  	[sflag:s29] =	ssyncset.done $0x0  }
0x26: {  	[sflag:s29] =	ssyncadd.s32 $0xFFFFD800  }
0x27: {  	[spmem:s10] =	stream.linear.scatter [tilespmem:s28], [sflag:$0x1], $0x2800, $0x38;
	[tilespmem:$0x16900] =	vst v63  }
0x28: {  	_ =	swait.ge [sflag:s29], $0x2800  }
0x29: {  	[sflag:s29] =	ssyncset.done $0x0  }
0x2a: {  	[sflag:s29] =	ssyncadd.s32 $0xFFFFD800  }
0x2b: {  	[spmem:s11] =	stream.linear.scatter [tilespmem:s28], [sflag:$0x1], $0x2800, $0x38;
	[tilespmem:$0x16900] =	vst v63  }
0x2c: {  	_ =	swait.ge [sflag:s29], $0x2800  }
0x2d: {  	[sflag:s29] =	ssyncset.done $0x0  }
0x2e: {  	[sflag:s29] =	ssyncadd.s32 $0xFFFFD800  }
0x2f: {  	[spmem:s12] =	stream.linear.scatter [tilespmem:s28], [sflag:$0x1], $0x2800, $0x38;
	[tilespmem:$0x16900] =	vst v63  }
0x30: {  	_ =	swait.ge [sflag:s29], $0x2800  }
0x31: {  	[sflag:s29] =	ssyncset.done $0x0  }
0x32: {  	[sflag:s29] =	ssyncadd.s32 $0xFFFFD800  }
0x33: {  	[spmem:s13] =	stream.linear.scatter [tilespmem:s28], [sflag:$0x1], $0x2800, $0x38;
	[tilespmem:$0x16900] =	vst v63  }
0x34: {  	_ =	swait.ge [sflag:s29], $0x2800  }
0x35: {  	[sflag:s29] =	ssyncset.done $0x0  }
0x36: {  	[sflag:s29] =	ssyncadd.s32 $0xFFFFD800  }
0x37: {  	[spmem:s26] =	stream.linear.scatter [tilespmem:s28], [sflag:$0x1], $0x2800, $0x38;
	[tilespmem:$0x16900] =	vst v63  }
0x38: {  	_ =	swait.ge [sflag:s29], $0x2800  }
0x39: {  	[sflag:s29] =	ssyncset.done $0x0  }
0x3a: {  	s4 =	rddreg [dreg:$0x3];
	[sflag:s29] =	ssyncadd.s32 $0xFFFFD800  }
0x3b: {  	[tilespmem:s28], [sflag:$0x1] =	stream.linear.gather [hbm4b:s4+s3], $0x2800, $0x38;
	[tilespmem:$0x16900] =	vst v63  }
0x3c: {  	_ =	swait.ge [sflag:s29], $0x2800  }
0x3d: {  	[sflag:s29] =	ssyncset.done $0x0  }
0x3e: {  	[sflag:s29] =	ssyncadd.s32 $0xFFFFD800  }
0x3f: {  	[bflag:$0x0] =	sbarrier.arrive $0xFFFF  }
0x40: {  	s6 =	rddreg [dreg:$0x5]  }
0x41: {  	[tilespmem:s3], [sflag:$0x1] =	stream.linear.gather [hbm4b:s6+s3], $0x50, $0x38;
	[tilespmem:$0x16900] =	vst v63  }
0x42: {  	_ =	swait.ge [sflag:s29], $0x50  }
0x43: {  	[sflag:s29] =	ssyncset.done $0x0  }
0x44: {  	s14 =	sadd.s32 $0x0, s25;
	[sflag:s29] =	ssyncadd.s32 $0xFFFFFFB0  }
0x45: {  	[tilespmem:s30], [sflag:$0x1] =	stream.linear.gather [hbm4b:s14+s3], $0x50, $0x38;
	[tilespmem:$0x16900] =	vst v63  }
0x46: {  	_ =	swait.ge [sflag:s29], $0x50  }
0x47: {  	[sflag:s29] =	ssyncset.done $0x0  }
0x48: {  	[sflag:s29] =	ssyncadd.s32 $0xFFFFFFB0  }
0x49: {  	[spmem:s2] =	stream.indirect.scatter.add.f32 [tilespmem:s28], [sflag:$0x1], $0x80, s3, s31, $0xb8;
	[tilespmem:$0x16900] =	vst v63  }
0x4a: {  	_ =	swait.ge [sflag:s29], $0x2800  }
0x4b: {  	s15 =	sshrl.u32 s24, $0x3;
	[sflag:s29] =	ssyncset.done $0x0  }
0x4c: {  	s1 =	sadd.s32 s5, s15;
	[sflag:s29] =	ssyncadd.s32 $0xFFFFD800  }
0x4d: {  	[tilespmem:s3], [sflag:$0x1] =	stream.linear.gather [hbm4b:s1+s3], $0x50, $0x38;
	[tilespmem:$0x16900] =	vst v63  }
0x4e: {  	_ =	swait.ge [sflag:s29], $0x50  }
0x4f: {  	[sflag:s29] =	ssyncset.done $0x0  }
0x50: {  	[sflag:s29] =	ssyncadd.s32 $0xFFFFFFB0  }
0x51: {  	[spmem:s2] =	stream.indirect.scatter.add.f32 [tilespmem:s28], [sflag:$0x1], $0x80, s30, s31, $0xb8;
	[tilespmem:$0x16900] =	vst v63  }
0x52: {  	s4 =	simm.s32 $0x14;
	_ =	swait.ge [sflag:s29], $0x2800  }
0x53: {  	s6 =	simm.s32 $0x28;
	s1 =	sadd.s32 $0xA0, s24;
	[sflag:s29] =	ssyncset.done $0x0  }
.LBB2_2:
0x54: {  	s14 =	sadd.s32 s4, s25  }
0x55: {  	[sflag:s29] =	ssyncadd.s32 $0xFFFFD800;
	s4 =	smov.u32 s6;
	s15 =	sadd.s32 $0x14, s6  }
0x56: {  	[tilespmem:s30], [sflag:$0x1] =	stream.linear.gather [hbm4b:s14+s3], $0x50, $0x38;
	[tilespmem:$0x16900] =	vst v63  }
0x57: {  	p0 =	sne.s32 s6, $0x4EC;
	_ =	swait.ge [sflag:s29], $0x50  }
0x58: {  	[sflag:s29] =	ssyncset.done $0x0  }
0x59: {  	[sflag:s29] =	ssyncadd.s32 $0xFFFFFFB0  }
0x5a: {  	[spmem:s2] =	stream.indirect.scatter.add.f32 [tilespmem:s28], [sflag:$0x1], $0x80, s3, s31, $0xb8;
	[tilespmem:$0x16900] =	vst v63  }
0x5b: {  	_ =	swait.ge [sflag:s29], $0x2800  }
0x5c: {  	s6 =	sshrl.u32 s1, $0x3;
	[sflag:s29] =	ssyncset.done $0x0  }
0x5d: {  	s6 =	sadd.s32 s5, s6;
	[sflag:s29] =	ssyncadd.s32 $0xFFFFD800  }
0x5e: {  	[tilespmem:s3], [sflag:$0x1] =	stream.linear.gather [hbm4b:s6+s3], $0x50, $0x38;
	[tilespmem:$0x16900] =	vst v63  }
0x5f: {  	_ =	swait.ge [sflag:s29], $0x50  }
.Ltmp0:
0x60: {  	[sflag:s29] =	ssyncset.done $0x0;
	(pc) =	sbr.rel @p0 .LBB2_2-.Ltmp0, $4  }
0x61: {  	[sflag:s29] =	ssyncadd.s32 $0xFFFFFFB0  }
0x62: {  	[spmem:s2] =	stream.indirect.scatter.add.f32 [tilespmem:s28], [sflag:$0x1], $0x80, s30, s31, $0xb8;
	[tilespmem:$0x16900] =	vst v63  }
0x63: {  	_ =	swait.ge [sflag:s29], $0x2800  }
0x64: {  	s1 =	sadd.s32 $0xA0, s1;
	s6 =	smov.u32 s15;
	[sflag:s29] =	ssyncset.done $0x0  }
0x65: {  	s4 =	sadd.s32 s4, s25;
	[sflag:s29] =	ssyncadd.s32 $0xFFFFD800  }
0x66: {  	[tilespmem:s30], [sflag:$0x1] =	stream.linear.gather [hbm4b:s4+s3], $0x50, $0x38;
	[tilespmem:$0x16900] =	vst v63  }
0x67: {  	_ =	swait.ge [sflag:s29], $0x50  }
0x68: {  	[sflag:s29] =	ssyncset.done $0x0  }
0x69: {  	[sflag:s29] =	ssyncadd.s32 $0xFFFFFFB0  }
0x6a: {  	[spmem:s2] =	stream.indirect.scatter.add.f32 [tilespmem:s28], [sflag:$0x1], $0x80, s3, s31, $0xb8;
	[tilespmem:$0x16900] =	vst v63  }
0x6b: {  	_ =	swait.ge [sflag:s29], $0x2800  }
0x6c: {  	s1 =	sshrl.u32 s1, $0x3;
	[sflag:s29] =	ssyncset.done $0x0  }
0x6d: {  	s1 =	sadd.s32 s5, s1;
	[sflag:s29] =	ssyncadd.s32 $0xFFFFD800  }
0x6e: {  	[tilespmem:s3], [sflag:$0x1] =	stream.linear.gather [hbm4b:s1+s3], $0x50, $0x38;
	[tilespmem:$0x16900] =	vst v63  }
0x6f: {  	_ =	swait.ge [sflag:s29], $0x50  }
0x70: {  	[sflag:s29] =	ssyncset.done $0x0  }
0x71: {  	[sflag:s29] =	ssyncadd.s32 $0xFFFFFFB0  }
0x72: {  	[spmem:s2] =	stream.indirect.scatter.add.f32 [tilespmem:s28], [sflag:$0x1], $0x80, s30, s31, $0xb8;
	[tilespmem:$0x16900] =	vst v63  }
0x73: {  	_ =	swait.ge [sflag:s29], $0x2800  }
0x74: {  	[sflag:s29] =	ssyncset.done $0x0  }
0x75: {  	[sflag:s29] =	ssyncadd.s32 $0xFFFFD800  }
0x76: {  	[bflag:$0x0] =	sbarrier.arrive $0xFFFF  }
0x77: {  	[tilespmem:s28], [sflag:$0x1] =	stream.linear.gather [spmem:s7], $0x2800, $0x38;
	[tilespmem:$0x16900] =	vst v63  }
0x78: {  	_ =	swait.ge [sflag:s29], $0x2800  }
0x79: {  	[sflag:s29] =	ssyncset.done $0x0  }
0x7a: {  	s15 =	rddreg [dreg:$0x6];
	[sflag:s29] =	ssyncadd.s32 $0xFFFFD800  }
0x7b: {  	[hbm4b:s15+s3] =	stream.linear.scatter [tilespmem:s28], [sflag:$0x1], $0x2800, $0x38;
	[tilespmem:$0x16900] =	vst v63  }
0x7c: {  	_ =	swait.ge [sflag:s29], $0x2800  }
0x7d: {  	[sflag:s29] =	ssyncset.done $0x0  }
0x7e: {  	[sflag:s29] =	ssyncadd.s32 $0xFFFFD800  }
0x7f: {  	[tilespmem:s28], [sflag:$0x1] =	stream.linear.gather [spmem:s8], $0x2800, $0x38;
	[tilespmem:$0x16900] =	vst v63  }
0x80: {  	_ =	swait.ge [sflag:s29], $0x2800  }
0x81: {  	[sflag:s29] =	ssyncset.done $0x0  }
0x82: {  	[sflag:s29] =	ssyncadd.s32 $0xFFFFD800  }
0x83: {  	[hbm4b:s16+s3] =	stream.linear.scatter [tilespmem:s28], [sflag:$0x1], $0x2800, $0x38;
	[tilespmem:$0x16900] =	vst v63  }
0x84: {  	_ =	swait.ge [sflag:s29], $0x2800  }
0x85: {  	[sflag:s29] =	ssyncset.done $0x0  }
0x86: {  	[sflag:s29] =	ssyncadd.s32 $0xFFFFD800  }
0x87: {  	[tilespmem:s28], [sflag:$0x1] =	stream.linear.gather [spmem:s9], $0x2800, $0x38;
	[tilespmem:$0x16900] =	vst v63  }
0x88: {  	_ =	swait.ge [sflag:s29], $0x2800  }
0x89: {  	[sflag:s29] =	ssyncset.done $0x0  }
0x8a: {  	[sflag:s29] =	ssyncadd.s32 $0xFFFFD800  }
0x8b: {  	[hbm4b:s17+s3] =	stream.linear.scatter [tilespmem:s28], [sflag:$0x1], $0x2800, $0x38;
	[tilespmem:$0x16900] =	vst v63  }
0x8c: {  	_ =	swait.ge [sflag:s29], $0x2800  }
0x8d: {  	[sflag:s29] =	ssyncset.done $0x0  }
0x8e: {  	[sflag:s29] =	ssyncadd.s32 $0xFFFFD800  }
0x8f: {  	[tilespmem:s28], [sflag:$0x1] =	stream.linear.gather [spmem:s10], $0x2800, $0x38;
	[tilespmem:$0x16900] =	vst v63  }
0x90: {  	_ =	swait.ge [sflag:s29], $0x2800  }
0x91: {  	[sflag:s29] =	ssyncset.done $0x0  }
0x92: {  	[sflag:s29] =	ssyncadd.s32 $0xFFFFD800  }
0x93: {  	[hbm4b:s18+s3] =	stream.linear.scatter [tilespmem:s28], [sflag:$0x1], $0x2800, $0x38;
	[tilespmem:$0x16900] =	vst v63  }
0x94: {  	_ =	swait.ge [sflag:s29], $0x2800  }
0x95: {  	[sflag:s29] =	ssyncset.done $0x0  }
0x96: {  	[sflag:s29] =	ssyncadd.s32 $0xFFFFD800  }
0x97: {  	[tilespmem:s28], [sflag:$0x1] =	stream.linear.gather [spmem:s11], $0x2800, $0x38;
	[tilespmem:$0x16900] =	vst v63  }
0x98: {  	_ =	swait.ge [sflag:s29], $0x2800  }
0x99: {  	[sflag:s29] =	ssyncset.done $0x0  }
0x9a: {  	[sflag:s29] =	ssyncadd.s32 $0xFFFFD800  }
0x9b: {  	[hbm4b:s19+s3] =	stream.linear.scatter [tilespmem:s28], [sflag:$0x1], $0x2800, $0x38;
	[tilespmem:$0x16900] =	vst v63  }
0x9c: {  	_ =	swait.ge [sflag:s29], $0x2800  }
0x9d: {  	[sflag:s29] =	ssyncset.done $0x0  }
0x9e: {  	[sflag:s29] =	ssyncadd.s32 $0xFFFFD800  }
0x9f: {  	[tilespmem:s28], [sflag:$0x1] =	stream.linear.gather [spmem:s12], $0x2800, $0x38;
	[tilespmem:$0x16900] =	vst v63  }
0xa0: {  	_ =	swait.ge [sflag:s29], $0x2800  }
0xa1: {  	[sflag:s29] =	ssyncset.done $0x0  }
0xa2: {  	[sflag:s29] =	ssyncadd.s32 $0xFFFFD800  }
0xa3: {  	[hbm4b:s20+s3] =	stream.linear.scatter [tilespmem:s28], [sflag:$0x1], $0x2800, $0x38;
	[tilespmem:$0x16900] =	vst v63  }
0xa4: {  	_ =	swait.ge [sflag:s29], $0x2800  }
0xa5: {  	[sflag:s29] =	ssyncset.done $0x0  }
0xa6: {  	[sflag:s29] =	ssyncadd.s32 $0xFFFFD800  }
0xa7: {  	[tilespmem:s28], [sflag:$0x1] =	stream.linear.gather [spmem:s13], $0x2800, $0x38;
	[tilespmem:$0x16900] =	vst v63  }
0xa8: {  	_ =	swait.ge [sflag:s29], $0x2800  }
0xa9: {  	[sflag:s29] =	ssyncset.done $0x0  }
0xaa: {  	[sflag:s29] =	ssyncadd.s32 $0xFFFFD800  }
0xab: {  	[hbm4b:s21+s3] =	stream.linear.scatter [tilespmem:s28], [sflag:$0x1], $0x2800, $0x38;
	[tilespmem:$0x16900] =	vst v63  }
0xac: {  	_ =	swait.ge [sflag:s29], $0x2800  }
0xad: {  	[sflag:s29] =	ssyncset.done $0x0  }
0xae: {  	[sflag:s29] =	ssyncadd.s32 $0xFFFFD800  }
0xaf: {  	[tilespmem:s28], [sflag:$0x1] =	stream.linear.gather [spmem:s26], $0x2800, $0x38;
	[tilespmem:$0x16900] =	vst v63  }
0xb0: {  	s0 =	sadd.s32 $0x1, s0;
	_ =	swait.ge [sflag:s29], $0x2800  }
0xb1: {  	p0 =	sne.s32 s0, s23;
	[sflag:s29] =	ssyncset.done $0x0  }
.Ltmp1:
0xb2: {  	[sflag:s29] =	ssyncadd.s32 $0xFFFFD800;
	(pc) =	sbr.rel @p0 .LBB2_1-.Ltmp1, $4  }
0xb3: {  	[hbm4b:s22+s3] =	stream.linear.scatter [tilespmem:s28], [sflag:$0x1], $0x2800, $0x38;
	[tilespmem:$0x16900] =	vst v63  }
0xb4: {  	_ =	swait.ge [sflag:s29], $0x2800  }
0xb5: {  	[sflag:s29] =	ssyncset.done $0x0  }
0xb6: {  	[sflag:s29] =	ssyncadd.s32 $0xFFFFD800  }
0xb7: {  	_ =	sfence.sel $0x180000  }
0xb8: {  	[bflag:$0x0] =	sbarrier.arrive $0xFFFF  }
0xb9: {  	_ =	strace $0x9000004A  }
0xba: {  	s0 =	stileid.u32;
	[bflag:$0x2] =	sbarrier.arrive $0xFFFF  }
0xbb: {  	p0 =	sne.s32 s0, $0x0;
	s0 =	rddreg [dreg:$0x2]  }
0xbc: {  	s0 =	sadd.s32 @!p0 $0x100000, s0  }
0xbd: {  	[sflag:s0] =	ssyncadd.tile.s32 @!p0 $0x1;
	_ =	shalt  }
.Lfunc_end2:
_tile_overlayer_lowered:
.L_overlay_start_2:
0xbe: {  	(tag) =	ssettag $0x2  }
0xbf: {  	s0 =	rddreg [dreg:$0x0];
	s2 =	stileid.u32  }
0xc0: {  	s1 =	rddreg [dreg:$0x1];
	p0 =	sne.s32 s2, $0x0  }
0xc1: {  	s3 =	rddreg [dreg:$0x2];
	[bflag:$0x3] =	sbarrier.arrive $0xFFFF;
	s2 =	simm.s32 @!p0 $0x1C01  }
0xc2: {  	[timem:s3], [sflag:s2] =	dma.local @!p0 [hbm:s0], s1  }
0xc3: {  	s0 =	simm.s32 @!p0 $0x1  }
0xc4: {  	_ =	swait.ge @!p0 [sflag:s0], s1  }
0xc5: {  	s1 =	ssub.s32 @!p0 $0x0, s1;
	[sflag:s0] =	ssyncset.done @!p0 $0x0  }
0xc6: {  	[sflag:s0] =	ssyncadd.s32 @!p0 s1  }
0xc7: {  	[bflag:$0x3] =	sbarrier.arrive $0xFFFF  }
0xc8: {  	_ =	shalt  }

</sc_bundles>
